<compile_context>
chip_gen: v7x
topology: tpu7x:2x2x1
jax: 0.10.2.dev20260603
libtpu: 0.0.44.dev20260713+nightly
codegen_flags: <defaults>
</compile_context>

<pallas_src>
import functools

import jax
import jax.numpy as jnp
import numpy as np
from jax import lax
from jax.experimental import pallas as pl
from jax.experimental.pallas import tpu as pltpu
from jax.experimental.pallas import tpu_sc as plsc

H, W = 240, 304
K = 10
R = 3
TAU = 1000000.0
DELTA_T = 100000.0
GH = (H + K - 1) // K
GW = (W + K - 1) // K
NC = GH * GW
S = 2 * R + 1
B = 8
TPAD = 2048

NSTREAMS = 8
CPS = NC // NSTREAMS
BIN = 64
CNT_LANE = 49
GPAD = 40
GWORDS = CPS * 2 * K * K + 2 * GPAD + 8
HWORDS = CPS * 2 * BIN
HALL = HWORDS + BIN
RECW = 8
WCAP = TPAD + 4

_lut = np.zeros((K * K, BIN), np.float32)
for _ly in range(K):
    for _lx in range(K):
        for _s in range(S * S):
            _r, _c = _ly + _s // S - R, _lx + _s % S - R
            if 0 <= _r < K and 0 <= _c < K:
                _lut[_ly * K + _lx, _s] = 1.0
_LUT = _lut.reshape(-1)


def _body(ev_hbm, len_hbm, lut_hbm, out_hbm, ev_v, len_v, lut_v,
          g_a, g_b, h_a, h_b, wrec):
    ci = lax.axis_index("c")
    si = lax.axis_index("s")
    wid = si * 2 + ci
    b = wid // 4
    grp = wid % 4
    lo_a = (grp * 2) * CPS
    lo_b = lo_a + CPS

    pltpu.sync_copy(ev_hbm.at[b], ev_v)
    pltpu.sync_copy(len_hbm, len_v)
    pltpu.sync_copy(lut_hbm, lut_v)

    iota16 = lax.iota(jnp.int32, 16)
    zeros16 = (iota16 * 0).astype(jnp.float32)
    ones16 = zeros16 + 1.0
    lane0 = iota16 == 0
    lenvec = len_v[pl.ds(0, 16)]
    length = jnp.sum(jnp.where(iota16 == b, lenvec, 0))

    def zero8(ref, i, base):
        for u in range(8):
            ref[pl.ds(base + i * 128 + u * 16, 16)] = zeros16

    def zero_g(i, c):
        zero8(g_a, i, 0)
        zero8(g_b, i, 0)
        return c

    lax.fori_loop(0, GWORDS // 128, zero_g, 0)

    def zero_h(i, c):
        zero8(h_a, i, 0)
        zero8(h_b, i, 0)
        return c

    lax.fori_loop(0, HALL // 128, zero_h, 0)

    off_t = []
    for k in range(4):
        s = iota16 + 16 * k
        in49 = s < S * S
        off_t.append(jnp.where(in49, (lax.div(s, S) - R) * K + (lax.rem(s, S) - R), 0))
    cnt_t = ((iota16 + 48) == CNT_LANE).astype(jnp.float32)

    def scan(k, offs):
        off_sa, off_sb = offs
        xi = ev_v[0, pl.ds(k * 16, 16)].astype(jnp.int32)
        yi = ev_v[1, pl.ds(k * 16, 16)].astype(jnp.int32)
        tv = ev_v[2, pl.ds(k * 16, 16)]
        pi = ev_v[3, pl.ds(k * 16, 16)].astype(jnp.int32)
        ch = lax.div(yi, K)
        cw = lax.div(xi, K)
        cid = ch * GW + cw
        lyv = yi - ch * K
        lxv = xi - cw * K
        idxv = k * 16 + iota16
        valid = idxv < length
        e_v = jnp.exp(tv * (1.0 / TAU))
        inv_v = jnp.exp(tv * (-1.0 / TAU))
        cp = cid * 2 + pi
        gq = cp * (K * K) + lyv * K + lxv + GPAD
        hq = cp * BIN
        mbase = (lyv * K + lxv) * BIN

        m_a = valid & (cid >= lo_a) & (cid < lo_a + CPS)
        m_b = valid & (cid >= lo_b) & (cid < lo_b + CPS)
        cs_a = jnp.cumsum(m_a.astype(jnp.int32))
        cs_b = jnp.cumsum(m_b.astype(jnp.int32))
        pos_a = (off_sa + cs_a - 1) * RECW
        pos_b = (WCAP * RECW) + (off_sb + cs_b - 1) * RECW
        m = m_a | m_b
        pos = jnp.where(m_a, pos_a, pos_b)
        lo = jnp.where(m_a, lo_a, lo_b)
        plsc.store_scatter(wrec, [pos], tv, mask=m)
        plsc.store_scatter(wrec, [pos + 1], e_v, mask=m)
        plsc.store_scatter(wrec, [pos + 2], inv_v, mask=m)
        plsc.store_scatter(wrec, [pos + 3],
                           plsc.bitcast(gq - lo * (2 * K * K), jnp.float32),
                           mask=m)
        plsc.store_scatter(wrec, [pos + 4],
                           plsc.bitcast(hq - lo * (2 * BIN), jnp.float32),
                           mask=m)
        plsc.store_scatter(wrec, [pos + 5],
                           plsc.bitcast(mbase, jnp.float32), mask=m)
        return (off_sa + jnp.full((16,), cs_a[15], jnp.int32),
                off_sb + jnp.full((16,), cs_b[15], jnp.int32))

    zi = iota16 * 0
    nwv_a, nwv_b = lax.fori_loop(0, TPAD // 16, scan, (zi, zi))
    nw_a = nwv_a[0]
    nw_b = nwv_b[0]

    r8 = lax.rem(iota16, 8)
    fpart = jnp.where(r8 == 0, -1e30, jnp.where(r8 == 1, 1.0, 0.0))
    ipart = jnp.where(r8 == 3, GPAD, jnp.where(r8 == 4, HWORDS, 0))
    dummy = jnp.where(r8 < 3, fpart, plsc.bitcast(ipart, jnp.float32))
    wrec[pl.ds(nw_a * RECW, 16)] = dummy
    wrec[pl.ds((nw_a + 2) * RECW, 16)] = dummy
    wrec[pl.ds((WCAP + nw_b) * RECW, 16)] = dummy
    wrec[pl.ds((WCAP + nw_b + 2) * RECW, 16)] = dummy

    ctr_t = ((iota16 + 16) == (R * S + R)).astype(jnp.float32)

    def step(rbase, g_v, h_v, i, nw, carry):
        L, texp = carry
        ii = rbase + jnp.minimum(4 * i, nw)
        ii2 = rbase + jnp.minimum(4 * i + 2, nw)
        va = wrec[pl.ds(ii * RECW, 16)]
        vb = wrec[pl.ds(ii2 * RECW, 16)]
        via = plsc.bitcast(va, jnp.int32)
        vib = plsc.bitcast(vb, jnp.int32)
        for v16, vi16, half in ((va, via, 0), (va, via, 8),
                                (vb, vib, 0), (vb, vib, 8)):
            cutoff = v16[half] - DELTA_T

            def cond(c):
                return c[1] < cutoff

            def expire(c):
                Lc, _ = c
                rv = wrec[pl.ds((rbase + Lc) * RECW, 16)]
                rvi = plsc.bitcast(rv, jnp.int32)
                plsc.addupdate_scatter(
                    g_v, [jnp.full((16,), rvi[3], jnp.int32)],
                    zeros16 - jnp.full((16,), rv[1], jnp.float32), mask=lane0)
                nxt = wrec[pl.ds((rbase + Lc + 1) * RECW, 16)]
                return (Lc + 1, nxt[0])

            L, texp = lax.while_loop(cond, expire, (L, texp))

            giv = jnp.full((16,), vi16[half + 3], jnp.int32)
            invv = jnp.full((16,), v16[half + 2], jnp.float32)
            hbv = jnp.full((16,), vi16[half + 4], jnp.int32) + iota16
            mbv = jnp.full((16,), vi16[half + 5], jnp.int32) + iota16
            for k in range(4):
                gval = plsc.load_gather(g_v, [giv + off_t[k]])
                mk = plsc.load_gather(lut_v, [mbv + 16 * k])
                vals = gval * (mk * invv)
                if k == 1:
                    vals = vals + ctr_t
                if k == 3:
                    vals = vals + cnt_t
                plsc.addupdate_scatter(h_v, [hbv + 16 * k], vals)
            plsc.addupdate_scatter(
                g_v, [giv], jnp.full((16,), v16[half + 1], jnp.float32),
                mask=lane0)
        return (L, texp)

    texp_a = wrec[pl.ds(0, 16)][0]
    texp_b = wrec[pl.ds(WCAP * RECW, 16)][0]

    def proc(i, carry):
        ca, cb = carry
        ca = step(0, g_a, h_a, i, nw_a, ca)
        cb = step(WCAP, g_b, h_b, i, nw_b, cb)
        return (ca, cb)

    lax.fori_loop(0, lax.div(jnp.maximum(nw_a, nw_b) + 3, 4), proc,
                  ((jnp.int32(0), texp_a), (jnp.int32(0), texp_b)))

    def norm1(h_v, c):
        cnt = (h_v[pl.ds(c * (2 * BIN) + 48, 16)][CNT_LANE - 48]
               + h_v[pl.ds(c * (2 * BIN) + BIN + 48, 16)][CNT_LANE - 48])
        scale = ones16 / jnp.full((16,), cnt + 1e-6, jnp.float32)
        for k in range(2 * BIN // 16):
            sl = pl.ds(c * (2 * BIN) + k * 16, 16)
            h_v[sl] = h_v[sl] * scale

    def norm(c, carry):
        norm1(h_a, c)
        norm1(h_b, c)
        return carry

    lax.fori_loop(0, CPS, norm, 0)

    base = (b * NC + lo_a) * (2 * BIN)
    pltpu.sync_copy(h_a.at[pl.ds(0, HWORDS)], out_hbm.at[pl.ds(base, HWORDS)])
    pltpu.sync_copy(h_b.at[pl.ds(0, HWORDS)],
                    out_hbm.at[pl.ds(base + HWORDS, HWORDS)])


@jax.jit
def _hats_sc(comp, len16, lut):
    mesh = plsc.VectorSubcoreMesh(core_axis_name="c", subcore_axis_name="s",
                                  num_cores=2, num_subcores=16)
    f = pl.kernel(
        _body,
        out_type=jax.ShapeDtypeStruct((B * NC * 2 * BIN,), jnp.float32),
        mesh=mesh,
        compiler_params=pltpu.CompilerParams(needs_layout_passes=False),
        scratch_types=[
            pltpu.VMEM((4, TPAD), jnp.float32),
            pltpu.VMEM((16,), jnp.int32),
            pltpu.VMEM((K * K * BIN,), jnp.float32),
            pltpu.VMEM((GWORDS,), jnp.float32),
            pltpu.VMEM((GWORDS,), jnp.float32),
            pltpu.VMEM((HALL,), jnp.float32),
            pltpu.VMEM((HALL,), jnp.float32),
            pltpu.VMEM((2 * WCAP * RECW,), jnp.float32),
        ],
    )
    return f(comp, len16, lut)


def kernel(events, lengths):
    comp = jnp.transpose(events, (0, 2, 1))
    len16 = jnp.zeros((16,), jnp.int32).at[:B].set(lengths.astype(jnp.int32))
    flat = _hats_sc(comp, len16, jnp.asarray(_LUT))
    out = flat.reshape(B, NC, 2, BIN)[..., :S * S]
    return out.reshape(B, NC, 2, S, S)

# --- scband reference (transcript-rebuilt; emitter-appended) ---
"""Pipeline reference for scband-hats-56925496541933 (READ-ONLY COPY).

The authoritative reference and input builder live on the scoring server;
editing this copy changes nothing except your own understanding.
"""

import jax, jax.numpy as jnp
import numpy as np

H, W = 240, 304
K = 10
R = 3
TAU = 1000000.0
DELTA_T = 100000.0
PH = ((H + K - 1) // K) * K
PW = ((W + K - 1) // K) * K
GH = PH // K
GW = PW // K
NC = GH * GW
S = 2 * R + 1
B = 8
TPAD = 2048


def setup_inputs(seed: int = 0):
    key = jax.random.key(seed)
    kx, ky, kt, kp, kl = jax.random.split(key, 5)
    x = jax.random.randint(kx, (B, TPAD), 0, W).astype(jnp.float32)
    y = jax.random.randint(ky, (B, TPAD), 0, H).astype(jnp.float32)
    t = jnp.sort(jax.random.uniform(kt, (B, TPAD), minval=0.0, maxval=1000000.0), axis=1)
    p = jax.random.randint(kp, (B, TPAD), 0, 2).astype(jnp.float32)
    events = jnp.stack([x, y, t, p], axis=-1)
    lengths = jax.random.randint(kl, (B,), TPAD // 2, TPAD + 1)
    return {"events": events, "lengths": lengths}


def _hats_one(ev, length):
    # ev: [TPAD, 4] with (x, y, t, p); length: scalar int
    x = ev[:, 0]
    y = ev[:, 1]
    t = ev[:, 2]
    p = ev[:, 3]
    xi = x.astype(jnp.int32)
    yi = y.astype(jnp.int32)
    pi = p.astype(jnp.int32)
    ch = yi // K
    cw = xi // K
    cid = ch * GW + cw  # coord2cellid lookup
    idx = jnp.arange(TPAD)
    valid = idx < length
    # pairwise: i = current event (rows), j = past event (cols)
    dt = t[:, None] - t[None, :]
    same_cell = cid[:, None] == cid[None, :]
    same_pol = pi[:, None] == pi[None, :]
    causal = idx[None, :] <= idx[:, None]
    temporal = (dt >= 0.0) & (dt <= DELTA_T)
    dx = xi[None, :] - xi[:, None] + R
    dy = yi[None, :] - yi[:, None] + R
    spatial = (dx >= 0) & (dx <= 2 * R) & (dy >= 0) & (dy <= 2 * R)
    mask = same_cell & same_pol & causal & temporal & spatial & valid[:, None] & valid[None, :]
    w = jnp.where(mask, jnp.exp(-dt / TAU), 0.0)
    dxc = jnp.clip(dx, 0, 2 * R)
    dyc = jnp.clip(dy, 0, 2 * R)
    flat_idx = ((cid[:, None] * 2 + pi[:, None]) * S + dyc) * S + dxc
    hist = jnp.zeros((NC * 2 * S * S,), ev.dtype).at[flat_idx.reshape(-1)].add(w.reshape(-1))
    hist = hist.reshape(NC, 2, S, S)
    counts = jnp.zeros((NC,), ev.dtype).at[cid].add(valid.astype(ev.dtype))
    hist = hist / (counts[:, None, None, None] + 1e-6)
    return hist


def reference(events, lengths):
    lengths = lengths.astype(jnp.int32)
    outs = [_hats_one(events[b], lengths[b]) for b in range(events.shape[0])]
    return jnp.stack(outs, axis=0)  # [B, NCells, 2, 2R+1, 2R+1]

if __name__ == "__main__":
    import jax
    _d = setup_inputs()
    print(jax.jit(kernel)(*tuple(_d.values())))

</pallas_src>

<mosaic_0001>
#map = affine_map<(d0, d1) -> (0, 0, 0)>
#map1 = affine_map<(d0, d1) -> (0)>
module attributes {stable_mosaic.version = 14 : i64} {
  func.func @_body(%arg0: i32, %arg1: i32, %arg2: memref<8x4x2048xf32, #tpu.memory_space<hbm>>, %arg3: memref<16xi32, #tpu.memory_space<hbm>>, %arg4: memref<6400xf32, #tpu.memory_space<hbm>>, %arg5: memref<761856xf32, #tpu.memory_space<hbm>>, %arg6: memref<4x2048xf32, #tpu.memory_space<vmem>>, %arg7: memref<16xi32, #tpu.memory_space<vmem>>, %arg8: memref<6400xf32, #tpu.memory_space<vmem>>, %arg9: memref<18688xf32, #tpu.memory_space<vmem>>, %arg10: memref<18688xf32, #tpu.memory_space<vmem>>, %arg11: memref<11968xf32, #tpu.memory_space<vmem>>, %arg12: memref<11968xf32, #tpu.memory_space<vmem>>, %arg13: memref<32832xf32, #tpu.memory_space<vmem>>) attributes {dimension_semantics = [#tpu.dimension_semantics<core_parallel>, #tpu.dimension_semantics<subcore_parallel>], iteration_bounds = array<i64: 2, 16>, scalar_prefetch = 0 : i64, scratch_operands = 8 : i64, tpu.core_type = #tpu.core_type<sc_vector_subcore>, window_params = [{transform_indices = #map}, {transform_indices = #map1}, {transform_indices = #map1}, {transform_indices = #map1}]} {
    %mul3A = arith.constant 2 : i32
    %mul3A_0 = arith.muli %arg1, %mul3A : i32
    %add3A = arith.addi %mul3A_0, %arg0 : i32
    %jit3A = arith.constant 4 : i32
    %div3A = arith.divsi %add3A, %jit3A : i32
    %sign3A = arith.constant 0 : i32
    %sign3A_1 = arith.cmpi sgt, %add3A, %sign3A : i32
    %sign3A_2 = arith.extui %sign3A_1 : i1 to i32
    %sign3A_3 = arith.constant 0 : i32
    %sign3A_4 = arith.cmpi slt, %add3A, %sign3A_3 : i32
    %sign3A_5 = arith.extui %sign3A_4 : i1 to i32
    %sign3A_6 = arith.subi %sign3A_2, %sign3A_5 : i32
    %sign3A_7 = arith.constant 0 : i32
    %sign3A_8 = arith.cmpi sgt, %jit3A, %sign3A_7 : i32
    %sign3A_9 = arith.extui %sign3A_8 : i1 to i32
    %sign3A_10 = arith.constant 0 : i32
    %sign3A_11 = arith.cmpi slt, %jit3A, %sign3A_10 : i32
    %sign3A_12 = arith.extui %sign3A_11 : i1 to i32
    %sign3A_13 = arith.subi %sign3A_9, %sign3A_12 : i32
    %ne3A = arith.cmpi ne, %sign3A_6, %sign3A_13 : i32
    %rem3A = arith.remsi %add3A, %jit3A : i32
    %ne3A_14 = arith.constant 0 : i32
    %ne3A_15 = arith.cmpi ne, %rem3A, %ne3A_14 : i32
    %and3A = arith.andi %ne3A, %ne3A_15 : i1
    %sub3A = arith.constant 1 : i32
    %sub3A_16 = arith.subi %div3A, %sub3A : i32
    %select_n3A = arith.select %and3A, %sub3A_16, %div3A : i32
    %jit3A_17 = arith.constant 4 : i32
    %eq3A = arith.constant 0 : i32
    %eq3A_18 = arith.cmpi eq, %jit3A_17, %eq3A : i32
    %jit3A_19 = arith.constant 1 : i32
    %select_n3A_20 = arith.select %eq3A_18, %jit3A_19, %jit3A_17 : i32
    %rem3A_21 = arith.remsi %add3A, %select_n3A_20 : i32
    %ne3A_22 = arith.constant 0 : i32
    %ne3A_23 = arith.cmpi ne, %rem3A_21, %ne3A_22 : i32
    %lt3A = arith.constant 0 : i32
    %lt3A_24 = arith.cmpi slt, %rem3A_21, %lt3A : i32
    %lt3A_25 = arith.constant 0 : i32
    %lt3A_26 = arith.cmpi slt, %select_n3A_20, %lt3A_25 : i32
    %ne3A_27 = arith.xori %lt3A_24, %lt3A_26 : i1
    %and3A_28 = arith.andi %ne3A_27, %ne3A_23 : i1
    %add3A_29 = arith.addi %rem3A_21, %select_n3A_20 : i32
    %select_n3A_30 = arith.select %and3A_28, %add3A_29, %rem3A_21 : i32
    %mul3A_31 = arith.constant 2 : i32
    %mul3A_32 = arith.muli %select_n3A_30, %mul3A_31 : i32
    %mul3A_33 = arith.constant 93 : i32
    %mul3A_34 = arith.muli %mul3A_32, %mul3A_33 : i32
    %add3A_35 = arith.constant 93 : i32
    %add3A_36 = arith.addi %mul3A_34, %add3A_35 : i32
    "tpu.region"() ({
      %run_scoped3A = tpu.sem_alloc : memref<!tpu.dma_semaphore, #tpu.memory_space<semaphore_mem>>
      %dma_start3A = arith.constant 0 : i32
      %dma_start3A_287 = arith.constant 0 : i32
      %dma_start3A_288 = tpu.memref_slice %arg2[%select_n3A, %dma_start3A, %dma_start3A_287] : memref<8x4x2048xf32, #tpu.memory_space<hbm>> -> memref<1x4x2048xf32, #tpu.memory_space<hbm>>
      %dma_start3A_289 = tpu.memref_squeeze %dma_start3A_288 : memref<1x4x2048xf32, #tpu.memory_space<hbm>> -> memref<4x2048xf32, #tpu.memory_space<hbm>>
      %dma_start3A_290 = arith.constant 0 : i32
      %dma_start3A_291 = arith.constant 0 : i32
      %dma_start3A_292 = tpu.memref_slice %arg2[%select_n3A, %dma_start3A_290, %dma_start3A_291] : memref<8x4x2048xf32, #tpu.memory_space<hbm>> -> memref<1x4x2048xf32, #tpu.memory_space<hbm>>
      %dma_start3A_293 = tpu.memref_squeeze %dma_start3A_292 : memref<1x4x2048xf32, #tpu.memory_space<hbm>> -> memref<4x2048xf32, #tpu.memory_space<hbm>>
      tpu.enqueue_dma source(%dma_start3A_293 : memref<4x2048xf32, #tpu.memory_space<hbm>>) target(%arg6 : memref<4x2048xf32, #tpu.memory_space<vmem>>) target_semaphore(%run_scoped3A : memref<!tpu.dma_semaphore, #tpu.memory_space<semaphore_mem>>)
      %dma_wait3A = arith.constant 0 : i32
      %dma_wait3A_294 = arith.constant 0 : i32
      %dma_wait3A_295 = tpu.memref_slice %arg2[%select_n3A, %dma_wait3A, %dma_wait3A_294] : memref<8x4x2048xf32, #tpu.memory_space<hbm>> -> memref<1x4x2048xf32, #tpu.memory_space<hbm>>
      %dma_wait3A_296 = tpu.memref_squeeze %dma_wait3A_295 : memref<1x4x2048xf32, #tpu.memory_space<hbm>> -> memref<4x2048xf32, #tpu.memory_space<hbm>>
      %dma_wait3A_297 = arith.constant 0 : i32
      %dma_wait3A_298 = arith.constant 0 : i32
      %dma_wait3A_299 = tpu.memref_slice %arg2[%select_n3A, %dma_wait3A_297, %dma_wait3A_298] : memref<8x4x2048xf32, #tpu.memory_space<hbm>> -> memref<1x4x2048xf32, #tpu.memory_space<hbm>>
      %dma_wait3A_300 = tpu.memref_squeeze %dma_wait3A_299 : memref<1x4x2048xf32, #tpu.memory_space<hbm>> -> memref<4x2048xf32, #tpu.memory_space<hbm>>
      tpu.wait_dma2 semaphore(%run_scoped3A : memref<!tpu.dma_semaphore, #tpu.memory_space<semaphore_mem>>) src(%dma_wait3A_300 : memref<4x2048xf32, #tpu.memory_space<hbm>>) dst(%arg6 : memref<4x2048xf32, #tpu.memory_space<vmem>>)
      tpu.yield
    }) : () -> ()
    "tpu.region"() ({
      %run_scoped3A = tpu.sem_alloc : memref<!tpu.dma_semaphore, #tpu.memory_space<semaphore_mem>>
      tpu.enqueue_dma source(%arg3 : memref<16xi32, #tpu.memory_space<hbm>>) target(%arg7 : memref<16xi32, #tpu.memory_space<vmem>>) target_semaphore(%run_scoped3A : memref<!tpu.dma_semaphore, #tpu.memory_space<semaphore_mem>>)
      tpu.wait_dma2 semaphore(%run_scoped3A : memref<!tpu.dma_semaphore, #tpu.memory_space<semaphore_mem>>) src(%arg3 : memref<16xi32, #tpu.memory_space<hbm>>) dst(%arg7 : memref<16xi32, #tpu.memory_space<vmem>>)
      tpu.yield
    }) : () -> ()
    "tpu.region"() ({
      %run_scoped3A = tpu.sem_alloc : memref<!tpu.dma_semaphore, #tpu.memory_space<semaphore_mem>>
      tpu.enqueue_dma source(%arg4 : memref<6400xf32, #tpu.memory_space<hbm>>) target(%arg8 : memref<6400xf32, #tpu.memory_space<vmem>>) target_semaphore(%run_scoped3A : memref<!tpu.dma_semaphore, #tpu.memory_space<semaphore_mem>>)
      tpu.wait_dma2 semaphore(%run_scoped3A : memref<!tpu.dma_semaphore, #tpu.memory_space<semaphore_mem>>) src(%arg4 : memref<6400xf32, #tpu.memory_space<hbm>>) dst(%arg8 : memref<6400xf32, #tpu.memory_space<vmem>>)
      tpu.yield
    }) : () -> ()
    %iota3A = tpu.iota {dimensions = array<i32: 0>} : vector<16xi32>
    %mul3A_37 = arith.constant 0 : i32
    %mul3A_38 = vector.broadcast %mul3A_37 : i32 to vector<16xi32>
    %mul3A_39 = arith.muli %iota3A, %mul3A_38 : vector<16xi32>
    %convert_element_type3A = arith.sitofp %mul3A_39 : vector<16xi32> to vector<16xf32>
    %add3A_40 = arith.constant 1.000000e+00 : f32
    %add3A_41 = vector.broadcast %add3A_40 : f32 to vector<16xf32>
    %add3A_42 = arith.addf %convert_element_type3A, %add3A_41 : vector<16xf32>
    %eq3A_43 = arith.constant 0 : i32
    %eq3A_44 = vector.broadcast %eq3A_43 : i32 to vector<16xi32>
    %eq3A_45 = arith.cmpi eq, %iota3A, %eq3A_44 : vector<16xi32>
    %get3A = arith.constant 0 : index
    %get3A_46 = tpu.vector_load %arg7[%get3A] {strides = array<i32>} : memref<16xi32, #tpu.memory_space<vmem>>, vector<16xi32>,
    %eq3A_47 = vector.broadcast %select_n3A : i32 to vector<16xi32>
    %eq3A_48 = arith.cmpi eq, %iota3A, %eq3A_47 : vector<16xi32>
    %jit3A_49 = arith.constant 0 : i32
    %broadcast_in_dim3A = vector.broadcast %jit3A_49 : i32 to vector<16xi32>
    %select_n3A_50 = arith.select %eq3A_48, %get3A_46, %broadcast_in_dim3A : vector<16xi1>, vector<16xi32>
    %reduce_sum3A = arith.constant true
    %reduce_sum3A_51 = vector.broadcast %reduce_sum3A : i1 to vector<16xi1>
    %reduce_sum3A_52 = tpu.scan <sum>, %select_n3A_50 masked %reduce_sum3A_51 : vector<16xi32>, vector<16xi1> -> vector<16xi32>
    %reduce_sum3A_53 = vector.extract %reduce_sum3A_52[15] : i32 from vector<16xi32>
    %scan3A = arith.constant 0 : i32
    %scan3A_54 = arith.constant 0 : i32
    %scan3A_55 = arith.constant 146 : i32
    %scan3A_56 = arith.addi %scan3A_54, %scan3A_55 : i32
    %scan3A_57 = arith.constant 1 : i32
    scf.for %scan3A_287 = %scan3A_54 to %scan3A_56 step %scan3A_57  : i32 {
      %mul3A_288 = arith.constant 128 : i32
      %mul3A_289 = arith.muli %scan3A_287, %mul3A_288 : i32
      %add3A_290 = arith.constant 0 : i32
      %add3A_291 = arith.addi %add3A_290, %mul3A_289 : i32
      %add3A_292 = arith.constant 0 : i32
      %add3A_293 = arith.addi %add3A_291, %add3A_292 : i32
      %swap3A_294 = arith.index_cast %add3A_293 : i32 to index
      %swap3A_295 = tpu.vector_load %arg9[%swap3A_294] {strides = array<i32>} : memref<18688xf32, #tpu.memory_space<vmem>>, vector<16xf32>,
      tpu.vector_store %arg9[%swap3A_294], %convert_element_type3A {strides = array<i32>} : memref<18688xf32, #tpu.memory_space<vmem>>, vector<16xf32>,
      %mul3A_296 = arith.constant 128 : i32
      %mul3A_297 = arith.muli %scan3A_287, %mul3A_296 : i32
      %add3A_298 = arith.constant 0 : i32
      %add3A_299 = arith.addi %add3A_298, %mul3A_297 : i32
      %add3A_300 = arith.constant 16 : i32
      %add3A_301 = arith.addi %add3A_299, %add3A_300 : i32
      %swap3A_302 = arith.index_cast %add3A_301 : i32 to index
      %swap3A_303 = tpu.vector_load %arg9[%swap3A_302] {strides = array<i32>} : memref<18688xf32, #tpu.memory_space<vmem>>, vector<16xf32>,
      tpu.vector_store %arg9[%swap3A_302], %convert_element_type3A {strides = array<i32>} : memref<18688xf32, #tpu.memory_space<vmem>>, vector<16xf32>,
      %mul3A_304 = arith.constant 128 : i32
      %mul3A_305 = arith.muli %scan3A_287, %mul3A_304 : i32
      %add3A_306 = arith.constant 0 : i32
      %add3A_307 = arith.addi %add3A_306, %mul3A_305 : i32
      %add3A_308 = arith.constant 32 : i32
      %add3A_309 = arith.addi %add3A_307, %add3A_308 : i32
      %swap3A_310 = arith.index_cast %add3A_309 : i32 to index
      %swap3A_311 = tpu.vector_load %arg9[%swap3A_310] {strides = array<i32>} : memref<18688xf32, #tpu.memory_space<vmem>>, vector<16xf32>,
      tpu.vector_store %arg9[%swap3A_310], %convert_element_type3A {strides = array<i32>} : memref<18688xf32, #tpu.memory_space<vmem>>, vector<16xf32>,
      %mul3A_312 = arith.constant 128 : i32
      %mul3A_313 = arith.muli %scan3A_287, %mul3A_312 : i32
      %add3A_314 = arith.constant 0 : i32
      %add3A_315 = arith.addi %add3A_314, %mul3A_313 : i32
      %add3A_316 = arith.constant 48 : i32
      %add3A_317 = arith.addi %add3A_315, %add3A_316 : i32
      %swap3A_318 = arith.index_cast %add3A_317 : i32 to index
      %swap3A_319 = tpu.vector_load %arg9[%swap3A_318] {strides = array<i32>} : memref<18688xf32, #tpu.memory_space<vmem>>, vector<16xf32>,
      tpu.vector_store %arg9[%swap3A_318], %convert_element_type3A {strides = array<i32>} : memref<18688xf32, #tpu.memory_space<vmem>>, vector<16xf32>,
      %mul3A_320 = arith.constant 128 : i32
      %mul3A_321 = arith.muli %scan3A_287, %mul3A_320 : i32
      %add3A_322 = arith.constant 0 : i32
      %add3A_323 = arith.addi %add3A_322, %mul3A_321 : i32
      %add3A_324 = arith.constant 64 : i32
      %add3A_325 = arith.addi %add3A_323, %add3A_324 : i32
      %swap3A_326 = arith.index_cast %add3A_325 : i32 to index
      %swap3A_327 = tpu.vector_load %arg9[%swap3A_326] {strides = array<i32>} : memref<18688xf32, #tpu.memory_space<vmem>>, vector<16xf32>,
      tpu.vector_store %arg9[%swap3A_326], %convert_element_type3A {strides = array<i32>} : memref<18688xf32, #tpu.memory_space<vmem>>, vector<16xf32>,
      %mul3A_328 = arith.constant 128 : i32
      %mul3A_329 = arith.muli %scan3A_287, %mul3A_328 : i32
      %add3A_330 = arith.constant 0 : i32
      %add3A_331 = arith.addi %add3A_330, %mul3A_329 : i32
      %add3A_332 = arith.constant 80 : i32
      %add3A_333 = arith.addi %add3A_331, %add3A_332 : i32
      %swap3A_334 = arith.index_cast %add3A_333 : i32 to index
      %swap3A_335 = tpu.vector_load %arg9[%swap3A_334] {strides = array<i32>} : memref<18688xf32, #tpu.memory_space<vmem>>, vector<16xf32>,
      tpu.vector_store %arg9[%swap3A_334], %convert_element_type3A {strides = array<i32>} : memref<18688xf32, #tpu.memory_space<vmem>>, vector<16xf32>,
      %mul3A_336 = arith.constant 128 : i32
      %mul3A_337 = arith.muli %scan3A_287, %mul3A_336 : i32
      %add3A_338 = arith.constant 0 : i32
      %add3A_339 = arith.addi %add3A_338, %mul3A_337 : i32
      %add3A_340 = arith.constant 96 : i32
      %add3A_341 = arith.addi %add3A_339, %add3A_340 : i32
      %swap3A_342 = arith.index_cast %add3A_341 : i32 to index
      %swap3A_343 = tpu.vector_load %arg9[%swap3A_342] {strides = array<i32>} : memref<18688xf32, #tpu.memory_space<vmem>>, vector<16xf32>,
      tpu.vector_store %arg9[%swap3A_342], %convert_element_type3A {strides = array<i32>} : memref<18688xf32, #tpu.memory_space<vmem>>, vector<16xf32>,
      %mul3A_344 = arith.constant 128 : i32
      %mul3A_345 = arith.muli %scan3A_287, %mul3A_344 : i32
      %add3A_346 = arith.constant 0 : i32
      %add3A_347 = arith.addi %add3A_346, %mul3A_345 : i32
      %add3A_348 = arith.constant 112 : i32
      %add3A_349 = arith.addi %add3A_347, %add3A_348 : i32
      %swap3A_350 = arith.index_cast %add3A_349 : i32 to index
      %swap3A_351 = tpu.vector_load %arg9[%swap3A_350] {strides = array<i32>} : memref<18688xf32, #tpu.memory_space<vmem>>, vector<16xf32>,
      tpu.vector_store %arg9[%swap3A_350], %convert_element_type3A {strides = array<i32>} : memref<18688xf32, #tpu.memory_space<vmem>>, vector<16xf32>,
      %mul3A_352 = arith.constant 128 : i32
      %mul3A_353 = arith.muli %scan3A_287, %mul3A_352 : i32
      %add3A_354 = arith.constant 0 : i32
      %add3A_355 = arith.addi %add3A_354, %mul3A_353 : i32
      %add3A_356 = arith.constant 0 : i32
      %add3A_357 = arith.addi %add3A_355, %add3A_356 : i32
      %swap3A_358 = arith.index_cast %add3A_357 : i32 to index
      %swap3A_359 = tpu.vector_load %arg10[%swap3A_358] {strides = array<i32>} : memref<18688xf32, #tpu.memory_space<vmem>>, vector<16xf32>,
      tpu.vector_store %arg10[%swap3A_358], %convert_element_type3A {strides = array<i32>} : memref<18688xf32, #tpu.memory_space<vmem>>, vector<16xf32>,
      %mul3A_360 = arith.constant 128 : i32
      %mul3A_361 = arith.muli %scan3A_287, %mul3A_360 : i32
      %add3A_362 = arith.constant 0 : i32
      %add3A_363 = arith.addi %add3A_362, %mul3A_361 : i32
      %add3A_364 = arith.constant 16 : i32
      %add3A_365 = arith.addi %add3A_363, %add3A_364 : i32
      %swap3A_366 = arith.index_cast %add3A_365 : i32 to index
      %swap3A_367 = tpu.vector_load %arg10[%swap3A_366] {strides = array<i32>} : memref<18688xf32, #tpu.memory_space<vmem>>, vector<16xf32>,
      tpu.vector_store %arg10[%swap3A_366], %convert_element_type3A {strides = array<i32>} : memref<18688xf32, #tpu.memory_space<vmem>>, vector<16xf32>,
      %mul3A_368 = arith.constant 128 : i32
      %mul3A_369 = arith.muli %scan3A_287, %mul3A_368 : i32
      %add3A_370 = arith.constant 0 : i32
      %add3A_371 = arith.addi %add3A_370, %mul3A_369 : i32
      %add3A_372 = arith.constant 32 : i32
      %add3A_373 = arith.addi %add3A_371, %add3A_372 : i32
      %swap3A_374 = arith.index_cast %add3A_373 : i32 to index
      %swap3A_375 = tpu.vector_load %arg10[%swap3A_374] {strides = array<i32>} : memref<18688xf32, #tpu.memory_space<vmem>>, vector<16xf32>,
      tpu.vector_store %arg10[%swap3A_374], %convert_element_type3A {strides = array<i32>} : memref<18688xf32, #tpu.memory_space<vmem>>, vector<16xf32>,
      %mul3A_376 = arith.constant 128 : i32
      %mul3A_377 = arith.muli %scan3A_287, %mul3A_376 : i32
      %add3A_378 = arith.constant 0 : i32
      %add3A_379 = arith.addi %add3A_378, %mul3A_377 : i32
      %add3A_380 = arith.constant 48 : i32
      %add3A_381 = arith.addi %add3A_379, %add3A_380 : i32
      %swap3A_382 = arith.index_cast %add3A_381 : i32 to index
      %swap3A_383 = tpu.vector_load %arg10[%swap3A_382] {strides = array<i32>} : memref<18688xf32, #tpu.memory_space<vmem>>, vector<16xf32>,
      tpu.vector_store %arg10[%swap3A_382], %convert_element_type3A {strides = array<i32>} : memref<18688xf32, #tpu.memory_space<vmem>>, vector<16xf32>,
      %mul3A_384 = arith.constant 128 : i32
      %mul3A_385 = arith.muli %scan3A_287, %mul3A_384 : i32
      %add3A_386 = arith.constant 0 : i32
      %add3A_387 = arith.addi %add3A_386, %mul3A_385 : i32
      %add3A_388 = arith.constant 64 : i32
      %add3A_389 = arith.addi %add3A_387, %add3A_388 : i32
      %swap3A_390 = arith.index_cast %add3A_389 : i32 to index
      %swap3A_391 = tpu.vector_load %arg10[%swap3A_390] {strides = array<i32>} : memref<18688xf32, #tpu.memory_space<vmem>>, vector<16xf32>,
      tpu.vector_store %arg10[%swap3A_390], %convert_element_type3A {strides = array<i32>} : memref<18688xf32, #tpu.memory_space<vmem>>, vector<16xf32>,
      %mul3A_392 = arith.constant 128 : i32
      %mul3A_393 = arith.muli %scan3A_287, %mul3A_392 : i32
      %add3A_394 = arith.constant 0 : i32
      %add3A_395 = arith.addi %add3A_394, %mul3A_393 : i32
      %add3A_396 = arith.constant 80 : i32
      %add3A_397 = arith.addi %add3A_395, %add3A_396 : i32
      %swap3A_398 = arith.index_cast %add3A_397 : i32 to index
      %swap3A_399 = tpu.vector_load %arg10[%swap3A_398] {strides = array<i32>} : memref<18688xf32, #tpu.memory_space<vmem>>, vector<16xf32>,
      tpu.vector_store %arg10[%swap3A_398], %convert_element_type3A {strides = array<i32>} : memref<18688xf32, #tpu.memory_space<vmem>>, vector<16xf32>,
      %mul3A_400 = arith.constant 128 : i32
      %mul3A_401 = arith.muli %scan3A_287, %mul3A_400 : i32
      %add3A_402 = arith.constant 0 : i32
      %add3A_403 = arith.addi %add3A_402, %mul3A_401 : i32
      %add3A_404 = arith.constant 96 : i32
      %add3A_405 = arith.addi %add3A_403, %add3A_404 : i32
      %swap3A_406 = arith.index_cast %add3A_405 : i32 to index
      %swap3A_407 = tpu.vector_load %arg10[%swap3A_406] {strides = array<i32>} : memref<18688xf32, #tpu.memory_space<vmem>>, vector<16xf32>,
      tpu.vector_store %arg10[%swap3A_406], %convert_element_type3A {strides = array<i32>} : memref<18688xf32, #tpu.memory_space<vmem>>, vector<16xf32>,
      %mul3A_408 = arith.constant 128 : i32
      %mul3A_409 = arith.muli %scan3A_287, %mul3A_408 : i32
      %add3A_410 = arith.constant 0 : i32
      %add3A_411 = arith.addi %add3A_410, %mul3A_409 : i32
      %add3A_412 = arith.constant 112 : i32
      %add3A_413 = arith.addi %add3A_411, %add3A_412 : i32
      %swap3A_414 = arith.index_cast %add3A_413 : i32 to index
      %swap3A_415 = tpu.vector_load %arg10[%swap3A_414] {strides = array<i32>} : memref<18688xf32, #tpu.memory_space<vmem>>, vector<16xf32>,
      tpu.vector_store %arg10[%swap3A_414], %convert_element_type3A {strides = array<i32>} : memref<18688xf32, #tpu.memory_space<vmem>>, vector<16xf32>,
    }
    %scan3A_58 = arith.constant 146 : i32
    %scan3A_59 = arith.constant 0 : i32
    %scan3A_60 = arith.constant 0 : i32
    %scan3A_61 = arith.constant 93 : i32
    %scan3A_62 = arith.addi %scan3A_60, %scan3A_61 : i32
    %scan3A_63 = arith.constant 1 : i32
    scf.for %scan3A_287 = %scan3A_60 to %scan3A_62 step %scan3A_63  : i32 {
      %mul3A_288 = arith.constant 128 : i32
      %mul3A_289 = arith.muli %scan3A_287, %mul3A_288 : i32
      %add3A_290 = arith.constant 0 : i32
      %add3A_291 = arith.addi %add3A_290, %mul3A_289 : i32
      %add3A_292 = arith.constant 0 : i32
      %add3A_293 = arith.addi %add3A_291, %add3A_292 : i32
      %swap3A_294 = arith.index_cast %add3A_293 : i32 to index
      %swap3A_295 = tpu.vector_load %arg11[%swap3A_294] {strides = array<i32>} : memref<11968xf32, #tpu.memory_space<vmem>>, vector<16xf32>,
      tpu.vector_store %arg11[%swap3A_294], %convert_element_type3A {strides = array<i32>} : memref<11968xf32, #tpu.memory_space<vmem>>, vector<16xf32>,
      %mul3A_296 = arith.constant 128 : i32
      %mul3A_297 = arith.muli %scan3A_287, %mul3A_296 : i32
      %add3A_298 = arith.constant 0 : i32
      %add3A_299 = arith.addi %add3A_298, %mul3A_297 : i32
      %add3A_300 = arith.constant 16 : i32
      %add3A_301 = arith.addi %add3A_299, %add3A_300 : i32
      %swap3A_302 = arith.index_cast %add3A_301 : i32 to index
      %swap3A_303 = tpu.vector_load %arg11[%swap3A_302] {strides = array<i32>} : memref<11968xf32, #tpu.memory_space<vmem>>, vector<16xf32>,
      tpu.vector_store %arg11[%swap3A_302], %convert_element_type3A {strides = array<i32>} : memref<11968xf32, #tpu.memory_space<vmem>>, vector<16xf32>,
      %mul3A_304 = arith.constant 128 : i32
      %mul3A_305 = arith.muli %scan3A_287, %mul3A_304 : i32
      %add3A_306 = arith.constant 0 : i32
      %add3A_307 = arith.addi %add3A_306, %mul3A_305 : i32
      %add3A_308 = arith.constant 32 : i32
      %add3A_309 = arith.addi %add3A_307, %add3A_308 : i32
      %swap3A_310 = arith.index_cast %add3A_309 : i32 to index
      %swap3A_311 = tpu.vector_load %arg11[%swap3A_310] {strides = array<i32>} : memref<11968xf32, #tpu.memory_space<vmem>>, vector<16xf32>,
      tpu.vector_store %arg11[%swap3A_310], %convert_element_type3A {strides = array<i32>} : memref<11968xf32, #tpu.memory_space<vmem>>, vector<16xf32>,
      %mul3A_312 = arith.constant 128 : i32
      %mul3A_313 = arith.muli %scan3A_287, %mul3A_312 : i32
      %add3A_314 = arith.constant 0 : i32
      %add3A_315 = arith.addi %add3A_314, %mul3A_313 : i32
      %add3A_316 = arith.constant 48 : i32
      %add3A_317 = arith.addi %add3A_315, %add3A_316 : i32
      %swap3A_318 = arith.index_cast %add3A_317 : i32 to index
      %swap3A_319 = tpu.vector_load %arg11[%swap3A_318] {strides = array<i32>} : memref<11968xf32, #tpu.memory_space<vmem>>, vector<16xf32>,
      tpu.vector_store %arg11[%swap3A_318], %convert_element_type3A {strides = array<i32>} : memref<11968xf32, #tpu.memory_space<vmem>>, vector<16xf32>,
      %mul3A_320 = arith.constant 128 : i32
      %mul3A_321 = arith.muli %scan3A_287, %mul3A_320 : i32
      %add3A_322 = arith.constant 0 : i32
      %add3A_323 = arith.addi %add3A_322, %mul3A_321 : i32
      %add3A_324 = arith.constant 64 : i32
      %add3A_325 = arith.addi %add3A_323, %add3A_324 : i32
      %swap3A_326 = arith.index_cast %add3A_325 : i32 to index
      %swap3A_327 = tpu.vector_load %arg11[%swap3A_326] {strides = array<i32>} : memref<11968xf32, #tpu.memory_space<vmem>>, vector<16xf32>,
      tpu.vector_store %arg11[%swap3A_326], %convert_element_type3A {strides = array<i32>} : memref<11968xf32, #tpu.memory_space<vmem>>, vector<16xf32>,
      %mul3A_328 = arith.constant 128 : i32
      %mul3A_329 = arith.muli %scan3A_287, %mul3A_328 : i32
      %add3A_330 = arith.constant 0 : i32
      %add3A_331 = arith.addi %add3A_330, %mul3A_329 : i32
      %add3A_332 = arith.constant 80 : i32
      %add3A_333 = arith.addi %add3A_331, %add3A_332 : i32
      %swap3A_334 = arith.index_cast %add3A_333 : i32 to index
      %swap3A_335 = tpu.vector_load %arg11[%swap3A_334] {strides = array<i32>} : memref<11968xf32, #tpu.memory_space<vmem>>, vector<16xf32>,
      tpu.vector_store %arg11[%swap3A_334], %convert_element_type3A {strides = array<i32>} : memref<11968xf32, #tpu.memory_space<vmem>>, vector<16xf32>,
      %mul3A_336 = arith.constant 128 : i32
      %mul3A_337 = arith.muli %scan3A_287, %mul3A_336 : i32
      %add3A_338 = arith.constant 0 : i32
      %add3A_339 = arith.addi %add3A_338, %mul3A_337 : i32
      %add3A_340 = arith.constant 96 : i32
      %add3A_341 = arith.addi %add3A_339, %add3A_340 : i32
      %swap3A_342 = arith.index_cast %add3A_341 : i32 to index
      %swap3A_343 = tpu.vector_load %arg11[%swap3A_342] {strides = array<i32>} : memref<11968xf32, #tpu.memory_space<vmem>>, vector<16xf32>,
      tpu.vector_store %arg11[%swap3A_342], %convert_element_type3A {strides = array<i32>} : memref<11968xf32, #tpu.memory_space<vmem>>, vector<16xf32>,
      %mul3A_344 = arith.constant 128 : i32
      %mul3A_345 = arith.muli %scan3A_287, %mul3A_344 : i32
      %add3A_346 = arith.constant 0 : i32
      %add3A_347 = arith.addi %add3A_346, %mul3A_345 : i32
      %add3A_348 = arith.constant 112 : i32
      %add3A_349 = arith.addi %add3A_347, %add3A_348 : i32
      %swap3A_350 = arith.index_cast %add3A_349 : i32 to index
      %swap3A_351 = tpu.vector_load %arg11[%swap3A_350] {strides = array<i32>} : memref<11968xf32, #tpu.memory_space<vmem>>, vector<16xf32>,
      tpu.vector_store %arg11[%swap3A_350], %convert_element_type3A {strides = array<i32>} : memref<11968xf32, #tpu.memory_space<vmem>>, vector<16xf32>,
      %mul3A_352 = arith.constant 128 : i32
      %mul3A_353 = arith.muli %scan3A_287, %mul3A_352 : i32
      %add3A_354 = arith.constant 0 : i32
      %add3A_355 = arith.addi %add3A_354, %mul3A_353 : i32
      %add3A_356 = arith.constant 0 : i32
      %add3A_357 = arith.addi %add3A_355, %add3A_356 : i32
      %swap3A_358 = arith.index_cast %add3A_357 : i32 to index
      %swap3A_359 = tpu.vector_load %arg12[%swap3A_358] {strides = array<i32>} : memref<11968xf32, #tpu.memory_space<vmem>>, vector<16xf32>,
      tpu.vector_store %arg12[%swap3A_358], %convert_element_type3A {strides = array<i32>} : memref<11968xf32, #tpu.memory_space<vmem>>, vector<16xf32>,
      %mul3A_360 = arith.constant 128 : i32
      %mul3A_361 = arith.muli %scan3A_287, %mul3A_360 : i32
      %add3A_362 = arith.constant 0 : i32
      %add3A_363 = arith.addi %add3A_362, %mul3A_361 : i32
      %add3A_364 = arith.constant 16 : i32
      %add3A_365 = arith.addi %add3A_363, %add3A_364 : i32
      %swap3A_366 = arith.index_cast %add3A_365 : i32 to index
      %swap3A_367 = tpu.vector_load %arg12[%swap3A_366] {strides = array<i32>} : memref<11968xf32, #tpu.memory_space<vmem>>, vector<16xf32>,
      tpu.vector_store %arg12[%swap3A_366], %convert_element_type3A {strides = array<i32>} : memref<11968xf32, #tpu.memory_space<vmem>>, vector<16xf32>,
      %mul3A_368 = arith.constant 128 : i32
      %mul3A_369 = arith.muli %scan3A_287, %mul3A_368 : i32
      %add3A_370 = arith.constant 0 : i32
      %add3A_371 = arith.addi %add3A_370, %mul3A_369 : i32
      %add3A_372 = arith.constant 32 : i32
      %add3A_373 = arith.addi %add3A_371, %add3A_372 : i32
      %swap3A_374 = arith.index_cast %add3A_373 : i32 to index
      %swap3A_375 = tpu.vector_load %arg12[%swap3A_374] {strides = array<i32>} : memref<11968xf32, #tpu.memory_space<vmem>>, vector<16xf32>,
      tpu.vector_store %arg12[%swap3A_374], %convert_element_type3A {strides = array<i32>} : memref<11968xf32, #tpu.memory_space<vmem>>, vector<16xf32>,
      %mul3A_376 = arith.constant 128 : i32
      %mul3A_377 = arith.muli %scan3A_287, %mul3A_376 : i32
      %add3A_378 = arith.constant 0 : i32
      %add3A_379 = arith.addi %add3A_378, %mul3A_377 : i32
      %add3A_380 = arith.constant 48 : i32
      %add3A_381 = arith.addi %add3A_379, %add3A_380 : i32
      %swap3A_382 = arith.index_cast %add3A_381 : i32 to index
      %swap3A_383 = tpu.vector_load %arg12[%swap3A_382] {strides = array<i32>} : memref<11968xf32, #tpu.memory_space<vmem>>, vector<16xf32>,
      tpu.vector_store %arg12[%swap3A_382], %convert_element_type3A {strides = array<i32>} : memref<11968xf32, #tpu.memory_space<vmem>>, vector<16xf32>,
      %mul3A_384 = arith.constant 128 : i32
      %mul3A_385 = arith.muli %scan3A_287, %mul3A_384 : i32
      %add3A_386 = arith.constant 0 : i32
      %add3A_387 = arith.addi %add3A_386, %mul3A_385 : i32
      %add3A_388 = arith.constant 64 : i32
      %add3A_389 = arith.addi %add3A_387, %add3A_388 : i32
      %swap3A_390 = arith.index_cast %add3A_389 : i32 to index
      %swap3A_391 = tpu.vector_load %arg12[%swap3A_390] {strides = array<i32>} : memref<11968xf32, #tpu.memory_space<vmem>>, vector<16xf32>,
      tpu.vector_store %arg12[%swap3A_390], %convert_element_type3A {strides = array<i32>} : memref<11968xf32, #tpu.memory_space<vmem>>, vector<16xf32>,
      %mul3A_392 = arith.constant 128 : i32
      %mul3A_393 = arith.muli %scan3A_287, %mul3A_392 : i32
      %add3A_394 = arith.constant 0 : i32
      %add3A_395 = arith.addi %add3A_394, %mul3A_393 : i32
      %add3A_396 = arith.constant 80 : i32
      %add3A_397 = arith.addi %add3A_395, %add3A_396 : i32
      %swap3A_398 = arith.index_cast %add3A_397 : i32 to index
      %swap3A_399 = tpu.vector_load %arg12[%swap3A_398] {strides = array<i32>} : memref<11968xf32, #tpu.memory_space<vmem>>, vector<16xf32>,
      tpu.vector_store %arg12[%swap3A_398], %convert_element_type3A {strides = array<i32>} : memref<11968xf32, #tpu.memory_space<vmem>>, vector<16xf32>,
      %mul3A_400 = arith.constant 128 : i32
      %mul3A_401 = arith.muli %scan3A_287, %mul3A_400 : i32
      %add3A_402 = arith.constant 0 : i32
      %add3A_403 = arith.addi %add3A_402, %mul3A_401 : i32
      %add3A_404 = arith.constant 96 : i32
      %add3A_405 = arith.addi %add3A_403, %add3A_404 : i32
      %swap3A_406 = arith.index_cast %add3A_405 : i32 to index
      %swap3A_407 = tpu.vector_load %arg12[%swap3A_406] {strides = array<i32>} : memref<11968xf32, #tpu.memory_space<vmem>>, vector<16xf32>,
      tpu.vector_store %arg12[%swap3A_406], %convert_element_type3A {strides = array<i32>} : memref<11968xf32, #tpu.memory_space<vmem>>, vector<16xf32>,
      %mul3A_408 = arith.constant 128 : i32
      %mul3A_409 = arith.muli %scan3A_287, %mul3A_408 : i32
      %add3A_410 = arith.constant 0 : i32
      %add3A_411 = arith.addi %add3A_410, %mul3A_409 : i32
      %add3A_412 = arith.constant 112 : i32
      %add3A_413 = arith.addi %add3A_411, %add3A_412 : i32
      %swap3A_414 = arith.index_cast %add3A_413 : i32 to index
      %swap3A_415 = tpu.vector_load %arg12[%swap3A_414] {strides = array<i32>} : memref<11968xf32, #tpu.memory_space<vmem>>, vector<16xf32>,
      tpu.vector_store %arg12[%swap3A_414], %convert_element_type3A {strides = array<i32>} : memref<11968xf32, #tpu.memory_space<vmem>>, vector<16xf32>,
    }
    %scan3A_64 = arith.constant 93 : i32
    %add3A_65 = arith.constant 0 : i32
    %add3A_66 = vector.broadcast %add3A_65 : i32 to vector<16xi32>
    %add3A_67 = arith.addi %iota3A, %add3A_66 : vector<16xi32>
    %lt3A_68 = arith.constant 49 : i32
    %lt3A_69 = vector.broadcast %lt3A_68 : i32 to vector<16xi32>
    %lt3A_70 = arith.cmpi slt, %add3A_67, %lt3A_69 : vector<16xi32>
    %div3A_71 = arith.constant 7 : i32
    %div3A_72 = vector.broadcast %div3A_71 : i32 to vector<16xi32>
    %div3A_73 = arith.divsi %add3A_67, %div3A_72 : vector<16xi32>
    %sub3A_74 = arith.constant 3 : i32
    %sub3A_75 = vector.broadcast %sub3A_74 : i32 to vector<16xi32>
    %sub3A_76 = arith.subi %div3A_73, %sub3A_75 : vector<16xi32>
    %mul3A_77 = arith.constant 10 : i32
    %mul3A_78 = vector.broadcast %mul3A_77 : i32 to vector<16xi32>
    %mul3A_79 = arith.muli %sub3A_76, %mul3A_78 : vector<16xi32>
    %rem3A_80 = arith.constant 7 : i32
    %rem3A_81 = vector.broadcast %rem3A_80 : i32 to vector<16xi32>
    %rem3A_82 = arith.remsi %add3A_67, %rem3A_81 : vector<16xi32>
    %sub3A_83 = arith.constant 3 : i32
    %sub3A_84 = vector.broadcast %sub3A_83 : i32 to vector<16xi32>
    %sub3A_85 = arith.subi %rem3A_82, %sub3A_84 : vector<16xi32>
    %add3A_86 = arith.addi %mul3A_79, %sub3A_85 : vector<16xi32>
    %jit3A_87 = arith.constant 0 : i32
    %broadcast_in_dim3A_88 = vector.broadcast %jit3A_87 : i32 to vector<16xi32>
    %select_n3A_89 = arith.select %lt3A_70, %add3A_86, %broadcast_in_dim3A_88 : vector<16xi1>, vector<16xi32>
    %add3A_90 = arith.constant 16 : i32
    %add3A_91 = vector.broadcast %add3A_90 : i32 to vector<16xi32>
    %add3A_92 = arith.addi %iota3A, %add3A_91 : vector<16xi32>
    %lt3A_93 = arith.constant 49 : i32
    %lt3A_94 = vector.broadcast %lt3A_93 : i32 to vector<16xi32>
    %lt3A_95 = arith.cmpi slt, %add3A_92, %lt3A_94 : vector<16xi32>
    %div3A_96 = arith.constant 7 : i32
    %div3A_97 = vector.broadcast %div3A_96 : i32 to vector<16xi32>
    %div3A_98 = arith.divsi %add3A_92, %div3A_97 : vector<16xi32>
    %sub3A_99 = arith.constant 3 : i32
    %sub3A_100 = vector.broadcast %sub3A_99 : i32 to vector<16xi32>
    %sub3A_101 = arith.subi %div3A_98, %sub3A_100 : vector<16xi32>
    %mul3A_102 = arith.constant 10 : i32
    %mul3A_103 = vector.broadcast %mul3A_102 : i32 to vector<16xi32>
    %mul3A_104 = arith.muli %sub3A_101, %mul3A_103 : vector<16xi32>
    %rem3A_105 = arith.constant 7 : i32
    %rem3A_106 = vector.broadcast %rem3A_105 : i32 to vector<16xi32>
    %rem3A_107 = arith.remsi %add3A_92, %rem3A_106 : vector<16xi32>
    %sub3A_108 = arith.constant 3 : i32
    %sub3A_109 = vector.broadcast %sub3A_108 : i32 to vector<16xi32>
    %sub3A_110 = arith.subi %rem3A_107, %sub3A_109 : vector<16xi32>
    %add3A_111 = arith.addi %mul3A_104, %sub3A_110 : vector<16xi32>
    %jit3A_112 = arith.constant 0 : i32
    %broadcast_in_dim3A_113 = vector.broadcast %jit3A_112 : i32 to vector<16xi32>
    %select_n3A_114 = arith.select %lt3A_95, %add3A_111, %broadcast_in_dim3A_113 : vector<16xi1>, vector<16xi32>
    %add3A_115 = arith.constant 32 : i32
    %add3A_116 = vector.broadcast %add3A_115 : i32 to vector<16xi32>
    %add3A_117 = arith.addi %iota3A, %add3A_116 : vector<16xi32>
    %lt3A_118 = arith.constant 49 : i32
    %lt3A_119 = vector.broadcast %lt3A_118 : i32 to vector<16xi32>
    %lt3A_120 = arith.cmpi slt, %add3A_117, %lt3A_119 : vector<16xi32>
    %div3A_121 = arith.constant 7 : i32
    %div3A_122 = vector.broadcast %div3A_121 : i32 to vector<16xi32>
    %div3A_123 = arith.divsi %add3A_117, %div3A_122 : vector<16xi32>
    %sub3A_124 = arith.constant 3 : i32
    %sub3A_125 = vector.broadcast %sub3A_124 : i32 to vector<16xi32>
    %sub3A_126 = arith.subi %div3A_123, %sub3A_125 : vector<16xi32>
    %mul3A_127 = arith.constant 10 : i32
    %mul3A_128 = vector.broadcast %mul3A_127 : i32 to vector<16xi32>
    %mul3A_129 = arith.muli %sub3A_126, %mul3A_128 : vector<16xi32>
    %rem3A_130 = arith.constant 7 : i32
    %rem3A_131 = vector.broadcast %rem3A_130 : i32 to vector<16xi32>
    %rem3A_132 = arith.remsi %add3A_117, %rem3A_131 : vector<16xi32>
    %sub3A_133 = arith.constant 3 : i32
    %sub3A_134 = vector.broadcast %sub3A_133 : i32 to vector<16xi32>
    %sub3A_135 = arith.subi %rem3A_132, %sub3A_134 : vector<16xi32>
    %add3A_136 = arith.addi %mul3A_129, %sub3A_135 : vector<16xi32>
    %jit3A_137 = arith.constant 0 : i32
    %broadcast_in_dim3A_138 = vector.broadcast %jit3A_137 : i32 to vector<16xi32>
    %select_n3A_139 = arith.select %lt3A_120, %add3A_136, %broadcast_in_dim3A_138 : vector<16xi1>, vector<16xi32>
    %add3A_140 = arith.constant 48 : i32
    %add3A_141 = vector.broadcast %add3A_140 : i32 to vector<16xi32>
    %add3A_142 = arith.addi %iota3A, %add3A_141 : vector<16xi32>
    %lt3A_143 = arith.constant 49 : i32
    %lt3A_144 = vector.broadcast %lt3A_143 : i32 to vector<16xi32>
    %lt3A_145 = arith.cmpi slt, %add3A_142, %lt3A_144 : vector<16xi32>
    %div3A_146 = arith.constant 7 : i32
    %div3A_147 = vector.broadcast %div3A_146 : i32 to vector<16xi32>
    %div3A_148 = arith.divsi %add3A_142, %div3A_147 : vector<16xi32>
    %sub3A_149 = arith.constant 3 : i32
    %sub3A_150 = vector.broadcast %sub3A_149 : i32 to vector<16xi32>
    %sub3A_151 = arith.subi %div3A_148, %sub3A_150 : vector<16xi32>
    %mul3A_152 = arith.constant 10 : i32
    %mul3A_153 = vector.broadcast %mul3A_152 : i32 to vector<16xi32>
    %mul3A_154 = arith.muli %sub3A_151, %mul3A_153 : vector<16xi32>
    %rem3A_155 = arith.constant 7 : i32
    %rem3A_156 = vector.broadcast %rem3A_155 : i32 to vector<16xi32>
    %rem3A_157 = arith.remsi %add3A_142, %rem3A_156 : vector<16xi32>
    %sub3A_158 = arith.constant 3 : i32
    %sub3A_159 = vector.broadcast %sub3A_158 : i32 to vector<16xi32>
    %sub3A_160 = arith.subi %rem3A_157, %sub3A_159 : vector<16xi32>
    %add3A_161 = arith.addi %mul3A_154, %sub3A_160 : vector<16xi32>
    %jit3A_162 = arith.constant 0 : i32
    %broadcast_in_dim3A_163 = vector.broadcast %jit3A_162 : i32 to vector<16xi32>
    %select_n3A_164 = arith.select %lt3A_145, %add3A_161, %broadcast_in_dim3A_163 : vector<16xi1>, vector<16xi32>
    %add3A_165 = arith.constant 48 : i32
    %add3A_166 = vector.broadcast %add3A_165 : i32 to vector<16xi32>
    %add3A_167 = arith.addi %iota3A, %add3A_166 : vector<16xi32>
    %eq3A_168 = arith.constant 49 : i32
    %eq3A_169 = vector.broadcast %eq3A_168 : i32 to vector<16xi32>
    %eq3A_170 = arith.cmpi eq, %add3A_167, %eq3A_169 : vector<16xi32>
    %convert_element_type3A_171 = arith.extui %eq3A_170 : vector<16xi1> to vector<16xi32>
    %convert_element_type3A_172 = arith.sitofp %convert_element_type3A_171 : vector<16xi32> to vector<16xf32>
    %mul3A_173 = arith.constant 0 : i32
    %mul3A_174 = vector.broadcast %mul3A_173 : i32 to vector<16xi32>
    %mul3A_175 = arith.muli %iota3A, %mul3A_174 : vector<16xi32>
    %scan3A_176 = arith.constant 0 : i32
    %scan3A_177 = arith.constant 128 : i32
    %scan3A_178 = arith.addi %scan3A_176, %scan3A_177 : i32
    %scan3A_179 = arith.constant 1 : i32
    %scan3A_180:2 = scf.for %scan3A_287 = %scan3A_176 to %scan3A_178 step %scan3A_179 iter_args(%scan3A_288 = %mul3A_175, %scan3A_289 = %mul3A_175) -> (vector<16xi32>, vector<16xi32>)  : i32 {
      %mul3A_290 = arith.constant 16 : i32
      %mul3A_291 = arith.muli %scan3A_287, %mul3A_290 : i32
      %get3A_292 = arith.constant 0 : i32
      %get3A_293 = arith.index_cast %get3A_292 : i32 to index
      %get3A_294 = arith.index_cast %mul3A_291 : i32 to index
      %get3A_295 = tpu.vector_load %arg6[%get3A_293, %get3A_294] {strides = array<i32>} : memref<4x2048xf32, #tpu.memory_space<vmem>>, vector<16xf32>,
      %convert_element_type3A_296 = arith.fptosi %get3A_295 : vector<16xf32> to vector<16xi32>
      %mul3A_297 = arith.constant 16 : i32
      %mul3A_298 = arith.muli %scan3A_287, %mul3A_297 : i32
      %get3A_299 = arith.constant 1 : i32
      %get3A_300 = arith.index_cast %get3A_299 : i32 to index
      %get3A_301 = arith.index_cast %mul3A_298 : i32 to index
      %get3A_302 = tpu.vector_load %arg6[%get3A_300, %get3A_301] {strides = array<i32>} : memref<4x2048xf32, #tpu.memory_space<vmem>>, vector<16xf32>,
      %convert_element_type3A_303 = arith.fptosi %get3A_302 : vector<16xf32> to vector<16xi32>
      %mul3A_304 = arith.constant 16 : i32
      %mul3A_305 = arith.muli %scan3A_287, %mul3A_304 : i32
      %get3A_306 = arith.constant 2 : i32
      %get3A_307 = arith.index_cast %get3A_306 : i32 to index
      %get3A_308 = arith.index_cast %mul3A_305 : i32 to index
      %get3A_309 = tpu.vector_load %arg6[%get3A_307, %get3A_308] {strides = array<i32>} : memref<4x2048xf32, #tpu.memory_space<vmem>>, vector<16xf32>,
      %mul3A_310 = arith.constant 16 : i32
      %mul3A_311 = arith.muli %scan3A_287, %mul3A_310 : i32
      %get3A_312 = arith.constant 3 : i32
      %get3A_313 = arith.index_cast %get3A_312 : i32 to index
      %get3A_314 = arith.index_cast %mul3A_311 : i32 to index
      %get3A_315 = tpu.vector_load %arg6[%get3A_313, %get3A_314] {strides = array<i32>} : memref<4x2048xf32, #tpu.memory_space<vmem>>, vector<16xf32>,
      %convert_element_type3A_316 = arith.fptosi %get3A_315 : vector<16xf32> to vector<16xi32>
      %div3A_317 = arith.constant 10 : i32
      %div3A_318 = vector.broadcast %div3A_317 : i32 to vector<16xi32>
      %div3A_319 = arith.divsi %convert_element_type3A_303, %div3A_318 : vector<16xi32>
      %div3A_320 = arith.constant 10 : i32
      %div3A_321 = vector.broadcast %div3A_320 : i32 to vector<16xi32>
      %div3A_322 = arith.divsi %convert_element_type3A_296, %div3A_321 : vector<16xi32>
      %mul3A_323 = arith.constant 31 : i32
      %mul3A_324 = vector.broadcast %mul3A_323 : i32 to vector<16xi32>
      %mul3A_325 = arith.muli %div3A_319, %mul3A_324 : vector<16xi32>
      %add3A_326 = arith.addi %mul3A_325, %div3A_322 : vector<16xi32>
      %mul3A_327 = arith.constant 10 : i32
      %mul3A_328 = vector.broadcast %mul3A_327 : i32 to vector<16xi32>
      %mul3A_329 = arith.muli %div3A_319, %mul3A_328 : vector<16xi32>
      %sub3A_330 = arith.subi %convert_element_type3A_303, %mul3A_329 : vector<16xi32>
      %mul3A_331 = arith.constant 10 : i32
      %mul3A_332 = vector.broadcast %mul3A_331 : i32 to vector<16xi32>
      %mul3A_333 = arith.muli %div3A_322, %mul3A_332 : vector<16xi32>
      %sub3A_334 = arith.subi %convert_element_type3A_296, %mul3A_333 : vector<16xi32>
      %mul3A_335 = arith.constant 16 : i32
      %mul3A_336 = arith.muli %scan3A_287, %mul3A_335 : i32
      %add3A_337 = vector.broadcast %mul3A_336 : i32 to vector<16xi32>
      %add3A_338 = arith.addi %add3A_337, %iota3A : vector<16xi32>
      %lt3A_339 = vector.broadcast %reduce_sum3A_53 : i32 to vector<16xi32>
      %lt3A_340 = arith.cmpi slt, %add3A_338, %lt3A_339 : vector<16xi32>
      %mul3A_341 = arith.constant 9.99999997E-7 : f32
      %mul3A_342 = vector.broadcast %mul3A_341 : f32 to vector<16xf32>
      %mul3A_343 = arith.mulf %get3A_309, %mul3A_342 : vector<16xf32>
      %exp3A = math.exp %mul3A_343 : vector<16xf32>
      %mul3A_344 = arith.constant -9.99999997E-7 : f32
      %mul3A_345 = vector.broadcast %mul3A_344 : f32 to vector<16xf32>
      %mul3A_346 = arith.mulf %get3A_309, %mul3A_345 : vector<16xf32>
      %exp3A_347 = math.exp %mul3A_346 : vector<16xf32>
      %mul3A_348 = arith.constant 2 : i32
      %mul3A_349 = vector.broadcast %mul3A_348 : i32 to vector<16xi32>
      %mul3A_350 = arith.muli %add3A_326, %mul3A_349 : vector<16xi32>
      %add3A_351 = arith.addi %mul3A_350, %convert_element_type3A_316 : vector<16xi32>
      %mul3A_352 = arith.constant 100 : i32
      %mul3A_353 = vector.broadcast %mul3A_352 : i32 to vector<16xi32>
      %mul3A_354 = arith.muli %add3A_351, %mul3A_353 : vector<16xi32>
      %mul3A_355 = arith.constant 10 : i32
      %mul3A_356 = vector.broadcast %mul3A_355 : i32 to vector<16xi32>
      %mul3A_357 = arith.muli %sub3A_330, %mul3A_356 : vector<16xi32>
      %add3A_358 = arith.addi %mul3A_354, %mul3A_357 : vector<16xi32>
      %add3A_359 = arith.addi %add3A_358, %sub3A_334 : vector<16xi32>
      %add3A_360 = arith.constant 40 : i32
      %add3A_361 = vector.broadcast %add3A_360 : i32 to vector<16xi32>
      %add3A_362 = arith.addi %add3A_359, %add3A_361 : vector<16xi32>
      %mul3A_363 = arith.constant 64 : i32
      %mul3A_364 = vector.broadcast %mul3A_363 : i32 to vector<16xi32>
      %mul3A_365 = arith.muli %add3A_351, %mul3A_364 : vector<16xi32>
      %mul3A_366 = arith.constant 10 : i32
      %mul3A_367 = vector.broadcast %mul3A_366 : i32 to vector<16xi32>
      %mul3A_368 = arith.muli %sub3A_330, %mul3A_367 : vector<16xi32>
      %add3A_369 = arith.addi %mul3A_368, %sub3A_334 : vector<16xi32>
      %mul3A_370 = arith.constant 64 : i32
      %mul3A_371 = vector.broadcast %mul3A_370 : i32 to vector<16xi32>
      %mul3A_372 = arith.muli %add3A_369, %mul3A_371 : vector<16xi32>
      %ge3A = vector.broadcast %mul3A_34 : i32 to vector<16xi32>
      %ge3A_373 = arith.cmpi sge, %add3A_326, %ge3A : vector<16xi32>
      %and3A_374 = arith.andi %lt3A_340, %ge3A_373 : vector<16xi1>
      %add3A_375 = arith.constant 93 : i32
      %add3A_376 = arith.addi %mul3A_34, %add3A_375 : i32
      %lt3A_377 = vector.broadcast %add3A_376 : i32 to vector<16xi32>
      %lt3A_378 = arith.cmpi slt, %add3A_326, %lt3A_377 : vector<16xi32>
      %and3A_379 = arith.andi %and3A_374, %lt3A_378 : vector<16xi1>
      %ge3A_380 = vector.broadcast %add3A_36 : i32 to vector<16xi32>
      %ge3A_381 = arith.cmpi sge, %add3A_326, %ge3A_380 : vector<16xi32>
      %and3A_382 = arith.andi %lt3A_340, %ge3A_381 : vector<16xi1>
      %add3A_383 = arith.constant 93 : i32
      %add3A_384 = arith.addi %add3A_36, %add3A_383 : i32
      %lt3A_385 = vector.broadcast %add3A_384 : i32 to vector<16xi32>
      %lt3A_386 = arith.cmpi slt, %add3A_326, %lt3A_385 : vector<16xi32>
      %and3A_387 = arith.andi %and3A_382, %lt3A_386 : vector<16xi1>
      %convert_element_type3A_388 = arith.extui %and3A_379 : vector<16xi1> to vector<16xi32>
      %cumsum3A = arith.constant true
      %cumsum3A_389 = vector.broadcast %cumsum3A : i1 to vector<16xi1>
      %cumsum3A_390 = tpu.scan <sum>, %convert_element_type3A_388 masked %cumsum3A_389 : vector<16xi32>, vector<16xi1> -> vector<16xi32>
      %convert_element_type3A_391 = arith.extui %and3A_387 : vector<16xi1> to vector<16xi32>
      %cumsum3A_392 = arith.constant true
      %cumsum3A_393 = vector.broadcast %cumsum3A_392 : i1 to vector<16xi1>
      %cumsum3A_394 = tpu.scan <sum>, %convert_element_type3A_391 masked %cumsum3A_393 : vector<16xi32>, vector<16xi1> -> vector<16xi32>
      %add3A_395 = arith.addi %scan3A_288, %cumsum3A_390 : vector<16xi32>
      %sub3A_396 = arith.constant 1 : i32
      %sub3A_397 = vector.broadcast %sub3A_396 : i32 to vector<16xi32>
      %sub3A_398 = arith.subi %add3A_395, %sub3A_397 : vector<16xi32>
      %mul3A_399 = arith.constant 8 : i32
      %mul3A_400 = vector.broadcast %mul3A_399 : i32 to vector<16xi32>
      %mul3A_401 = arith.muli %sub3A_398, %mul3A_400 : vector<16xi32>
      %add3A_402 = arith.addi %scan3A_289, %cumsum3A_394 : vector<16xi32>
      %sub3A_403 = arith.constant 1 : i32
      %sub3A_404 = vector.broadcast %sub3A_403 : i32 to vector<16xi32>
      %sub3A_405 = arith.subi %add3A_402, %sub3A_404 : vector<16xi32>
      %mul3A_406 = arith.constant 8 : i32
      %mul3A_407 = vector.broadcast %mul3A_406 : i32 to vector<16xi32>
      %mul3A_408 = arith.muli %sub3A_405, %mul3A_407 : vector<16xi32>
      %add3A_409 = arith.constant 16416 : i32
      %add3A_410 = vector.broadcast %add3A_409 : i32 to vector<16xi32>
      %add3A_411 = arith.addi %add3A_410, %mul3A_408 : vector<16xi32>
      %or3A = arith.ori %and3A_379, %and3A_387 : vector<16xi1>
      %select_n3A_412 = arith.select %and3A_379, %mul3A_401, %add3A_411 : vector<16xi1>, vector<16xi32>
      %broadcast_in_dim3A_413 = vector.broadcast %mul3A_34 : i32 to vector<16xi32>
      %broadcast_in_dim3A_414 = vector.broadcast %add3A_36 : i32 to vector<16xi32>
      %select_n3A_415 = arith.select %and3A_379, %broadcast_in_dim3A_413, %broadcast_in_dim3A_414 : vector<16xi1>, vector<16xi32>
      tpu.vector_store_idx %arg13[%select_n3A_412], %get3A_309 masked %or3A : memref<32832xf32, #tpu.memory_space<vmem>>[vector<16xi32>], vector<16xf32>, vector<16xi1>
      %add3A_416 = arith.constant 1 : i32
      %add3A_417 = vector.broadcast %add3A_416 : i32 to vector<16xi32>
      %add3A_418 = arith.addi %select_n3A_412, %add3A_417 : vector<16xi32>
      tpu.vector_store_idx %arg13[%add3A_418], %exp3A masked %or3A : memref<32832xf32, #tpu.memory_space<vmem>>[vector<16xi32>], vector<16xf32>, vector<16xi1>
      %add3A_419 = arith.constant 2 : i32
      %add3A_420 = vector.broadcast %add3A_419 : i32 to vector<16xi32>
      %add3A_421 = arith.addi %select_n3A_412, %add3A_420 : vector<16xi32>
      tpu.vector_store_idx %arg13[%add3A_421], %exp3A_347 masked %or3A : memref<32832xf32, #tpu.memory_space<vmem>>[vector<16xi32>], vector<16xf32>, vector<16xi1>
      %add3A_422 = arith.constant 3 : i32
      %add3A_423 = vector.broadcast %add3A_422 : i32 to vector<16xi32>
      %add3A_424 = arith.addi %select_n3A_412, %add3A_423 : vector<16xi32>
      %mul3A_425 = arith.constant 200 : i32
      %mul3A_426 = vector.broadcast %mul3A_425 : i32 to vector<16xi32>
      %mul3A_427 = arith.muli %select_n3A_415, %mul3A_426 : vector<16xi32>
      %sub3A_428 = arith.subi %add3A_362, %mul3A_427 : vector<16xi32>
      %bitcast3A_429 = vector.bitcast %sub3A_428 : vector<16xi32> to vector<16xf32>
      tpu.vector_store_idx %arg13[%add3A_424], %bitcast3A_429 masked %or3A : memref<32832xf32, #tpu.memory_space<vmem>>[vector<16xi32>], vector<16xf32>, vector<16xi1>
      %add3A_430 = arith.constant 4 : i32
      %add3A_431 = vector.broadcast %add3A_430 : i32 to vector<16xi32>
      %add3A_432 = arith.addi %select_n3A_412, %add3A_431 : vector<16xi32>
      %mul3A_433 = arith.constant 128 : i32
      %mul3A_434 = vector.broadcast %mul3A_433 : i32 to vector<16xi32>
      %mul3A_435 = arith.muli %select_n3A_415, %mul3A_434 : vector<16xi32>
      %sub3A_436 = arith.subi %mul3A_365, %mul3A_435 : vector<16xi32>
      %bitcast3A_437 = vector.bitcast %sub3A_436 : vector<16xi32> to vector<16xf32>
      tpu.vector_store_idx %arg13[%add3A_432], %bitcast3A_437 masked %or3A : memref<32832xf32, #tpu.memory_space<vmem>>[vector<16xi32>], vector<16xf32>, vector<16xi1>
      %add3A_438 = arith.constant 5 : i32
      %add3A_439 = vector.broadcast %add3A_438 : i32 to vector<16xi32>
      %add3A_440 = arith.addi %select_n3A_412, %add3A_439 : vector<16xi32>
      %bitcast3A_441 = vector.bitcast %mul3A_372 : vector<16xi32> to vector<16xf32>
      tpu.vector_store_idx %arg13[%add3A_440], %bitcast3A_441 masked %or3A : memref<32832xf32, #tpu.memory_space<vmem>>[vector<16xi32>], vector<16xf32>, vector<16xi1>
      %slice3A_442 = vector.extract_strided_slice %cumsum3A_390 {offsets = [15], sizes = [1], strides = [1]} : vector<16xi32> to vector<1xi32>
      %squeeze3A_443 = vector.extract %slice3A_442[0] : i32 from vector<1xi32>
      %broadcast_in_dim3A_444 = vector.broadcast %squeeze3A_443 : i32 to vector<16xi32>
      %add3A_445 = arith.addi %scan3A_288, %broadcast_in_dim3A_444 : vector<16xi32>
      %slice3A_446 = vector.extract_strided_slice %cumsum3A_394 {offsets = [15], sizes = [1], strides = [1]} : vector<16xi32> to vector<1xi32>
      %squeeze3A_447 = vector.extract %slice3A_446[0] : i32 from vector<1xi32>
      %broadcast_in_dim3A_448 = vector.broadcast %squeeze3A_447 : i32 to vector<16xi32>
      %add3A_449 = arith.addi %scan3A_289, %broadcast_in_dim3A_448 : vector<16xi32>
      scf.yield %add3A_445, %add3A_449 : vector<16xi32>, vector<16xi32>
    }
    %scan3A_181 = arith.constant 128 : i32
    %slice3A = vector.extract_strided_slice %scan3A_180#0 {offsets = [0], sizes = [1], strides = [1]} : vector<16xi32> to vector<1xi32>
    %squeeze3A = vector.extract %slice3A[0] : i32 from vector<1xi32>
    %slice3A_182 = vector.extract_strided_slice %scan3A_180#1 {offsets = [0], sizes = [1], strides = [1]} : vector<16xi32> to vector<1xi32>
    %squeeze3A_183 = vector.extract %slice3A_182[0] : i32 from vector<1xi32>
    %rem3A_184 = arith.constant 8 : i32
    %rem3A_185 = vector.broadcast %rem3A_184 : i32 to vector<16xi32>
    %rem3A_186 = arith.remsi %iota3A, %rem3A_185 : vector<16xi32>
    %eq3A_187 = arith.constant 0 : i32
    %eq3A_188 = vector.broadcast %eq3A_187 : i32 to vector<16xi32>
    %eq3A_189 = arith.cmpi eq, %rem3A_186, %eq3A_188 : vector<16xi32>
    %eq3A_190 = arith.constant 1 : i32
    %eq3A_191 = vector.broadcast %eq3A_190 : i32 to vector<16xi32>
    %eq3A_192 = arith.cmpi eq, %rem3A_186, %eq3A_191 : vector<16xi32>
    %jit3A_193 = arith.constant 1.000000e+00 : f32
    %jit3A_194 = arith.constant 0.000000e+00 : f32
    %broadcast_in_dim3A_195 = vector.broadcast %jit3A_193 : f32 to vector<16xf32>
    %broadcast_in_dim3A_196 = vector.broadcast %jit3A_194 : f32 to vector<16xf32>
    %select_n3A_197 = arith.select %eq3A_192, %broadcast_in_dim3A_195, %broadcast_in_dim3A_196 : vector<16xi1>, vector<16xf32>
    %jit3A_198 = arith.constant -1.000000e+30 : f32
    %broadcast_in_dim3A_199 = vector.broadcast %jit3A_198 : f32 to vector<16xf32>
    %select_n3A_200 = arith.select %eq3A_189, %broadcast_in_dim3A_199, %select_n3A_197 : vector<16xi1>, vector<16xf32>
    %eq3A_201 = arith.constant 3 : i32
    %eq3A_202 = vector.broadcast %eq3A_201 : i32 to vector<16xi32>
    %eq3A_203 = arith.cmpi eq, %rem3A_186, %eq3A_202 : vector<16xi32>
    %eq3A_204 = arith.constant 4 : i32
    %eq3A_205 = vector.broadcast %eq3A_204 : i32 to vector<16xi32>
    %eq3A_206 = arith.cmpi eq, %rem3A_186, %eq3A_205 : vector<16xi32>
    %jit3A_207 = arith.constant 11904 : i32
    %jit3A_208 = arith.constant 0 : i32
    %broadcast_in_dim3A_209 = vector.broadcast %jit3A_207 : i32 to vector<16xi32>
    %broadcast_in_dim3A_210 = vector.broadcast %jit3A_208 : i32 to vector<16xi32>
    %select_n3A_211 = arith.select %eq3A_206, %broadcast_in_dim3A_209, %broadcast_in_dim3A_210 : vector<16xi1>, vector<16xi32>
    %jit3A_212 = arith.constant 40 : i32
    %broadcast_in_dim3A_213 = vector.broadcast %jit3A_212 : i32 to vector<16xi32>
    %select_n3A_214 = arith.select %eq3A_203, %broadcast_in_dim3A_213, %select_n3A_211 : vector<16xi1>, vector<16xi32>
    %lt3A_215 = arith.constant 3 : i32
    %lt3A_216 = vector.broadcast %lt3A_215 : i32 to vector<16xi32>
    %lt3A_217 = arith.cmpi slt, %rem3A_186, %lt3A_216 : vector<16xi32>
    %bitcast3A = vector.bitcast %select_n3A_214 : vector<16xi32> to vector<16xf32>
    %select_n3A_218 = arith.select %lt3A_217, %select_n3A_200, %bitcast3A : vector<16xi1>, vector<16xf32>
    %mul3A_219 = arith.constant 8 : i32
    %mul3A_220 = arith.muli %squeeze3A, %mul3A_219 : i32
    %swap3A = arith.index_cast %mul3A_220 : i32 to index
    %swap3A_221 = tpu.vector_load %arg13[%swap3A] {strides = array<i32>} : memref<32832xf32, #tpu.memory_space<vmem>>, vector<16xf32>,
    tpu.vector_store %arg13[%swap3A], %select_n3A_218 {strides = array<i32>} : memref<32832xf32, #tpu.memory_space<vmem>>, vector<16xf32>,
    %add3A_222 = arith.constant 2 : i32
    %add3A_223 = arith.addi %squeeze3A, %add3A_222 : i32
    %mul3A_224 = arith.constant 8 : i32
    %mul3A_225 = arith.muli %add3A_223, %mul3A_224 : i32
    %swap3A_226 = arith.index_cast %mul3A_225 : i32 to index
    %swap3A_227 = tpu.vector_load %arg13[%swap3A_226] {strides = array<i32>} : memref<32832xf32, #tpu.memory_space<vmem>>, vector<16xf32>,
    tpu.vector_store %arg13[%swap3A_226], %select_n3A_218 {strides = array<i32>} : memref<32832xf32, #tpu.memory_space<vmem>>, vector<16xf32>,
    %add3A_228 = arith.constant 2052 : i32
    %add3A_229 = arith.addi %add3A_228, %squeeze3A_183 : i32
    %mul3A_230 = arith.constant 8 : i32
    %mul3A_231 = arith.muli %add3A_229, %mul3A_230 : i32
    %swap3A_232 = arith.index_cast %mul3A_231 : i32 to index
    %swap3A_233 = tpu.vector_load %arg13[%swap3A_232] {strides = array<i32>} : memref<32832xf32, #tpu.memory_space<vmem>>, vector<16xf32>,
    tpu.vector_store %arg13[%swap3A_232], %select_n3A_218 {strides = array<i32>} : memref<32832xf32, #tpu.memory_space<vmem>>, vector<16xf32>,
    %add3A_234 = arith.constant 2052 : i32
    %add3A_235 = arith.addi %add3A_234, %squeeze3A_183 : i32
    %add3A_236 = arith.constant 2 : i32
    %add3A_237 = arith.addi %add3A_235, %add3A_236 : i32
    %mul3A_238 = arith.constant 8 : i32
    %mul3A_239 = arith.muli %add3A_237, %mul3A_238 : i32
    %swap3A_240 = arith.index_cast %mul3A_239 : i32 to index
    %swap3A_241 = tpu.vector_load %arg13[%swap3A_240] {strides = array<i32>} : memref<32832xf32, #tpu.memory_space<vmem>>, vector<16xf32>,
    tpu.vector_store %arg13[%swap3A_240], %select_n3A_218 {strides = array<i32>} : memref<32832xf32, #tpu.memory_space<vmem>>, vector<16xf32>,
    %add3A_242 = arith.constant 16 : i32
    %add3A_243 = vector.broadcast %add3A_242 : i32 to vector<16xi32>
    %add3A_244 = arith.addi %iota3A, %add3A_243 : vector<16xi32>
    %eq3A_245 = arith.constant 24 : i32
    %eq3A_246 = vector.broadcast %eq3A_245 : i32 to vector<16xi32>
    %eq3A_247 = arith.cmpi eq, %add3A_244, %eq3A_246 : vector<16xi32>
    %convert_element_type3A_248 = arith.extui %eq3A_247 : vector<16xi1> to vector<16xi32>
    %convert_element_type3A_249 = arith.sitofp %convert_element_type3A_248 : vector<16xi32> to vector<16xf32>
    %get3A_250 = arith.constant 0 : index
    %get3A_251 = tpu.vector_load %arg13[%get3A_250] {strides = array<i32>} : memref<32832xf32, #tpu.memory_space<vmem>>, vector<16xf32>,
    %slice3A_252 = vector.extract_strided_slice %get3A_251 {offsets = [0], sizes = [1], strides = [1]} : vector<16xf32> to vector<1xf32>
    %squeeze3A_253 = vector.extract %slice3A_252[0] : f32 from vector<1xf32>
    %get3A_254 = arith.constant 16416 : index
    %get3A_255 = tpu.vector_load %arg13[%get3A_254] {strides = array<i32>} : memref<32832xf32, #tpu.memory_space<vmem>>, vector<16xf32>,
    %slice3A_256 = vector.extract_strided_slice %get3A_255 {offsets = [0], sizes = [1], strides = [1]} : vector<16xf32> to vector<1xf32>
    %squeeze3A_257 = vector.extract %slice3A_256[0] : f32 from vector<1xf32>
    %max3A = arith.maxsi %squeeze3A, %squeeze3A_183 : i32
    %add3A_258 = arith.constant 3 : i32
    %add3A_259 = arith.addi %max3A, %add3A_258 : i32
    %div3A_260 = arith.constant 4 : i32
    %div3A_261 = arith.divsi %add3A_259, %div3A_260 : i32
    %while3A = arith.constant 0 : i32
    %while3A_262 = arith.constant 0 : i32
    %while3A_263 = arith.constant 0 : i32
    %while3A_264 = arith.subi %div3A_261, %while3A : i32
    %while3A_265 = arith.addi %while3A, %while3A_264 : i32
    %while3A_266 = arith.constant 1 : i32
    %while3A_267 = arith.divsi %while3A_264, %while3A_266 : i32
    %while3A_268 = arith.muli %while3A_267, %while3A_266 : i32
    %while3A_269 = arith.addi %while3A, %while3A_268 : i32
    %while3A_270 = arith.constant 1 : i32
    %while3A_271:4 = scf.for %while3A_287 = %while3A to %while3A_269 step %while3A_270 iter_args(%while3A_288 = %while3A_262, %while3A_289 = %squeeze3A_253, %while3A_290 = %while3A_263, %while3A_291 = %squeeze3A_257) -> (i32, f32, i32, f32)  : i32 {
      %mul3A_292 = arith.constant 4 : i32
      %mul3A_293 = arith.muli %mul3A_292, %while3A_287 : i32
      %min3A = arith.minsi %mul3A_293, %squeeze3A : i32
      %add3A_294 = arith.constant 0 : i32
      %add3A_295 = arith.addi %add3A_294, %min3A : i32
      %mul3A_296 = arith.constant 4 : i32
      %mul3A_297 = arith.muli %mul3A_296, %while3A_287 : i32
      %add3A_298 = arith.constant 2 : i32
      %add3A_299 = arith.addi %mul3A_297, %add3A_298 : i32
      %min3A_300 = arith.minsi %add3A_299, %squeeze3A : i32
      %add3A_301 = arith.constant 0 : i32
      %add3A_302 = arith.addi %add3A_301, %min3A_300 : i32
      %mul3A_303 = arith.constant 8 : i32
      %mul3A_304 = arith.muli %add3A_295, %mul3A_303 : i32
      %get3A_305 = arith.index_cast %mul3A_304 : i32 to index
      %get3A_306 = tpu.vector_load %arg13[%get3A_305] {strides = array<i32>} : memref<32832xf32, #tpu.memory_space<vmem>>, vector<16xf32>,
      %mul3A_307 = arith.constant 8 : i32
      %mul3A_308 = arith.muli %add3A_302, %mul3A_307 : i32
      %get3A_309 = arith.index_cast %mul3A_308 : i32 to index
      %get3A_310 = tpu.vector_load %arg13[%get3A_309] {strides = array<i32>} : memref<32832xf32, #tpu.memory_space<vmem>>, vector<16xf32>,
      %bitcast3A_311 = vector.bitcast %get3A_306 : vector<16xf32> to vector<16xi32>
      %bitcast3A_312 = vector.bitcast %get3A_310 : vector<16xf32> to vector<16xi32>
      %slice3A_313 = vector.extract_strided_slice %get3A_306 {offsets = [0], sizes = [1], strides = [1]} : vector<16xf32> to vector<1xf32>
      %squeeze3A_314 = vector.extract %slice3A_313[0] : f32 from vector<1xf32>
      %sub3A_315 = arith.constant 1.000000e+05 : f32
      %sub3A_316 = arith.subf %squeeze3A_314, %sub3A_315 : f32
      %while3A_317:2 = scf.while (%while3A_878 = %while3A_288, %while3A_879 = %while3A_289) : (i32, f32) -> (i32, f32) {
        %lt3A_880 = arith.cmpf olt, %while3A_879, %sub3A_316 : f32
        scf.condition(%lt3A_880) %while3A_878, %while3A_879 : i32, f32
      } do {
      ^bb0(%while3A_878: i32, %while3A_879: f32):
        %add3A_880 = arith.constant 0 : i32
        %add3A_881 = arith.addi %add3A_880, %while3A_878 : i32
        %mul3A_882 = arith.constant 8 : i32
        %mul3A_883 = arith.muli %add3A_881, %mul3A_882 : i32
        %get3A_884 = arith.index_cast %mul3A_883 : i32 to index
        %get3A_885 = tpu.vector_load %arg13[%get3A_884] {strides = array<i32>} : memref<32832xf32, #tpu.memory_space<vmem>>, vector<16xf32>,
        %bitcast3A_886 = vector.bitcast %get3A_885 : vector<16xf32> to vector<16xi32>
        %slice3A_887 = vector.extract_strided_slice %bitcast3A_886 {offsets = [3], sizes = [1], strides = [1]} : vector<16xi32> to vector<1xi32>
        %squeeze3A_888 = vector.extract %slice3A_887[0] : i32 from vector<1xi32>
        %broadcast_in_dim3A_889 = vector.broadcast %squeeze3A_888 : i32 to vector<16xi32>
        %slice3A_890 = vector.extract_strided_slice %get3A_885 {offsets = [1], sizes = [1], strides = [1]} : vector<16xf32> to vector<1xf32>
        %squeeze3A_891 = vector.extract %slice3A_890[0] : f32 from vector<1xf32>
        %broadcast_in_dim3A_892 = vector.broadcast %squeeze3A_891 : f32 to vector<16xf32>
        %sub3A_893 = arith.subf %convert_element_type3A, %broadcast_in_dim3A_892 : vector<16xf32>
        tpu.vector_store_idx %arg9[%broadcast_in_dim3A_889], %sub3A_893 masked %eq3A_45 {add = true} : memref<18688xf32, #tpu.memory_space<vmem>>[vector<16xi32>], vector<16xf32>, vector<16xi1>
        %add3A_894 = arith.constant 0 : i32
        %add3A_895 = arith.addi %add3A_894, %while3A_878 : i32
        %add3A_896 = arith.constant 1 : i32
        %add3A_897 = arith.addi %add3A_895, %add3A_896 : i32
        %mul3A_898 = arith.constant 8 : i32
        %mul3A_899 = arith.muli %add3A_897, %mul3A_898 : i32
        %get3A_900 = arith.index_cast %mul3A_899 : i32 to index
        %get3A_901 = tpu.vector_load %arg13[%get3A_900] {strides = array<i32>} : memref<32832xf32, #tpu.memory_space<vmem>>, vector<16xf32>,
        %add3A_902 = arith.constant 1 : i32
        %add3A_903 = arith.addi %while3A_878, %add3A_902 : i32
        %slice3A_904 = vector.extract_strided_slice %get3A_901 {offsets = [0], sizes = [1], strides = [1]} : vector<16xf32> to vector<1xf32>
        %squeeze3A_905 = vector.extract %slice3A_904[0] : f32 from vector<1xf32>
        scf.yield %add3A_903, %squeeze3A_905 : i32, f32
      }
      %slice3A_318 = vector.extract_strided_slice %bitcast3A_311 {offsets = [3], sizes = [1], strides = [1]} : vector<16xi32> to vector<1xi32>
      %squeeze3A_319 = vector.extract %slice3A_318[0] : i32 from vector<1xi32>
      %broadcast_in_dim3A_320 = vector.broadcast %squeeze3A_319 : i32 to vector<16xi32>
      %slice3A_321 = vector.extract_strided_slice %get3A_306 {offsets = [2], sizes = [1], strides = [1]} : vector<16xf32> to vector<1xf32>
      %squeeze3A_322 = vector.extract %slice3A_321[0] : f32 from vector<1xf32>
      %broadcast_in_dim3A_323 = vector.broadcast %squeeze3A_322 : f32 to vector<16xf32>
      %slice3A_324 = vector.extract_strided_slice %bitcast3A_311 {offsets = [4], sizes = [1], strides = [1]} : vector<16xi32> to vector<1xi32>
      %squeeze3A_325 = vector.extract %slice3A_324[0] : i32 from vector<1xi32>
      %broadcast_in_dim3A_326 = vector.broadcast %squeeze3A_325 : i32 to vector<16xi32>
      %add3A_327 = arith.addi %broadcast_in_dim3A_326, %iota3A : vector<16xi32>
      %slice3A_328 = vector.extract_strided_slice %bitcast3A_311 {offsets = [5], sizes = [1], strides = [1]} : vector<16xi32> to vector<1xi32>
      %squeeze3A_329 = vector.extract %slice3A_328[0] : i32 from vector<1xi32>
      %broadcast_in_dim3A_330 = vector.broadcast %squeeze3A_329 : i32 to vector<16xi32>
      %add3A_331 = arith.addi %broadcast_in_dim3A_330, %iota3A : vector<16xi32>
      %add3A_332 = arith.addi %broadcast_in_dim3A_320, %select_n3A_89 : vector<16xi32>
      %gather3A = tpu.vector_load_idx %arg9[%add3A_332] : memref<18688xf32, #tpu.memory_space<vmem>>[vector<16xi32>], vector<16xf32>,
      %add3A_333 = arith.constant 0 : i32
      %add3A_334 = vector.broadcast %add3A_333 : i32 to vector<16xi32>
      %add3A_335 = arith.addi %add3A_331, %add3A_334 : vector<16xi32>
      %gather3A_336 = tpu.vector_load_idx %arg8[%add3A_335] : memref<6400xf32, #tpu.memory_space<vmem>>[vector<16xi32>], vector<16xf32>,
      %mul3A_337 = arith.mulf %gather3A_336, %broadcast_in_dim3A_323 : vector<16xf32>
      %mul3A_338 = arith.mulf %gather3A, %mul3A_337 : vector<16xf32>
      %add3A_339 = arith.constant 0 : i32
      %add3A_340 = vector.broadcast %add3A_339 : i32 to vector<16xi32>
      %add3A_341 = arith.addi %add3A_327, %add3A_340 : vector<16xi32>
      tpu.vector_store_idx %arg11[%add3A_341], %mul3A_338 {add = true} : memref<11968xf32, #tpu.memory_space<vmem>>[vector<16xi32>], vector<16xf32>,
      %add3A_342 = arith.addi %broadcast_in_dim3A_320, %select_n3A_114 : vector<16xi32>
      %gather3A_343 = tpu.vector_load_idx %arg9[%add3A_342] : memref<18688xf32, #tpu.memory_space<vmem>>[vector<16xi32>], vector<16xf32>,
      %add3A_344 = arith.constant 16 : i32
      %add3A_345 = vector.broadcast %add3A_344 : i32 to vector<16xi32>
      %add3A_346 = arith.addi %add3A_331, %add3A_345 : vector<16xi32>
      %gather3A_347 = tpu.vector_load_idx %arg8[%add3A_346] : memref<6400xf32, #tpu.memory_space<vmem>>[vector<16xi32>], vector<16xf32>,
      %mul3A_348 = arith.mulf %gather3A_347, %broadcast_in_dim3A_323 : vector<16xf32>
      %mul3A_349 = arith.mulf %gather3A_343, %mul3A_348 : vector<16xf32>
      %add3A_350 = arith.addf %mul3A_349, %convert_element_type3A_249 : vector<16xf32>
      %add3A_351 = arith.constant 16 : i32
      %add3A_352 = vector.broadcast %add3A_351 : i32 to vector<16xi32>
      %add3A_353 = arith.addi %add3A_327, %add3A_352 : vector<16xi32>
      tpu.vector_store_idx %arg11[%add3A_353], %add3A_350 {add = true} : memref<11968xf32, #tpu.memory_space<vmem>>[vector<16xi32>], vector<16xf32>,
      %add3A_354 = arith.addi %broadcast_in_dim3A_320, %select_n3A_139 : vector<16xi32>
      %gather3A_355 = tpu.vector_load_idx %arg9[%add3A_354] : memref<18688xf32, #tpu.memory_space<vmem>>[vector<16xi32>], vector<16xf32>,
      %add3A_356 = arith.constant 32 : i32
      %add3A_357 = vector.broadcast %add3A_356 : i32 to vector<16xi32>
      %add3A_358 = arith.addi %add3A_331, %add3A_357 : vector<16xi32>
      %gather3A_359 = tpu.vector_load_idx %arg8[%add3A_358] : memref<6400xf32, #tpu.memory_space<vmem>>[vector<16xi32>], vector<16xf32>,
      %mul3A_360 = arith.mulf %gather3A_359, %broadcast_in_dim3A_323 : vector<16xf32>
      %mul3A_361 = arith.mulf %gather3A_355, %mul3A_360 : vector<16xf32>
      %add3A_362 = arith.constant 32 : i32
      %add3A_363 = vector.broadcast %add3A_362 : i32 to vector<16xi32>
      %add3A_364 = arith.addi %add3A_327, %add3A_363 : vector<16xi32>
      tpu.vector_store_idx %arg11[%add3A_364], %mul3A_361 {add = true} : memref<11968xf32, #tpu.memory_space<vmem>>[vector<16xi32>], vector<16xf32>,
      %add3A_365 = arith.addi %broadcast_in_dim3A_320, %select_n3A_164 : vector<16xi32>
      %gather3A_366 = tpu.vector_load_idx %arg9[%add3A_365] : memref<18688xf32, #tpu.memory_space<vmem>>[vector<16xi32>], vector<16xf32>,
      %add3A_367 = arith.constant 48 : i32
      %add3A_368 = vector.broadcast %add3A_367 : i32 to vector<16xi32>
      %add3A_369 = arith.addi %add3A_331, %add3A_368 : vector<16xi32>
      %gather3A_370 = tpu.vector_load_idx %arg8[%add3A_369] : memref<6400xf32, #tpu.memory_space<vmem>>[vector<16xi32>], vector<16xf32>,
      %mul3A_371 = arith.mulf %gather3A_370, %broadcast_in_dim3A_323 : vector<16xf32>
      %mul3A_372 = arith.mulf %gather3A_366, %mul3A_371 : vector<16xf32>
      %add3A_373 = arith.addf %mul3A_372, %convert_element_type3A_172 : vector<16xf32>
      %add3A_374 = arith.constant 48 : i32
      %add3A_375 = vector.broadcast %add3A_374 : i32 to vector<16xi32>
      %add3A_376 = arith.addi %add3A_327, %add3A_375 : vector<16xi32>
      tpu.vector_store_idx %arg11[%add3A_376], %add3A_373 {add = true} : memref<11968xf32, #tpu.memory_space<vmem>>[vector<16xi32>], vector<16xf32>,
      %slice3A_377 = vector.extract_strided_slice %get3A_306 {offsets = [1], sizes = [1], strides = [1]} : vector<16xf32> to vector<1xf32>
      %squeeze3A_378 = vector.extract %slice3A_377[0] : f32 from vector<1xf32>
      %broadcast_in_dim3A_379 = vector.broadcast %squeeze3A_378 : f32 to vector<16xf32>
      tpu.vector_store_idx %arg9[%broadcast_in_dim3A_320], %broadcast_in_dim3A_379 masked %eq3A_45 {add = true} : memref<18688xf32, #tpu.memory_space<vmem>>[vector<16xi32>], vector<16xf32>, vector<16xi1>
      %slice3A_380 = vector.extract_strided_slice %get3A_306 {offsets = [8], sizes = [1], strides = [1]} : vector<16xf32> to vector<1xf32>
      %squeeze3A_381 = vector.extract %slice3A_380[0] : f32 from vector<1xf32>
      %sub3A_382 = arith.constant 1.000000e+05 : f32
      %sub3A_383 = arith.subf %squeeze3A_381, %sub3A_382 : f32
      %while3A_384:2 = scf.while (%while3A_878 = %while3A_317#0, %while3A_879 = %while3A_317#1) : (i32, f32) -> (i32, f32) {
        %lt3A_880 = arith.cmpf olt, %while3A_879, %sub3A_383 : f32
        scf.condition(%lt3A_880) %while3A_878, %while3A_879 : i32, f32
      } do {
      ^bb0(%while3A_878: i32, %while3A_879: f32):
        %add3A_880 = arith.constant 0 : i32
        %add3A_881 = arith.addi %add3A_880, %while3A_878 : i32
        %mul3A_882 = arith.constant 8 : i32
        %mul3A_883 = arith.muli %add3A_881, %mul3A_882 : i32
        %get3A_884 = arith.index_cast %mul3A_883 : i32 to index
        %get3A_885 = tpu.vector_load %arg13[%get3A_884] {strides = array<i32>} : memref<32832xf32, #tpu.memory_space<vmem>>, vector<16xf32>,
        %bitcast3A_886 = vector.bitcast %get3A_885 : vector<16xf32> to vector<16xi32>
        %slice3A_887 = vector.extract_strided_slice %bitcast3A_886 {offsets = [3], sizes = [1], strides = [1]} : vector<16xi32> to vector<1xi32>
        %squeeze3A_888 = vector.extract %slice3A_887[0] : i32 from vector<1xi32>
        %broadcast_in_dim3A_889 = vector.broadcast %squeeze3A_888 : i32 to vector<16xi32>
        %slice3A_890 = vector.extract_strided_slice %get3A_885 {offsets = [1], sizes = [1], strides = [1]} : vector<16xf32> to vector<1xf32>
        %squeeze3A_891 = vector.extract %slice3A_890[0] : f32 from vector<1xf32>
        %broadcast_in_dim3A_892 = vector.broadcast %squeeze3A_891 : f32 to vector<16xf32>
        %sub3A_893 = arith.subf %convert_element_type3A, %broadcast_in_dim3A_892 : vector<16xf32>
        tpu.vector_store_idx %arg9[%broadcast_in_dim3A_889], %sub3A_893 masked %eq3A_45 {add = true} : memref<18688xf32, #tpu.memory_space<vmem>>[vector<16xi32>], vector<16xf32>, vector<16xi1>
        %add3A_894 = arith.constant 0 : i32
        %add3A_895 = arith.addi %add3A_894, %while3A_878 : i32
        %add3A_896 = arith.constant 1 : i32
        %add3A_897 = arith.addi %add3A_895, %add3A_896 : i32
        %mul3A_898 = arith.constant 8 : i32
        %mul3A_899 = arith.muli %add3A_897, %mul3A_898 : i32
        %get3A_900 = arith.index_cast %mul3A_899 : i32 to index
        %get3A_901 = tpu.vector_load %arg13[%get3A_900] {strides = array<i32>} : memref<32832xf32, #tpu.memory_space<vmem>>, vector<16xf32>,
        %add3A_902 = arith.constant 1 : i32
        %add3A_903 = arith.addi %while3A_878, %add3A_902 : i32
        %slice3A_904 = vector.extract_strided_slice %get3A_901 {offsets = [0], sizes = [1], strides = [1]} : vector<16xf32> to vector<1xf32>
        %squeeze3A_905 = vector.extract %slice3A_904[0] : f32 from vector<1xf32>
        scf.yield %add3A_903, %squeeze3A_905 : i32, f32
      }
      %slice3A_385 = vector.extract_strided_slice %bitcast3A_311 {offsets = [11], sizes = [1], strides = [1]} : vector<16xi32> to vector<1xi32>
      %squeeze3A_386 = vector.extract %slice3A_385[0] : i32 from vector<1xi32>
      %broadcast_in_dim3A_387 = vector.broadcast %squeeze3A_386 : i32 to vector<16xi32>
      %slice3A_388 = vector.extract_strided_slice %get3A_306 {offsets = [10], sizes = [1], strides = [1]} : vector<16xf32> to vector<1xf32>
      %squeeze3A_389 = vector.extract %slice3A_388[0] : f32 from vector<1xf32>
      %broadcast_in_dim3A_390 = vector.broadcast %squeeze3A_389 : f32 to vector<16xf32>
      %slice3A_391 = vector.extract_strided_slice %bitcast3A_311 {offsets = [12], sizes = [1], strides = [1]} : vector<16xi32> to vector<1xi32>
      %squeeze3A_392 = vector.extract %slice3A_391[0] : i32 from vector<1xi32>
      %broadcast_in_dim3A_393 = vector.broadcast %squeeze3A_392 : i32 to vector<16xi32>
      %add3A_394 = arith.addi %broadcast_in_dim3A_393, %iota3A : vector<16xi32>
      %slice3A_395 = vector.extract_strided_slice %bitcast3A_311 {offsets = [13], sizes = [1], strides = [1]} : vector<16xi32> to vector<1xi32>
      %squeeze3A_396 = vector.extract %slice3A_395[0] : i32 from vector<1xi32>
      %broadcast_in_dim3A_397 = vector.broadcast %squeeze3A_396 : i32 to vector<16xi32>
      %add3A_398 = arith.addi %broadcast_in_dim3A_397, %iota3A : vector<16xi32>
      %add3A_399 = arith.addi %broadcast_in_dim3A_387, %select_n3A_89 : vector<16xi32>
      %gather3A_400 = tpu.vector_load_idx %arg9[%add3A_399] : memref<18688xf32, #tpu.memory_space<vmem>>[vector<16xi32>], vector<16xf32>,
      %add3A_401 = arith.constant 0 : i32
      %add3A_402 = vector.broadcast %add3A_401 : i32 to vector<16xi32>
      %add3A_403 = arith.addi %add3A_398, %add3A_402 : vector<16xi32>
      %gather3A_404 = tpu.vector_load_idx %arg8[%add3A_403] : memref<6400xf32, #tpu.memory_space<vmem>>[vector<16xi32>], vector<16xf32>,
      %mul3A_405 = arith.mulf %gather3A_404, %broadcast_in_dim3A_390 : vector<16xf32>
      %mul3A_406 = arith.mulf %gather3A_400, %mul3A_405 : vector<16xf32>
      %add3A_407 = arith.constant 0 : i32
      %add3A_408 = vector.broadcast %add3A_407 : i32 to vector<16xi32>
      %add3A_409 = arith.addi %add3A_394, %add3A_408 : vector<16xi32>
      tpu.vector_store_idx %arg11[%add3A_409], %mul3A_406 {add = true} : memref<11968xf32, #tpu.memory_space<vmem>>[vector<16xi32>], vector<16xf32>,
      %add3A_410 = arith.addi %broadcast_in_dim3A_387, %select_n3A_114 : vector<16xi32>
      %gather3A_411 = tpu.vector_load_idx %arg9[%add3A_410] : memref<18688xf32, #tpu.memory_space<vmem>>[vector<16xi32>], vector<16xf32>,
      %add3A_412 = arith.constant 16 : i32
      %add3A_413 = vector.broadcast %add3A_412 : i32 to vector<16xi32>
      %add3A_414 = arith.addi %add3A_398, %add3A_413 : vector<16xi32>
      %gather3A_415 = tpu.vector_load_idx %arg8[%add3A_414] : memref<6400xf32, #tpu.memory_space<vmem>>[vector<16xi32>], vector<16xf32>,
      %mul3A_416 = arith.mulf %gather3A_415, %broadcast_in_dim3A_390 : vector<16xf32>
      %mul3A_417 = arith.mulf %gather3A_411, %mul3A_416 : vector<16xf32>
      %add3A_418 = arith.addf %mul3A_417, %convert_element_type3A_249 : vector<16xf32>
      %add3A_419 = arith.constant 16 : i32
      %add3A_420 = vector.broadcast %add3A_419 : i32 to vector<16xi32>
      %add3A_421 = arith.addi %add3A_394, %add3A_420 : vector<16xi32>
      tpu.vector_store_idx %arg11[%add3A_421], %add3A_418 {add = true} : memref<11968xf32, #tpu.memory_space<vmem>>[vector<16xi32>], vector<16xf32>,
      %add3A_422 = arith.addi %broadcast_in_dim3A_387, %select_n3A_139 : vector<16xi32>
      %gather3A_423 = tpu.vector_load_idx %arg9[%add3A_422] : memref<18688xf32, #tpu.memory_space<vmem>>[vector<16xi32>], vector<16xf32>,
      %add3A_424 = arith.constant 32 : i32
      %add3A_425 = vector.broadcast %add3A_424 : i32 to vector<16xi32>
      %add3A_426 = arith.addi %add3A_398, %add3A_425 : vector<16xi32>
      %gather3A_427 = tpu.vector_load_idx %arg8[%add3A_426] : memref<6400xf32, #tpu.memory_space<vmem>>[vector<16xi32>], vector<16xf32>,
      %mul3A_428 = arith.mulf %gather3A_427, %broadcast_in_dim3A_390 : vector<16xf32>
      %mul3A_429 = arith.mulf %gather3A_423, %mul3A_428 : vector<16xf32>
      %add3A_430 = arith.constant 32 : i32
      %add3A_431 = vector.broadcast %add3A_430 : i32 to vector<16xi32>
      %add3A_432 = arith.addi %add3A_394, %add3A_431 : vector<16xi32>
      tpu.vector_store_idx %arg11[%add3A_432], %mul3A_429 {add = true} : memref<11968xf32, #tpu.memory_space<vmem>>[vector<16xi32>], vector<16xf32>,
      %add3A_433 = arith.addi %broadcast_in_dim3A_387, %select_n3A_164 : vector<16xi32>
      %gather3A_434 = tpu.vector_load_idx %arg9[%add3A_433] : memref<18688xf32, #tpu.memory_space<vmem>>[vector<16xi32>], vector<16xf32>,
      %add3A_435 = arith.constant 48 : i32
      %add3A_436 = vector.broadcast %add3A_435 : i32 to vector<16xi32>
      %add3A_437 = arith.addi %add3A_398, %add3A_436 : vector<16xi32>
      %gather3A_438 = tpu.vector_load_idx %arg8[%add3A_437] : memref<6400xf32, #tpu.memory_space<vmem>>[vector<16xi32>], vector<16xf32>,
      %mul3A_439 = arith.mulf %gather3A_438, %broadcast_in_dim3A_390 : vector<16xf32>
      %mul3A_440 = arith.mulf %gather3A_434, %mul3A_439 : vector<16xf32>
      %add3A_441 = arith.addf %mul3A_440, %convert_element_type3A_172 : vector<16xf32>
      %add3A_442 = arith.constant 48 : i32
      %add3A_443 = vector.broadcast %add3A_442 : i32 to vector<16xi32>
      %add3A_444 = arith.addi %add3A_394, %add3A_443 : vector<16xi32>
      tpu.vector_store_idx %arg11[%add3A_444], %add3A_441 {add = true} : memref<11968xf32, #tpu.memory_space<vmem>>[vector<16xi32>], vector<16xf32>,
      %slice3A_445 = vector.extract_strided_slice %get3A_306 {offsets = [9], sizes = [1], strides = [1]} : vector<16xf32> to vector<1xf32>
      %squeeze3A_446 = vector.extract %slice3A_445[0] : f32 from vector<1xf32>
      %broadcast_in_dim3A_447 = vector.broadcast %squeeze3A_446 : f32 to vector<16xf32>
      tpu.vector_store_idx %arg9[%broadcast_in_dim3A_387], %broadcast_in_dim3A_447 masked %eq3A_45 {add = true} : memref<18688xf32, #tpu.memory_space<vmem>>[vector<16xi32>], vector<16xf32>, vector<16xi1>
      %slice3A_448 = vector.extract_strided_slice %get3A_310 {offsets = [0], sizes = [1], strides = [1]} : vector<16xf32> to vector<1xf32>
      %squeeze3A_449 = vector.extract %slice3A_448[0] : f32 from vector<1xf32>
      %sub3A_450 = arith.constant 1.000000e+05 : f32
      %sub3A_451 = arith.subf %squeeze3A_449, %sub3A_450 : f32
      %while3A_452:2 = scf.while (%while3A_878 = %while3A_384#0, %while3A_879 = %while3A_384#1) : (i32, f32) -> (i32, f32) {
        %lt3A_880 = arith.cmpf olt, %while3A_879, %sub3A_451 : f32
        scf.condition(%lt3A_880) %while3A_878, %while3A_879 : i32, f32
      } do {
      ^bb0(%while3A_878: i32, %while3A_879: f32):
        %add3A_880 = arith.constant 0 : i32
        %add3A_881 = arith.addi %add3A_880, %while3A_878 : i32
        %mul3A_882 = arith.constant 8 : i32
        %mul3A_883 = arith.muli %add3A_881, %mul3A_882 : i32
        %get3A_884 = arith.index_cast %mul3A_883 : i32 to index
        %get3A_885 = tpu.vector_load %arg13[%get3A_884] {strides = array<i32>} : memref<32832xf32, #tpu.memory_space<vmem>>, vector<16xf32>,
        %bitcast3A_886 = vector.bitcast %get3A_885 : vector<16xf32> to vector<16xi32>
        %slice3A_887 = vector.extract_strided_slice %bitcast3A_886 {offsets = [3], sizes = [1], strides = [1]} : vector<16xi32> to vector<1xi32>
        %squeeze3A_888 = vector.extract %slice3A_887[0] : i32 from vector<1xi32>
        %broadcast_in_dim3A_889 = vector.broadcast %squeeze3A_888 : i32 to vector<16xi32>
        %slice3A_890 = vector.extract_strided_slice %get3A_885 {offsets = [1], sizes = [1], strides = [1]} : vector<16xf32> to vector<1xf32>
        %squeeze3A_891 = vector.extract %slice3A_890[0] : f32 from vector<1xf32>
        %broadcast_in_dim3A_892 = vector.broadcast %squeeze3A_891 : f32 to vector<16xf32>
        %sub3A_893 = arith.subf %convert_element_type3A, %broadcast_in_dim3A_892 : vector<16xf32>
        tpu.vector_store_idx %arg9[%broadcast_in_dim3A_889], %sub3A_893 masked %eq3A_45 {add = true} : memref<18688xf32, #tpu.memory_space<vmem>>[vector<16xi32>], vector<16xf32>, vector<16xi1>
        %add3A_894 = arith.constant 0 : i32
        %add3A_895 = arith.addi %add3A_894, %while3A_878 : i32
        %add3A_896 = arith.constant 1 : i32
        %add3A_897 = arith.addi %add3A_895, %add3A_896 : i32
        %mul3A_898 = arith.constant 8 : i32
        %mul3A_899 = arith.muli %add3A_897, %mul3A_898 : i32
        %get3A_900 = arith.index_cast %mul3A_899 : i32 to index
        %get3A_901 = tpu.vector_load %arg13[%get3A_900] {strides = array<i32>} : memref<32832xf32, #tpu.memory_space<vmem>>, vector<16xf32>,
        %add3A_902 = arith.constant 1 : i32
        %add3A_903 = arith.addi %while3A_878, %add3A_902 : i32
        %slice3A_904 = vector.extract_strided_slice %get3A_901 {offsets = [0], sizes = [1], strides = [1]} : vector<16xf32> to vector<1xf32>
        %squeeze3A_905 = vector.extract %slice3A_904[0] : f32 from vector<1xf32>
        scf.yield %add3A_903, %squeeze3A_905 : i32, f32
      }
      %slice3A_453 = vector.extract_strided_slice %bitcast3A_312 {offsets = [3], sizes = [1], strides = [1]} : vector<16xi32> to vector<1xi32>
      %squeeze3A_454 = vector.extract %slice3A_453[0] : i32 from vector<1xi32>
      %broadcast_in_dim3A_455 = vector.broadcast %squeeze3A_454 : i32 to vector<16xi32>
      %slice3A_456 = vector.extract_strided_slice %get3A_310 {offsets = [2], sizes = [1], strides = [1]} : vector<16xf32> to vector<1xf32>
      %squeeze3A_457 = vector.extract %slice3A_456[0] : f32 from vector<1xf32>
      %broadcast_in_dim3A_458 = vector.broadcast %squeeze3A_457 : f32 to vector<16xf32>
      %slice3A_459 = vector.extract_strided_slice %bitcast3A_312 {offsets = [4], sizes = [1], strides = [1]} : vector<16xi32> to vector<1xi32>
      %squeeze3A_460 = vector.extract %slice3A_459[0] : i32 from vector<1xi32>
      %broadcast_in_dim3A_461 = vector.broadcast %squeeze3A_460 : i32 to vector<16xi32>
      %add3A_462 = arith.addi %broadcast_in_dim3A_461, %iota3A : vector<16xi32>
      %slice3A_463 = vector.extract_strided_slice %bitcast3A_312 {offsets = [5], sizes = [1], strides = [1]} : vector<16xi32> to vector<1xi32>
      %squeeze3A_464 = vector.extract %slice3A_463[0] : i32 from vector<1xi32>
      %broadcast_in_dim3A_465 = vector.broadcast %squeeze3A_464 : i32 to vector<16xi32>
      %add3A_466 = arith.addi %broadcast_in_dim3A_465, %iota3A : vector<16xi32>
      %add3A_467 = arith.addi %broadcast_in_dim3A_455, %select_n3A_89 : vector<16xi32>
      %gather3A_468 = tpu.vector_load_idx %arg9[%add3A_467] : memref<18688xf32, #tpu.memory_space<vmem>>[vector<16xi32>], vector<16xf32>,
      %add3A_469 = arith.constant 0 : i32
      %add3A_470 = vector.broadcast %add3A_469 : i32 to vector<16xi32>
      %add3A_471 = arith.addi %add3A_466, %add3A_470 : vector<16xi32>
      %gather3A_472 = tpu.vector_load_idx %arg8[%add3A_471] : memref<6400xf32, #tpu.memory_space<vmem>>[vector<16xi32>], vector<16xf32>,
      %mul3A_473 = arith.mulf %gather3A_472, %broadcast_in_dim3A_458 : vector<16xf32>
      %mul3A_474 = arith.mulf %gather3A_468, %mul3A_473 : vector<16xf32>
      %add3A_475 = arith.constant 0 : i32
      %add3A_476 = vector.broadcast %add3A_475 : i32 to vector<16xi32>
      %add3A_477 = arith.addi %add3A_462, %add3A_476 : vector<16xi32>
      tpu.vector_store_idx %arg11[%add3A_477], %mul3A_474 {add = true} : memref<11968xf32, #tpu.memory_space<vmem>>[vector<16xi32>], vector<16xf32>,
      %add3A_478 = arith.addi %broadcast_in_dim3A_455, %select_n3A_114 : vector<16xi32>
      %gather3A_479 = tpu.vector_load_idx %arg9[%add3A_478] : memref<18688xf32, #tpu.memory_space<vmem>>[vector<16xi32>], vector<16xf32>,
      %add3A_480 = arith.constant 16 : i32
      %add3A_481 = vector.broadcast %add3A_480 : i32 to vector<16xi32>
      %add3A_482 = arith.addi %add3A_466, %add3A_481 : vector<16xi32>
      %gather3A_483 = tpu.vector_load_idx %arg8[%add3A_482] : memref<6400xf32, #tpu.memory_space<vmem>>[vector<16xi32>], vector<16xf32>,
      %mul3A_484 = arith.mulf %gather3A_483, %broadcast_in_dim3A_458 : vector<16xf32>
      %mul3A_485 = arith.mulf %gather3A_479, %mul3A_484 : vector<16xf32>
      %add3A_486 = arith.addf %mul3A_485, %convert_element_type3A_249 : vector<16xf32>
      %add3A_487 = arith.constant 16 : i32
      %add3A_488 = vector.broadcast %add3A_487 : i32 to vector<16xi32>
      %add3A_489 = arith.addi %add3A_462, %add3A_488 : vector<16xi32>
      tpu.vector_store_idx %arg11[%add3A_489], %add3A_486 {add = true} : memref<11968xf32, #tpu.memory_space<vmem>>[vector<16xi32>], vector<16xf32>,
      %add3A_490 = arith.addi %broadcast_in_dim3A_455, %select_n3A_139 : vector<16xi32>
      %gather3A_491 = tpu.vector_load_idx %arg9[%add3A_490] : memref<18688xf32, #tpu.memory_space<vmem>>[vector<16xi32>], vector<16xf32>,
      %add3A_492 = arith.constant 32 : i32
      %add3A_493 = vector.broadcast %add3A_492 : i32 to vector<16xi32>
      %add3A_494 = arith.addi %add3A_466, %add3A_493 : vector<16xi32>
      %gather3A_495 = tpu.vector_load_idx %arg8[%add3A_494] : memref<6400xf32, #tpu.memory_space<vmem>>[vector<16xi32>], vector<16xf32>,
      %mul3A_496 = arith.mulf %gather3A_495, %broadcast_in_dim3A_458 : vector<16xf32>
      %mul3A_497 = arith.mulf %gather3A_491, %mul3A_496 : vector<16xf32>
      %add3A_498 = arith.constant 32 : i32
      %add3A_499 = vector.broadcast %add3A_498 : i32 to vector<16xi32>
      %add3A_500 = arith.addi %add3A_462, %add3A_499 : vector<16xi32>
      tpu.vector_store_idx %arg11[%add3A_500], %mul3A_497 {add = true} : memref<11968xf32, #tpu.memory_space<vmem>>[vector<16xi32>], vector<16xf32>,
      %add3A_501 = arith.addi %broadcast_in_dim3A_455, %select_n3A_164 : vector<16xi32>
      %gather3A_502 = tpu.vector_load_idx %arg9[%add3A_501] : memref<18688xf32, #tpu.memory_space<vmem>>[vector<16xi32>], vector<16xf32>,
      %add3A_503 = arith.constant 48 : i32
      %add3A_504 = vector.broadcast %add3A_503 : i32 to vector<16xi32>
      %add3A_505 = arith.addi %add3A_466, %add3A_504 : vector<16xi32>
      %gather3A_506 = tpu.vector_load_idx %arg8[%add3A_505] : memref<6400xf32, #tpu.memory_space<vmem>>[vector<16xi32>], vector<16xf32>,
      %mul3A_507 = arith.mulf %gather3A_506, %broadcast_in_dim3A_458 : vector<16xf32>
      %mul3A_508 = arith.mulf %gather3A_502, %mul3A_507 : vector<16xf32>
      %add3A_509 = arith.addf %mul3A_508, %convert_element_type3A_172 : vector<16xf32>
      %add3A_510 = arith.constant 48 : i32
      %add3A_511 = vector.broadcast %add3A_510 : i32 to vector<16xi32>
      %add3A_512 = arith.addi %add3A_462, %add3A_511 : vector<16xi32>
      tpu.vector_store_idx %arg11[%add3A_512], %add3A_509 {add = true} : memref<11968xf32, #tpu.memory_space<vmem>>[vector<16xi32>], vector<16xf32>,
      %slice3A_513 = vector.extract_strided_slice %get3A_310 {offsets = [1], sizes = [1], strides = [1]} : vector<16xf32> to vector<1xf32>
      %squeeze3A_514 = vector.extract %slice3A_513[0] : f32 from vector<1xf32>
      %broadcast_in_dim3A_515 = vector.broadcast %squeeze3A_514 : f32 to vector<16xf32>
      tpu.vector_store_idx %arg9[%broadcast_in_dim3A_455], %broadcast_in_dim3A_515 masked %eq3A_45 {add = true} : memref<18688xf32, #tpu.memory_space<vmem>>[vector<16xi32>], vector<16xf32>, vector<16xi1>
      %slice3A_516 = vector.extract_strided_slice %get3A_310 {offsets = [8], sizes = [1], strides = [1]} : vector<16xf32> to vector<1xf32>
      %squeeze3A_517 = vector.extract %slice3A_516[0] : f32 from vector<1xf32>
      %sub3A_518 = arith.constant 1.000000e+05 : f32
      %sub3A_519 = arith.subf %squeeze3A_517, %sub3A_518 : f32
      %while3A_520:2 = scf.while (%while3A_878 = %while3A_452#0, %while3A_879 = %while3A_452#1) : (i32, f32) -> (i32, f32) {
        %lt3A_880 = arith.cmpf olt, %while3A_879, %sub3A_519 : f32
        scf.condition(%lt3A_880) %while3A_878, %while3A_879 : i32, f32
      } do {
      ^bb0(%while3A_878: i32, %while3A_879: f32):
        %add3A_880 = arith.constant 0 : i32
        %add3A_881 = arith.addi %add3A_880, %while3A_878 : i32
        %mul3A_882 = arith.constant 8 : i32
        %mul3A_883 = arith.muli %add3A_881, %mul3A_882 : i32
        %get3A_884 = arith.index_cast %mul3A_883 : i32 to index
        %get3A_885 = tpu.vector_load %arg13[%get3A_884] {strides = array<i32>} : memref<32832xf32, #tpu.memory_space<vmem>>, vector<16xf32>,
        %bitcast3A_886 = vector.bitcast %get3A_885 : vector<16xf32> to vector<16xi32>
        %slice3A_887 = vector.extract_strided_slice %bitcast3A_886 {offsets = [3], sizes = [1], strides = [1]} : vector<16xi32> to vector<1xi32>
        %squeeze3A_888 = vector.extract %slice3A_887[0] : i32 from vector<1xi32>
        %broadcast_in_dim3A_889 = vector.broadcast %squeeze3A_888 : i32 to vector<16xi32>
        %slice3A_890 = vector.extract_strided_slice %get3A_885 {offsets = [1], sizes = [1], strides = [1]} : vector<16xf32> to vector<1xf32>
        %squeeze3A_891 = vector.extract %slice3A_890[0] : f32 from vector<1xf32>
        %broadcast_in_dim3A_892 = vector.broadcast %squeeze3A_891 : f32 to vector<16xf32>
        %sub3A_893 = arith.subf %convert_element_type3A, %broadcast_in_dim3A_892 : vector<16xf32>
        tpu.vector_store_idx %arg9[%broadcast_in_dim3A_889], %sub3A_893 masked %eq3A_45 {add = true} : memref<18688xf32, #tpu.memory_space<vmem>>[vector<16xi32>], vector<16xf32>, vector<16xi1>
        %add3A_894 = arith.constant 0 : i32
        %add3A_895 = arith.addi %add3A_894, %while3A_878 : i32
        %add3A_896 = arith.constant 1 : i32
        %add3A_897 = arith.addi %add3A_895, %add3A_896 : i32
        %mul3A_898 = arith.constant 8 : i32
        %mul3A_899 = arith.muli %add3A_897, %mul3A_898 : i32
        %get3A_900 = arith.index_cast %mul3A_899 : i32 to index
        %get3A_901 = tpu.vector_load %arg13[%get3A_900] {strides = array<i32>} : memref<32832xf32, #tpu.memory_space<vmem>>, vector<16xf32>,
        %add3A_902 = arith.constant 1 : i32
        %add3A_903 = arith.addi %while3A_878, %add3A_902 : i32
        %slice3A_904 = vector.extract_strided_slice %get3A_901 {offsets = [0], sizes = [1], strides = [1]} : vector<16xf32> to vector<1xf32>
        %squeeze3A_905 = vector.extract %slice3A_904[0] : f32 from vector<1xf32>
        scf.yield %add3A_903, %squeeze3A_905 : i32, f32
      }
      %slice3A_521 = vector.extract_strided_slice %bitcast3A_312 {offsets = [11], sizes = [1], strides = [1]} : vector<16xi32> to vector<1xi32>
      %squeeze3A_522 = vector.extract %slice3A_521[0] : i32 from vector<1xi32>
      %broadcast_in_dim3A_523 = vector.broadcast %squeeze3A_522 : i32 to vector<16xi32>
      %slice3A_524 = vector.extract_strided_slice %get3A_310 {offsets = [10], sizes = [1], strides = [1]} : vector<16xf32> to vector<1xf32>
      %squeeze3A_525 = vector.extract %slice3A_524[0] : f32 from vector<1xf32>
      %broadcast_in_dim3A_526 = vector.broadcast %squeeze3A_525 : f32 to vector<16xf32>
      %slice3A_527 = vector.extract_strided_slice %bitcast3A_312 {offsets = [12], sizes = [1], strides = [1]} : vector<16xi32> to vector<1xi32>
      %squeeze3A_528 = vector.extract %slice3A_527[0] : i32 from vector<1xi32>
      %broadcast_in_dim3A_529 = vector.broadcast %squeeze3A_528 : i32 to vector<16xi32>
      %add3A_530 = arith.addi %broadcast_in_dim3A_529, %iota3A : vector<16xi32>
      %slice3A_531 = vector.extract_strided_slice %bitcast3A_312 {offsets = [13], sizes = [1], strides = [1]} : vector<16xi32> to vector<1xi32>
      %squeeze3A_532 = vector.extract %slice3A_531[0] : i32 from vector<1xi32>
      %broadcast_in_dim3A_533 = vector.broadcast %squeeze3A_532 : i32 to vector<16xi32>
      %add3A_534 = arith.addi %broadcast_in_dim3A_533, %iota3A : vector<16xi32>
      %add3A_535 = arith.addi %broadcast_in_dim3A_523, %select_n3A_89 : vector<16xi32>
      %gather3A_536 = tpu.vector_load_idx %arg9[%add3A_535] : memref<18688xf32, #tpu.memory_space<vmem>>[vector<16xi32>], vector<16xf32>,
      %add3A_537 = arith.constant 0 : i32
      %add3A_538 = vector.broadcast %add3A_537 : i32 to vector<16xi32>
      %add3A_539 = arith.addi %add3A_534, %add3A_538 : vector<16xi32>
      %gather3A_540 = tpu.vector_load_idx %arg8[%add3A_539] : memref<6400xf32, #tpu.memory_space<vmem>>[vector<16xi32>], vector<16xf32>,
      %mul3A_541 = arith.mulf %gather3A_540, %broadcast_in_dim3A_526 : vector<16xf32>
      %mul3A_542 = arith.mulf %gather3A_536, %mul3A_541 : vector<16xf32>
      %add3A_543 = arith.constant 0 : i32
      %add3A_544 = vector.broadcast %add3A_543 : i32 to vector<16xi32>
      %add3A_545 = arith.addi %add3A_530, %add3A_544 : vector<16xi32>
      tpu.vector_store_idx %arg11[%add3A_545], %mul3A_542 {add = true} : memref<11968xf32, #tpu.memory_space<vmem>>[vector<16xi32>], vector<16xf32>,
      %add3A_546 = arith.addi %broadcast_in_dim3A_523, %select_n3A_114 : vector<16xi32>
      %gather3A_547 = tpu.vector_load_idx %arg9[%add3A_546] : memref<18688xf32, #tpu.memory_space<vmem>>[vector<16xi32>], vector<16xf32>,
      %add3A_548 = arith.constant 16 : i32
      %add3A_549 = vector.broadcast %add3A_548 : i32 to vector<16xi32>
      %add3A_550 = arith.addi %add3A_534, %add3A_549 : vector<16xi32>
      %gather3A_551 = tpu.vector_load_idx %arg8[%add3A_550] : memref<6400xf32, #tpu.memory_space<vmem>>[vector<16xi32>], vector<16xf32>,
      %mul3A_552 = arith.mulf %gather3A_551, %broadcast_in_dim3A_526 : vector<16xf32>
      %mul3A_553 = arith.mulf %gather3A_547, %mul3A_552 : vector<16xf32>
      %add3A_554 = arith.addf %mul3A_553, %convert_element_type3A_249 : vector<16xf32>
      %add3A_555 = arith.constant 16 : i32
      %add3A_556 = vector.broadcast %add3A_555 : i32 to vector<16xi32>
      %add3A_557 = arith.addi %add3A_530, %add3A_556 : vector<16xi32>
      tpu.vector_store_idx %arg11[%add3A_557], %add3A_554 {add = true} : memref<11968xf32, #tpu.memory_space<vmem>>[vector<16xi32>], vector<16xf32>,
      %add3A_558 = arith.addi %broadcast_in_dim3A_523, %select_n3A_139 : vector<16xi32>
      %gather3A_559 = tpu.vector_load_idx %arg9[%add3A_558] : memref<18688xf32, #tpu.memory_space<vmem>>[vector<16xi32>], vector<16xf32>,
      %add3A_560 = arith.constant 32 : i32
      %add3A_561 = vector.broadcast %add3A_560 : i32 to vector<16xi32>
      %add3A_562 = arith.addi %add3A_534, %add3A_561 : vector<16xi32>
      %gather3A_563 = tpu.vector_load_idx %arg8[%add3A_562] : memref<6400xf32, #tpu.memory_space<vmem>>[vector<16xi32>], vector<16xf32>,
      %mul3A_564 = arith.mulf %gather3A_563, %broadcast_in_dim3A_526 : vector<16xf32>
      %mul3A_565 = arith.mulf %gather3A_559, %mul3A_564 : vector<16xf32>
      %add3A_566 = arith.constant 32 : i32
      %add3A_567 = vector.broadcast %add3A_566 : i32 to vector<16xi32>
      %add3A_568 = arith.addi %add3A_530, %add3A_567 : vector<16xi32>
      tpu.vector_store_idx %arg11[%add3A_568], %mul3A_565 {add = true} : memref<11968xf32, #tpu.memory_space<vmem>>[vector<16xi32>], vector<16xf32>,
      %add3A_569 = arith.addi %broadcast_in_dim3A_523, %select_n3A_164 : vector<16xi32>
      %gather3A_570 = tpu.vector_load_idx %arg9[%add3A_569] : memref<18688xf32, #tpu.memory_space<vmem>>[vector<16xi32>], vector<16xf32>,
      %add3A_571 = arith.constant 48 : i32
      %add3A_572 = vector.broadcast %add3A_571 : i32 to vector<16xi32>
      %add3A_573 = arith.addi %add3A_534, %add3A_572 : vector<16xi32>
      %gather3A_574 = tpu.vector_load_idx %arg8[%add3A_573] : memref<6400xf32, #tpu.memory_space<vmem>>[vector<16xi32>], vector<16xf32>,
      %mul3A_575 = arith.mulf %gather3A_574, %broadcast_in_dim3A_526 : vector<16xf32>
      %mul3A_576 = arith.mulf %gather3A_570, %mul3A_575 : vector<16xf32>
      %add3A_577 = arith.addf %mul3A_576, %convert_element_type3A_172 : vector<16xf32>
      %add3A_578 = arith.constant 48 : i32
      %add3A_579 = vector.broadcast %add3A_578 : i32 to vector<16xi32>
      %add3A_580 = arith.addi %add3A_530, %add3A_579 : vector<16xi32>
      tpu.vector_store_idx %arg11[%add3A_580], %add3A_577 {add = true} : memref<11968xf32, #tpu.memory_space<vmem>>[vector<16xi32>], vector<16xf32>,
      %slice3A_581 = vector.extract_strided_slice %get3A_310 {offsets = [9], sizes = [1], strides = [1]} : vector<16xf32> to vector<1xf32>
      %squeeze3A_582 = vector.extract %slice3A_581[0] : f32 from vector<1xf32>
      %broadcast_in_dim3A_583 = vector.broadcast %squeeze3A_582 : f32 to vector<16xf32>
      tpu.vector_store_idx %arg9[%broadcast_in_dim3A_523], %broadcast_in_dim3A_583 masked %eq3A_45 {add = true} : memref<18688xf32, #tpu.memory_space<vmem>>[vector<16xi32>], vector<16xf32>, vector<16xi1>
      %mul3A_584 = arith.constant 4 : i32
      %mul3A_585 = arith.muli %mul3A_584, %while3A_287 : i32
      %min3A_586 = arith.minsi %mul3A_585, %squeeze3A_183 : i32
      %add3A_587 = arith.constant 2052 : i32
      %add3A_588 = arith.addi %add3A_587, %min3A_586 : i32
      %mul3A_589 = arith.constant 4 : i32
      %mul3A_590 = arith.muli %mul3A_589, %while3A_287 : i32
      %add3A_591 = arith.constant 2 : i32
      %add3A_592 = arith.addi %mul3A_590, %add3A_591 : i32
      %min3A_593 = arith.minsi %add3A_592, %squeeze3A_183 : i32
      %add3A_594 = arith.constant 2052 : i32
      %add3A_595 = arith.addi %add3A_594, %min3A_593 : i32
      %mul3A_596 = arith.constant 8 : i32
      %mul3A_597 = arith.muli %add3A_588, %mul3A_596 : i32
      %get3A_598 = arith.index_cast %mul3A_597 : i32 to index
      %get3A_599 = tpu.vector_load %arg13[%get3A_598] {strides = array<i32>} : memref<32832xf32, #tpu.memory_space<vmem>>, vector<16xf32>,
      %mul3A_600 = arith.constant 8 : i32
      %mul3A_601 = arith.muli %add3A_595, %mul3A_600 : i32
      %get3A_602 = arith.index_cast %mul3A_601 : i32 to index
      %get3A_603 = tpu.vector_load %arg13[%get3A_602] {strides = array<i32>} : memref<32832xf32, #tpu.memory_space<vmem>>, vector<16xf32>,
      %bitcast3A_604 = vector.bitcast %get3A_599 : vector<16xf32> to vector<16xi32>
      %bitcast3A_605 = vector.bitcast %get3A_603 : vector<16xf32> to vector<16xi32>
      %slice3A_606 = vector.extract_strided_slice %get3A_599 {offsets = [0], sizes = [1], strides = [1]} : vector<16xf32> to vector<1xf32>
      %squeeze3A_607 = vector.extract %slice3A_606[0] : f32 from vector<1xf32>
      %sub3A_608 = arith.constant 1.000000e+05 : f32
      %sub3A_609 = arith.subf %squeeze3A_607, %sub3A_608 : f32
      %while3A_610:2 = scf.while (%while3A_878 = %while3A_290, %while3A_879 = %while3A_291) : (i32, f32) -> (i32, f32) {
        %lt3A_880 = arith.cmpf olt, %while3A_879, %sub3A_609 : f32
        scf.condition(%lt3A_880) %while3A_878, %while3A_879 : i32, f32
      } do {
      ^bb0(%while3A_878: i32, %while3A_879: f32):
        %add3A_880 = arith.constant 2052 : i32
        %add3A_881 = arith.addi %add3A_880, %while3A_878 : i32
        %mul3A_882 = arith.constant 8 : i32
        %mul3A_883 = arith.muli %add3A_881, %mul3A_882 : i32
        %get3A_884 = arith.index_cast %mul3A_883 : i32 to index
        %get3A_885 = tpu.vector_load %arg13[%get3A_884] {strides = array<i32>} : memref<32832xf32, #tpu.memory_space<vmem>>, vector<16xf32>,
        %bitcast3A_886 = vector.bitcast %get3A_885 : vector<16xf32> to vector<16xi32>
        %slice3A_887 = vector.extract_strided_slice %bitcast3A_886 {offsets = [3], sizes = [1], strides = [1]} : vector<16xi32> to vector<1xi32>
        %squeeze3A_888 = vector.extract %slice3A_887[0] : i32 from vector<1xi32>
        %broadcast_in_dim3A_889 = vector.broadcast %squeeze3A_888 : i32 to vector<16xi32>
        %slice3A_890 = vector.extract_strided_slice %get3A_885 {offsets = [1], sizes = [1], strides = [1]} : vector<16xf32> to vector<1xf32>
        %squeeze3A_891 = vector.extract %slice3A_890[0] : f32 from vector<1xf32>
        %broadcast_in_dim3A_892 = vector.broadcast %squeeze3A_891 : f32 to vector<16xf32>
        %sub3A_893 = arith.subf %convert_element_type3A, %broadcast_in_dim3A_892 : vector<16xf32>
        tpu.vector_store_idx %arg10[%broadcast_in_dim3A_889], %sub3A_893 masked %eq3A_45 {add = true} : memref<18688xf32, #tpu.memory_space<vmem>>[vector<16xi32>], vector<16xf32>, vector<16xi1>
        %add3A_894 = arith.constant 2052 : i32
        %add3A_895 = arith.addi %add3A_894, %while3A_878 : i32
        %add3A_896 = arith.constant 1 : i32
        %add3A_897 = arith.addi %add3A_895, %add3A_896 : i32
        %mul3A_898 = arith.constant 8 : i32
        %mul3A_899 = arith.muli %add3A_897, %mul3A_898 : i32
        %get3A_900 = arith.index_cast %mul3A_899 : i32 to index
        %get3A_901 = tpu.vector_load %arg13[%get3A_900] {strides = array<i32>} : memref<32832xf32, #tpu.memory_space<vmem>>, vector<16xf32>,
        %add3A_902 = arith.constant 1 : i32
        %add3A_903 = arith.addi %while3A_878, %add3A_902 : i32
        %slice3A_904 = vector.extract_strided_slice %get3A_901 {offsets = [0], sizes = [1], strides = [1]} : vector<16xf32> to vector<1xf32>
        %squeeze3A_905 = vector.extract %slice3A_904[0] : f32 from vector<1xf32>
        scf.yield %add3A_903, %squeeze3A_905 : i32, f32
      }
      %slice3A_611 = vector.extract_strided_slice %bitcast3A_604 {offsets = [3], sizes = [1], strides = [1]} : vector<16xi32> to vector<1xi32>
      %squeeze3A_612 = vector.extract %slice3A_611[0] : i32 from vector<1xi32>
      %broadcast_in_dim3A_613 = vector.broadcast %squeeze3A_612 : i32 to vector<16xi32>
      %slice3A_614 = vector.extract_strided_slice %get3A_599 {offsets = [2], sizes = [1], strides = [1]} : vector<16xf32> to vector<1xf32>
      %squeeze3A_615 = vector.extract %slice3A_614[0] : f32 from vector<1xf32>
      %broadcast_in_dim3A_616 = vector.broadcast %squeeze3A_615 : f32 to vector<16xf32>
      %slice3A_617 = vector.extract_strided_slice %bitcast3A_604 {offsets = [4], sizes = [1], strides = [1]} : vector<16xi32> to vector<1xi32>
      %squeeze3A_618 = vector.extract %slice3A_617[0] : i32 from vector<1xi32>
      %broadcast_in_dim3A_619 = vector.broadcast %squeeze3A_618 : i32 to vector<16xi32>
      %add3A_620 = arith.addi %broadcast_in_dim3A_619, %iota3A : vector<16xi32>
      %slice3A_621 = vector.extract_strided_slice %bitcast3A_604 {offsets = [5], sizes = [1], strides = [1]} : vector<16xi32> to vector<1xi32>
      %squeeze3A_622 = vector.extract %slice3A_621[0] : i32 from vector<1xi32>
      %broadcast_in_dim3A_623 = vector.broadcast %squeeze3A_622 : i32 to vector<16xi32>
      %add3A_624 = arith.addi %broadcast_in_dim3A_623, %iota3A : vector<16xi32>
      %add3A_625 = arith.addi %broadcast_in_dim3A_613, %select_n3A_89 : vector<16xi32>
      %gather3A_626 = tpu.vector_load_idx %arg10[%add3A_625] : memref<18688xf32, #tpu.memory_space<vmem>>[vector<16xi32>], vector<16xf32>,
      %add3A_627 = arith.constant 0 : i32
      %add3A_628 = vector.broadcast %add3A_627 : i32 to vector<16xi32>
      %add3A_629 = arith.addi %add3A_624, %add3A_628 : vector<16xi32>
      %gather3A_630 = tpu.vector_load_idx %arg8[%add3A_629] : memref<6400xf32, #tpu.memory_space<vmem>>[vector<16xi32>], vector<16xf32>,
      %mul3A_631 = arith.mulf %gather3A_630, %broadcast_in_dim3A_616 : vector<16xf32>
      %mul3A_632 = arith.mulf %gather3A_626, %mul3A_631 : vector<16xf32>
      %add3A_633 = arith.constant 0 : i32
      %add3A_634 = vector.broadcast %add3A_633 : i32 to vector<16xi32>
      %add3A_635 = arith.addi %add3A_620, %add3A_634 : vector<16xi32>
      tpu.vector_store_idx %arg12[%add3A_635], %mul3A_632 {add = true} : memref<11968xf32, #tpu.memory_space<vmem>>[vector<16xi32>], vector<16xf32>,
      %add3A_636 = arith.addi %broadcast_in_dim3A_613, %select_n3A_114 : vector<16xi32>
      %gather3A_637 = tpu.vector_load_idx %arg10[%add3A_636] : memref<18688xf32, #tpu.memory_space<vmem>>[vector<16xi32>], vector<16xf32>,
      %add3A_638 = arith.constant 16 : i32
      %add3A_639 = vector.broadcast %add3A_638 : i32 to vector<16xi32>
      %add3A_640 = arith.addi %add3A_624, %add3A_639 : vector<16xi32>
      %gather3A_641 = tpu.vector_load_idx %arg8[%add3A_640] : memref<6400xf32, #tpu.memory_space<vmem>>[vector<16xi32>], vector<16xf32>,
      %mul3A_642 = arith.mulf %gather3A_641, %broadcast_in_dim3A_616 : vector<16xf32>
      %mul3A_643 = arith.mulf %gather3A_637, %mul3A_642 : vector<16xf32>
      %add3A_644 = arith.addf %mul3A_643, %convert_element_type3A_249 : vector<16xf32>
      %add3A_645 = arith.constant 16 : i32
      %add3A_646 = vector.broadcast %add3A_645 : i32 to vector<16xi32>
      %add3A_647 = arith.addi %add3A_620, %add3A_646 : vector<16xi32>
      tpu.vector_store_idx %arg12[%add3A_647], %add3A_644 {add = true} : memref<11968xf32, #tpu.memory_space<vmem>>[vector<16xi32>], vector<16xf32>,
      %add3A_648 = arith.addi %broadcast_in_dim3A_613, %select_n3A_139 : vector<16xi32>
      %gather3A_649 = tpu.vector_load_idx %arg10[%add3A_648] : memref<18688xf32, #tpu.memory_space<vmem>>[vector<16xi32>], vector<16xf32>,
      %add3A_650 = arith.constant 32 : i32
      %add3A_651 = vector.broadcast %add3A_650 : i32 to vector<16xi32>
      %add3A_652 = arith.addi %add3A_624, %add3A_651 : vector<16xi32>
      %gather3A_653 = tpu.vector_load_idx %arg8[%add3A_652] : memref<6400xf32, #tpu.memory_space<vmem>>[vector<16xi32>], vector<16xf32>,
      %mul3A_654 = arith.mulf %gather3A_653, %broadcast_in_dim3A_616 : vector<16xf32>
      %mul3A_655 = arith.mulf %gather3A_649, %mul3A_654 : vector<16xf32>
      %add3A_656 = arith.constant 32 : i32
      %add3A_657 = vector.broadcast %add3A_656 : i32 to vector<16xi32>
      %add3A_658 = arith.addi %add3A_620, %add3A_657 : vector<16xi32>
      tpu.vector_store_idx %arg12[%add3A_658], %mul3A_655 {add = true} : memref<11968xf32, #tpu.memory_space<vmem>>[vector<16xi32>], vector<16xf32>,
      %add3A_659 = arith.addi %broadcast_in_dim3A_613, %select_n3A_164 : vector<16xi32>
      %gather3A_660 = tpu.vector_load_idx %arg10[%add3A_659] : memref<18688xf32, #tpu.memory_space<vmem>>[vector<16xi32>], vector<16xf32>,
      %add3A_661 = arith.constant 48 : i32
      %add3A_662 = vector.broadcast %add3A_661 : i32 to vector<16xi32>
      %add3A_663 = arith.addi %add3A_624, %add3A_662 : vector<16xi32>
      %gather3A_664 = tpu.vector_load_idx %arg8[%add3A_663] : memref<6400xf32, #tpu.memory_space<vmem>>[vector<16xi32>], vector<16xf32>,
      %mul3A_665 = arith.mulf %gather3A_664, %broadcast_in_dim3A_616 : vector<16xf32>
      %mul3A_666 = arith.mulf %gather3A_660, %mul3A_665 : vector<16xf32>
      %add3A_667 = arith.addf %mul3A_666, %convert_element_type3A_172 : vector<16xf32>
      %add3A_668 = arith.constant 48 : i32
      %add3A_669 = vector.broadcast %add3A_668 : i32 to vector<16xi32>
      %add3A_670 = arith.addi %add3A_620, %add3A_669 : vector<16xi32>
      tpu.vector_store_idx %arg12[%add3A_670], %add3A_667 {add = true} : memref<11968xf32, #tpu.memory_space<vmem>>[vector<16xi32>], vector<16xf32>,
      %slice3A_671 = vector.extract_strided_slice %get3A_599 {offsets = [1], sizes = [1], strides = [1]} : vector<16xf32> to vector<1xf32>
      %squeeze3A_672 = vector.extract %slice3A_671[0] : f32 from vector<1xf32>
      %broadcast_in_dim3A_673 = vector.broadcast %squeeze3A_672 : f32 to vector<16xf32>
      tpu.vector_store_idx %arg10[%broadcast_in_dim3A_613], %broadcast_in_dim3A_673 masked %eq3A_45 {add = true} : memref<18688xf32, #tpu.memory_space<vmem>>[vector<16xi32>], vector<16xf32>, vector<16xi1>
      %slice3A_674 = vector.extract_strided_slice %get3A_599 {offsets = [8], sizes = [1], strides = [1]} : vector<16xf32> to vector<1xf32>
      %squeeze3A_675 = vector.extract %slice3A_674[0] : f32 from vector<1xf32>
      %sub3A_676 = arith.constant 1.000000e+05 : f32
      %sub3A_677 = arith.subf %squeeze3A_675, %sub3A_676 : f32
      %while3A_678:2 = scf.while (%while3A_878 = %while3A_610#0, %while3A_879 = %while3A_610#1) : (i32, f32) -> (i32, f32) {
        %lt3A_880 = arith.cmpf olt, %while3A_879, %sub3A_677 : f32
        scf.condition(%lt3A_880) %while3A_878, %while3A_879 : i32, f32
      } do {
      ^bb0(%while3A_878: i32, %while3A_879: f32):
        %add3A_880 = arith.constant 2052 : i32
        %add3A_881 = arith.addi %add3A_880, %while3A_878 : i32
        %mul3A_882 = arith.constant 8 : i32
        %mul3A_883 = arith.muli %add3A_881, %mul3A_882 : i32
        %get3A_884 = arith.index_cast %mul3A_883 : i32 to index
        %get3A_885 = tpu.vector_load %arg13[%get3A_884] {strides = array<i32>} : memref<32832xf32, #tpu.memory_space<vmem>>, vector<16xf32>,
        %bitcast3A_886 = vector.bitcast %get3A_885 : vector<16xf32> to vector<16xi32>
        %slice3A_887 = vector.extract_strided_slice %bitcast3A_886 {offsets = [3], sizes = [1], strides = [1]} : vector<16xi32> to vector<1xi32>
        %squeeze3A_888 = vector.extract %slice3A_887[0] : i32 from vector<1xi32>
        %broadcast_in_dim3A_889 = vector.broadcast %squeeze3A_888 : i32 to vector<16xi32>
        %slice3A_890 = vector.extract_strided_slice %get3A_885 {offsets = [1], sizes = [1], strides = [1]} : vector<16xf32> to vector<1xf32>
        %squeeze3A_891 = vector.extract %slice3A_890[0] : f32 from vector<1xf32>
        %broadcast_in_dim3A_892 = vector.broadcast %squeeze3A_891 : f32 to vector<16xf32>
        %sub3A_893 = arith.subf %convert_element_type3A, %broadcast_in_dim3A_892 : vector<16xf32>
        tpu.vector_store_idx %arg10[%broadcast_in_dim3A_889], %sub3A_893 masked %eq3A_45 {add = true} : memref<18688xf32, #tpu.memory_space<vmem>>[vector<16xi32>], vector<16xf32>, vector<16xi1>
        %add3A_894 = arith.constant 2052 : i32
        %add3A_895 = arith.addi %add3A_894, %while3A_878 : i32
        %add3A_896 = arith.constant 1 : i32
        %add3A_897 = arith.addi %add3A_895, %add3A_896 : i32
        %mul3A_898 = arith.constant 8 : i32
        %mul3A_899 = arith.muli %add3A_897, %mul3A_898 : i32
        %get3A_900 = arith.index_cast %mul3A_899 : i32 to index
        %get3A_901 = tpu.vector_load %arg13[%get3A_900] {strides = array<i32>} : memref<32832xf32, #tpu.memory_space<vmem>>, vector<16xf32>,
        %add3A_902 = arith.constant 1 : i32
        %add3A_903 = arith.addi %while3A_878, %add3A_902 : i32
        %slice3A_904 = vector.extract_strided_slice %get3A_901 {offsets = [0], sizes = [1], strides = [1]} : vector<16xf32> to vector<1xf32>
        %squeeze3A_905 = vector.extract %slice3A_904[0] : f32 from vector<1xf32>
        scf.yield %add3A_903, %squeeze3A_905 : i32, f32
      }
      %slice3A_679 = vector.extract_strided_slice %bitcast3A_604 {offsets = [11], sizes = [1], strides = [1]} : vector<16xi32> to vector<1xi32>
      %squeeze3A_680 = vector.extract %slice3A_679[0] : i32 from vector<1xi32>
      %broadcast_in_dim3A_681 = vector.broadcast %squeeze3A_680 : i32 to vector<16xi32>
      %slice3A_682 = vector.extract_strided_slice %get3A_599 {offsets = [10], sizes = [1], strides = [1]} : vector<16xf32> to vector<1xf32>
      %squeeze3A_683 = vector.extract %slice3A_682[0] : f32 from vector<1xf32>
      %broadcast_in_dim3A_684 = vector.broadcast %squeeze3A_683 : f32 to vector<16xf32>
      %slice3A_685 = vector.extract_strided_slice %bitcast3A_604 {offsets = [12], sizes = [1], strides = [1]} : vector<16xi32> to vector<1xi32>
      %squeeze3A_686 = vector.extract %slice3A_685[0] : i32 from vector<1xi32>
      %broadcast_in_dim3A_687 = vector.broadcast %squeeze3A_686 : i32 to vector<16xi32>
      %add3A_688 = arith.addi %broadcast_in_dim3A_687, %iota3A : vector<16xi32>
      %slice3A_689 = vector.extract_strided_slice %bitcast3A_604 {offsets = [13], sizes = [1], strides = [1]} : vector<16xi32> to vector<1xi32>
      %squeeze3A_690 = vector.extract %slice3A_689[0] : i32 from vector<1xi32>
      %broadcast_in_dim3A_691 = vector.broadcast %squeeze3A_690 : i32 to vector<16xi32>
      %add3A_692 = arith.addi %broadcast_in_dim3A_691, %iota3A : vector<16xi32>
      %add3A_693 = arith.addi %broadcast_in_dim3A_681, %select_n3A_89 : vector<16xi32>
      %gather3A_694 = tpu.vector_load_idx %arg10[%add3A_693] : memref<18688xf32, #tpu.memory_space<vmem>>[vector<16xi32>], vector<16xf32>,
      %add3A_695 = arith.constant 0 : i32
      %add3A_696 = vector.broadcast %add3A_695 : i32 to vector<16xi32>
      %add3A_697 = arith.addi %add3A_692, %add3A_696 : vector<16xi32>
      %gather3A_698 = tpu.vector_load_idx %arg8[%add3A_697] : memref<6400xf32, #tpu.memory_space<vmem>>[vector<16xi32>], vector<16xf32>,
      %mul3A_699 = arith.mulf %gather3A_698, %broadcast_in_dim3A_684 : vector<16xf32>
      %mul3A_700 = arith.mulf %gather3A_694, %mul3A_699 : vector<16xf32>
      %add3A_701 = arith.constant 0 : i32
      %add3A_702 = vector.broadcast %add3A_701 : i32 to vector<16xi32>
      %add3A_703 = arith.addi %add3A_688, %add3A_702 : vector<16xi32>
      tpu.vector_store_idx %arg12[%add3A_703], %mul3A_700 {add = true} : memref<11968xf32, #tpu.memory_space<vmem>>[vector<16xi32>], vector<16xf32>,
      %add3A_704 = arith.addi %broadcast_in_dim3A_681, %select_n3A_114 : vector<16xi32>
      %gather3A_705 = tpu.vector_load_idx %arg10[%add3A_704] : memref<18688xf32, #tpu.memory_space<vmem>>[vector<16xi32>], vector<16xf32>,
      %add3A_706 = arith.constant 16 : i32
      %add3A_707 = vector.broadcast %add3A_706 : i32 to vector<16xi32>
      %add3A_708 = arith.addi %add3A_692, %add3A_707 : vector<16xi32>
      %gather3A_709 = tpu.vector_load_idx %arg8[%add3A_708] : memref<6400xf32, #tpu.memory_space<vmem>>[vector<16xi32>], vector<16xf32>,
      %mul3A_710 = arith.mulf %gather3A_709, %broadcast_in_dim3A_684 : vector<16xf32>
      %mul3A_711 = arith.mulf %gather3A_705, %mul3A_710 : vector<16xf32>
      %add3A_712 = arith.addf %mul3A_711, %convert_element_type3A_249 : vector<16xf32>
      %add3A_713 = arith.constant 16 : i32
      %add3A_714 = vector.broadcast %add3A_713 : i32 to vector<16xi32>
      %add3A_715 = arith.addi %add3A_688, %add3A_714 : vector<16xi32>
      tpu.vector_store_idx %arg12[%add3A_715], %add3A_712 {add = true} : memref<11968xf32, #tpu.memory_space<vmem>>[vector<16xi32>], vector<16xf32>,
      %add3A_716 = arith.addi %broadcast_in_dim3A_681, %select_n3A_139 : vector<16xi32>
      %gather3A_717 = tpu.vector_load_idx %arg10[%add3A_716] : memref<18688xf32, #tpu.memory_space<vmem>>[vector<16xi32>], vector<16xf32>,
      %add3A_718 = arith.constant 32 : i32
      %add3A_719 = vector.broadcast %add3A_718 : i32 to vector<16xi32>
      %add3A_720 = arith.addi %add3A_692, %add3A_719 : vector<16xi32>
      %gather3A_721 = tpu.vector_load_idx %arg8[%add3A_720] : memref<6400xf32, #tpu.memory_space<vmem>>[vector<16xi32>], vector<16xf32>,
      %mul3A_722 = arith.mulf %gather3A_721, %broadcast_in_dim3A_684 : vector<16xf32>
      %mul3A_723 = arith.mulf %gather3A_717, %mul3A_722 : vector<16xf32>
      %add3A_724 = arith.constant 32 : i32
      %add3A_725 = vector.broadcast %add3A_724 : i32 to vector<16xi32>
      %add3A_726 = arith.addi %add3A_688, %add3A_725 : vector<16xi32>
      tpu.vector_store_idx %arg12[%add3A_726], %mul3A_723 {add = true} : memref<11968xf32, #tpu.memory_space<vmem>>[vector<16xi32>], vector<16xf32>,
      %add3A_727 = arith.addi %broadcast_in_dim3A_681, %select_n3A_164 : vector<16xi32>
      %gather3A_728 = tpu.vector_load_idx %arg10[%add3A_727] : memref<18688xf32, #tpu.memory_space<vmem>>[vector<16xi32>], vector<16xf32>,
      %add3A_729 = arith.constant 48 : i32
      %add3A_730 = vector.broadcast %add3A_729 : i32 to vector<16xi32>
      %add3A_731 = arith.addi %add3A_692, %add3A_730 : vector<16xi32>
      %gather3A_732 = tpu.vector_load_idx %arg8[%add3A_731] : memref<6400xf32, #tpu.memory_space<vmem>>[vector<16xi32>], vector<16xf32>,
      %mul3A_733 = arith.mulf %gather3A_732, %broadcast_in_dim3A_684 : vector<16xf32>
      %mul3A_734 = arith.mulf %gather3A_728, %mul3A_733 : vector<16xf32>
      %add3A_735 = arith.addf %mul3A_734, %convert_element_type3A_172 : vector<16xf32>
      %add3A_736 = arith.constant 48 : i32
      %add3A_737 = vector.broadcast %add3A_736 : i32 to vector<16xi32>
      %add3A_738 = arith.addi %add3A_688, %add3A_737 : vector<16xi32>
      tpu.vector_store_idx %arg12[%add3A_738], %add3A_735 {add = true} : memref<11968xf32, #tpu.memory_space<vmem>>[vector<16xi32>], vector<16xf32>,
      %slice3A_739 = vector.extract_strided_slice %get3A_599 {offsets = [9], sizes = [1], strides = [1]} : vector<16xf32> to vector<1xf32>
      %squeeze3A_740 = vector.extract %slice3A_739[0] : f32 from vector<1xf32>
      %broadcast_in_dim3A_741 = vector.broadcast %squeeze3A_740 : f32 to vector<16xf32>
      tpu.vector_store_idx %arg10[%broadcast_in_dim3A_681], %broadcast_in_dim3A_741 masked %eq3A_45 {add = true} : memref<18688xf32, #tpu.memory_space<vmem>>[vector<16xi32>], vector<16xf32>, vector<16xi1>
      %slice3A_742 = vector.extract_strided_slice %get3A_603 {offsets = [0], sizes = [1], strides = [1]} : vector<16xf32> to vector<1xf32>
      %squeeze3A_743 = vector.extract %slice3A_742[0] : f32 from vector<1xf32>
      %sub3A_744 = arith.constant 1.000000e+05 : f32
      %sub3A_745 = arith.subf %squeeze3A_743, %sub3A_744 : f32
      %while3A_746:2 = scf.while (%while3A_878 = %while3A_678#0, %while3A_879 = %while3A_678#1) : (i32, f32) -> (i32, f32) {
        %lt3A_880 = arith.cmpf olt, %while3A_879, %sub3A_745 : f32
        scf.condition(%lt3A_880) %while3A_878, %while3A_879 : i32, f32
      } do {
      ^bb0(%while3A_878: i32, %while3A_879: f32):
        %add3A_880 = arith.constant 2052 : i32
        %add3A_881 = arith.addi %add3A_880, %while3A_878 : i32
        %mul3A_882 = arith.constant 8 : i32
        %mul3A_883 = arith.muli %add3A_881, %mul3A_882 : i32
        %get3A_884 = arith.index_cast %mul3A_883 : i32 to index
        %get3A_885 = tpu.vector_load %arg13[%get3A_884] {strides = array<i32>} : memref<32832xf32, #tpu.memory_space<vmem>>, vector<16xf32>,
        %bitcast3A_886 = vector.bitcast %get3A_885 : vector<16xf32> to vector<16xi32>
        %slice3A_887 = vector.extract_strided_slice %bitcast3A_886 {offsets = [3], sizes = [1], strides = [1]} : vector<16xi32> to vector<1xi32>
        %squeeze3A_888 = vector.extract %slice3A_887[0] : i32 from vector<1xi32>
        %broadcast_in_dim3A_889 = vector.broadcast %squeeze3A_888 : i32 to vector<16xi32>
        %slice3A_890 = vector.extract_strided_slice %get3A_885 {offsets = [1], sizes = [1], strides = [1]} : vector<16xf32> to vector<1xf32>
        %squeeze3A_891 = vector.extract %slice3A_890[0] : f32 from vector<1xf32>
        %broadcast_in_dim3A_892 = vector.broadcast %squeeze3A_891 : f32 to vector<16xf32>
        %sub3A_893 = arith.subf %convert_element_type3A, %broadcast_in_dim3A_892 : vector<16xf32>
        tpu.vector_store_idx %arg10[%broadcast_in_dim3A_889], %sub3A_893 masked %eq3A_45 {add = true} : memref<18688xf32, #tpu.memory_space<vmem>>[vector<16xi32>], vector<16xf32>, vector<16xi1>
        %add3A_894 = arith.constant 2052 : i32
        %add3A_895 = arith.addi %add3A_894, %while3A_878 : i32
        %add3A_896 = arith.constant 1 : i32
        %add3A_897 = arith.addi %add3A_895, %add3A_896 : i32
        %mul3A_898 = arith.constant 8 : i32
        %mul3A_899 = arith.muli %add3A_897, %mul3A_898 : i32
        %get3A_900 = arith.index_cast %mul3A_899 : i32 to index
        %get3A_901 = tpu.vector_load %arg13[%get3A_900] {strides = array<i32>} : memref<32832xf32, #tpu.memory_space<vmem>>, vector<16xf32>,
        %add3A_902 = arith.constant 1 : i32
        %add3A_903 = arith.addi %while3A_878, %add3A_902 : i32
        %slice3A_904 = vector.extract_strided_slice %get3A_901 {offsets = [0], sizes = [1], strides = [1]} : vector<16xf32> to vector<1xf32>
        %squeeze3A_905 = vector.extract %slice3A_904[0] : f32 from vector<1xf32>
        scf.yield %add3A_903, %squeeze3A_905 : i32, f32
      }
      %slice3A_747 = vector.extract_strided_slice %bitcast3A_605 {offsets = [3], sizes = [1], strides = [1]} : vector<16xi32> to vector<1xi32>
      %squeeze3A_748 = vector.extract %slice3A_747[0] : i32 from vector<1xi32>
      %broadcast_in_dim3A_749 = vector.broadcast %squeeze3A_748 : i32 to vector<16xi32>
      %slice3A_750 = vector.extract_strided_slice %get3A_603 {offsets = [2], sizes = [1], strides = [1]} : vector<16xf32> to vector<1xf32>
      %squeeze3A_751 = vector.extract %slice3A_750[0] : f32 from vector<1xf32>
      %broadcast_in_dim3A_752 = vector.broadcast %squeeze3A_751 : f32 to vector<16xf32>
      %slice3A_753 = vector.extract_strided_slice %bitcast3A_605 {offsets = [4], sizes = [1], strides = [1]} : vector<16xi32> to vector<1xi32>
      %squeeze3A_754 = vector.extract %slice3A_753[0] : i32 from vector<1xi32>
      %broadcast_in_dim3A_755 = vector.broadcast %squeeze3A_754 : i32 to vector<16xi32>
      %add3A_756 = arith.addi %broadcast_in_dim3A_755, %iota3A : vector<16xi32>
      %slice3A_757 = vector.extract_strided_slice %bitcast3A_605 {offsets = [5], sizes = [1], strides = [1]} : vector<16xi32> to vector<1xi32>
      %squeeze3A_758 = vector.extract %slice3A_757[0] : i32 from vector<1xi32>
      %broadcast_in_dim3A_759 = vector.broadcast %squeeze3A_758 : i32 to vector<16xi32>
      %add3A_760 = arith.addi %broadcast_in_dim3A_759, %iota3A : vector<16xi32>
      %add3A_761 = arith.addi %broadcast_in_dim3A_749, %select_n3A_89 : vector<16xi32>
      %gather3A_762 = tpu.vector_load_idx %arg10[%add3A_761] : memref<18688xf32, #tpu.memory_space<vmem>>[vector<16xi32>], vector<16xf32>,
      %add3A_763 = arith.constant 0 : i32
      %add3A_764 = vector.broadcast %add3A_763 : i32 to vector<16xi32>
      %add3A_765 = arith.addi %add3A_760, %add3A_764 : vector<16xi32>
      %gather3A_766 = tpu.vector_load_idx %arg8[%add3A_765] : memref<6400xf32, #tpu.memory_space<vmem>>[vector<16xi32>], vector<16xf32>,
      %mul3A_767 = arith.mulf %gather3A_766, %broadcast_in_dim3A_752 : vector<16xf32>
      %mul3A_768 = arith.mulf %gather3A_762, %mul3A_767 : vector<16xf32>
      %add3A_769 = arith.constant 0 : i32
      %add3A_770 = vector.broadcast %add3A_769 : i32 to vector<16xi32>
      %add3A_771 = arith.addi %add3A_756, %add3A_770 : vector<16xi32>
      tpu.vector_store_idx %arg12[%add3A_771], %mul3A_768 {add = true} : memref<11968xf32, #tpu.memory_space<vmem>>[vector<16xi32>], vector<16xf32>,
      %add3A_772 = arith.addi %broadcast_in_dim3A_749, %select_n3A_114 : vector<16xi32>
      %gather3A_773 = tpu.vector_load_idx %arg10[%add3A_772] : memref<18688xf32, #tpu.memory_space<vmem>>[vector<16xi32>], vector<16xf32>,
      %add3A_774 = arith.constant 16 : i32
      %add3A_775 = vector.broadcast %add3A_774 : i32 to vector<16xi32>
      %add3A_776 = arith.addi %add3A_760, %add3A_775 : vector<16xi32>
      %gather3A_777 = tpu.vector_load_idx %arg8[%add3A_776] : memref<6400xf32, #tpu.memory_space<vmem>>[vector<16xi32>], vector<16xf32>,
      %mul3A_778 = arith.mulf %gather3A_777, %broadcast_in_dim3A_752 : vector<16xf32>
      %mul3A_779 = arith.mulf %gather3A_773, %mul3A_778 : vector<16xf32>
      %add3A_780 = arith.addf %mul3A_779, %convert_element_type3A_249 : vector<16xf32>
      %add3A_781 = arith.constant 16 : i32
      %add3A_782 = vector.broadcast %add3A_781 : i32 to vector<16xi32>
      %add3A_783 = arith.addi %add3A_756, %add3A_782 : vector<16xi32>
      tpu.vector_store_idx %arg12[%add3A_783], %add3A_780 {add = true} : memref<11968xf32, #tpu.memory_space<vmem>>[vector<16xi32>], vector<16xf32>,
      %add3A_784 = arith.addi %broadcast_in_dim3A_749, %select_n3A_139 : vector<16xi32>
      %gather3A_785 = tpu.vector_load_idx %arg10[%add3A_784] : memref<18688xf32, #tpu.memory_space<vmem>>[vector<16xi32>], vector<16xf32>,
      %add3A_786 = arith.constant 32 : i32
      %add3A_787 = vector.broadcast %add3A_786 : i32 to vector<16xi32>
      %add3A_788 = arith.addi %add3A_760, %add3A_787 : vector<16xi32>
      %gather3A_789 = tpu.vector_load_idx %arg8[%add3A_788] : memref<6400xf32, #tpu.memory_space<vmem>>[vector<16xi32>], vector<16xf32>,
      %mul3A_790 = arith.mulf %gather3A_789, %broadcast_in_dim3A_752 : vector<16xf32>
      %mul3A_791 = arith.mulf %gather3A_785, %mul3A_790 : vector<16xf32>
      %add3A_792 = arith.constant 32 : i32
      %add3A_793 = vector.broadcast %add3A_792 : i32 to vector<16xi32>
      %add3A_794 = arith.addi %add3A_756, %add3A_793 : vector<16xi32>
      tpu.vector_store_idx %arg12[%add3A_794], %mul3A_791 {add = true} : memref<11968xf32, #tpu.memory_space<vmem>>[vector<16xi32>], vector<16xf32>,
      %add3A_795 = arith.addi %broadcast_in_dim3A_749, %select_n3A_164 : vector<16xi32>
      %gather3A_796 = tpu.vector_load_idx %arg10[%add3A_795] : memref<18688xf32, #tpu.memory_space<vmem>>[vector<16xi32>], vector<16xf32>,
      %add3A_797 = arith.constant 48 : i32
      %add3A_798 = vector.broadcast %add3A_797 : i32 to vector<16xi32>
      %add3A_799 = arith.addi %add3A_760, %add3A_798 : vector<16xi32>
      %gather3A_800 = tpu.vector_load_idx %arg8[%add3A_799] : memref<6400xf32, #tpu.memory_space<vmem>>[vector<16xi32>], vector<16xf32>,
      %mul3A_801 = arith.mulf %gather3A_800, %broadcast_in_dim3A_752 : vector<16xf32>
      %mul3A_802 = arith.mulf %gather3A_796, %mul3A_801 : vector<16xf32>
      %add3A_803 = arith.addf %mul3A_802, %convert_element_type3A_172 : vector<16xf32>
      %add3A_804 = arith.constant 48 : i32
      %add3A_805 = vector.broadcast %add3A_804 : i32 to vector<16xi32>
      %add3A_806 = arith.addi %add3A_756, %add3A_805 : vector<16xi32>
      tpu.vector_store_idx %arg12[%add3A_806], %add3A_803 {add = true} : memref<11968xf32, #tpu.memory_space<vmem>>[vector<16xi32>], vector<16xf32>,
      %slice3A_807 = vector.extract_strided_slice %get3A_603 {offsets = [1], sizes = [1], strides = [1]} : vector<16xf32> to vector<1xf32>
      %squeeze3A_808 = vector.extract %slice3A_807[0] : f32 from vector<1xf32>
      %broadcast_in_dim3A_809 = vector.broadcast %squeeze3A_808 : f32 to vector<16xf32>
      tpu.vector_store_idx %arg10[%broadcast_in_dim3A_749], %broadcast_in_dim3A_809 masked %eq3A_45 {add = true} : memref<18688xf32, #tpu.memory_space<vmem>>[vector<16xi32>], vector<16xf32>, vector<16xi1>
      %slice3A_810 = vector.extract_strided_slice %get3A_603 {offsets = [8], sizes = [1], strides = [1]} : vector<16xf32> to vector<1xf32>
      %squeeze3A_811 = vector.extract %slice3A_810[0] : f32 from vector<1xf32>
      %sub3A_812 = arith.constant 1.000000e+05 : f32
      %sub3A_813 = arith.subf %squeeze3A_811, %sub3A_812 : f32
      %while3A_814:2 = scf.while (%while3A_878 = %while3A_746#0, %while3A_879 = %while3A_746#1) : (i32, f32) -> (i32, f32) {
        %lt3A_880 = arith.cmpf olt, %while3A_879, %sub3A_813 : f32
        scf.condition(%lt3A_880) %while3A_878, %while3A_879 : i32, f32
      } do {
      ^bb0(%while3A_878: i32, %while3A_879: f32):
        %add3A_880 = arith.constant 2052 : i32
        %add3A_881 = arith.addi %add3A_880, %while3A_878 : i32
        %mul3A_882 = arith.constant 8 : i32
        %mul3A_883 = arith.muli %add3A_881, %mul3A_882 : i32
        %get3A_884 = arith.index_cast %mul3A_883 : i32 to index
        %get3A_885 = tpu.vector_load %arg13[%get3A_884] {strides = array<i32>} : memref<32832xf32, #tpu.memory_space<vmem>>, vector<16xf32>,
        %bitcast3A_886 = vector.bitcast %get3A_885 : vector<16xf32> to vector<16xi32>
        %slice3A_887 = vector.extract_strided_slice %bitcast3A_886 {offsets = [3], sizes = [1], strides = [1]} : vector<16xi32> to vector<1xi32>
        %squeeze3A_888 = vector.extract %slice3A_887[0] : i32 from vector<1xi32>
        %broadcast_in_dim3A_889 = vector.broadcast %squeeze3A_888 : i32 to vector<16xi32>
        %slice3A_890 = vector.extract_strided_slice %get3A_885 {offsets = [1], sizes = [1], strides = [1]} : vector<16xf32> to vector<1xf32>
        %squeeze3A_891 = vector.extract %slice3A_890[0] : f32 from vector<1xf32>
        %broadcast_in_dim3A_892 = vector.broadcast %squeeze3A_891 : f32 to vector<16xf32>
        %sub3A_893 = arith.subf %convert_element_type3A, %broadcast_in_dim3A_892 : vector<16xf32>
        tpu.vector_store_idx %arg10[%broadcast_in_dim3A_889], %sub3A_893 masked %eq3A_45 {add = true} : memref<18688xf32, #tpu.memory_space<vmem>>[vector<16xi32>], vector<16xf32>, vector<16xi1>
        %add3A_894 = arith.constant 2052 : i32
        %add3A_895 = arith.addi %add3A_894, %while3A_878 : i32
        %add3A_896 = arith.constant 1 : i32
        %add3A_897 = arith.addi %add3A_895, %add3A_896 : i32
        %mul3A_898 = arith.constant 8 : i32
        %mul3A_899 = arith.muli %add3A_897, %mul3A_898 : i32
        %get3A_900 = arith.index_cast %mul3A_899 : i32 to index
        %get3A_901 = tpu.vector_load %arg13[%get3A_900] {strides = array<i32>} : memref<32832xf32, #tpu.memory_space<vmem>>, vector<16xf32>,
        %add3A_902 = arith.constant 1 : i32
        %add3A_903 = arith.addi %while3A_878, %add3A_902 : i32
        %slice3A_904 = vector.extract_strided_slice %get3A_901 {offsets = [0], sizes = [1], strides = [1]} : vector<16xf32> to vector<1xf32>
        %squeeze3A_905 = vector.extract %slice3A_904[0] : f32 from vector<1xf32>
        scf.yield %add3A_903, %squeeze3A_905 : i32, f32
      }
      %slice3A_815 = vector.extract_strided_slice %bitcast3A_605 {offsets = [11], sizes = [1], strides = [1]} : vector<16xi32> to vector<1xi32>
      %squeeze3A_816 = vector.extract %slice3A_815[0] : i32 from vector<1xi32>
      %broadcast_in_dim3A_817 = vector.broadcast %squeeze3A_816 : i32 to vector<16xi32>
      %slice3A_818 = vector.extract_strided_slice %get3A_603 {offsets = [10], sizes = [1], strides = [1]} : vector<16xf32> to vector<1xf32>
      %squeeze3A_819 = vector.extract %slice3A_818[0] : f32 from vector<1xf32>
      %broadcast_in_dim3A_820 = vector.broadcast %squeeze3A_819 : f32 to vector<16xf32>
      %slice3A_821 = vector.extract_strided_slice %bitcast3A_605 {offsets = [12], sizes = [1], strides = [1]} : vector<16xi32> to vector<1xi32>
      %squeeze3A_822 = vector.extract %slice3A_821[0] : i32 from vector<1xi32>
      %broadcast_in_dim3A_823 = vector.broadcast %squeeze3A_822 : i32 to vector<16xi32>
      %add3A_824 = arith.addi %broadcast_in_dim3A_823, %iota3A : vector<16xi32>
      %slice3A_825 = vector.extract_strided_slice %bitcast3A_605 {offsets = [13], sizes = [1], strides = [1]} : vector<16xi32> to vector<1xi32>
      %squeeze3A_826 = vector.extract %slice3A_825[0] : i32 from vector<1xi32>
      %broadcast_in_dim3A_827 = vector.broadcast %squeeze3A_826 : i32 to vector<16xi32>
      %add3A_828 = arith.addi %broadcast_in_dim3A_827, %iota3A : vector<16xi32>
      %add3A_829 = arith.addi %broadcast_in_dim3A_817, %select_n3A_89 : vector<16xi32>
      %gather3A_830 = tpu.vector_load_idx %arg10[%add3A_829] : memref<18688xf32, #tpu.memory_space<vmem>>[vector<16xi32>], vector<16xf32>,
      %add3A_831 = arith.constant 0 : i32
      %add3A_832 = vector.broadcast %add3A_831 : i32 to vector<16xi32>
      %add3A_833 = arith.addi %add3A_828, %add3A_832 : vector<16xi32>
      %gather3A_834 = tpu.vector_load_idx %arg8[%add3A_833] : memref<6400xf32, #tpu.memory_space<vmem>>[vector<16xi32>], vector<16xf32>,
      %mul3A_835 = arith.mulf %gather3A_834, %broadcast_in_dim3A_820 : vector<16xf32>
      %mul3A_836 = arith.mulf %gather3A_830, %mul3A_835 : vector<16xf32>
      %add3A_837 = arith.constant 0 : i32
      %add3A_838 = vector.broadcast %add3A_837 : i32 to vector<16xi32>
      %add3A_839 = arith.addi %add3A_824, %add3A_838 : vector<16xi32>
      tpu.vector_store_idx %arg12[%add3A_839], %mul3A_836 {add = true} : memref<11968xf32, #tpu.memory_space<vmem>>[vector<16xi32>], vector<16xf32>,
      %add3A_840 = arith.addi %broadcast_in_dim3A_817, %select_n3A_114 : vector<16xi32>
      %gather3A_841 = tpu.vector_load_idx %arg10[%add3A_840] : memref<18688xf32, #tpu.memory_space<vmem>>[vector<16xi32>], vector<16xf32>,
      %add3A_842 = arith.constant 16 : i32
      %add3A_843 = vector.broadcast %add3A_842 : i32 to vector<16xi32>
      %add3A_844 = arith.addi %add3A_828, %add3A_843 : vector<16xi32>
      %gather3A_845 = tpu.vector_load_idx %arg8[%add3A_844] : memref<6400xf32, #tpu.memory_space<vmem>>[vector<16xi32>], vector<16xf32>,
      %mul3A_846 = arith.mulf %gather3A_845, %broadcast_in_dim3A_820 : vector<16xf32>
      %mul3A_847 = arith.mulf %gather3A_841, %mul3A_846 : vector<16xf32>
      %add3A_848 = arith.addf %mul3A_847, %convert_element_type3A_249 : vector<16xf32>
      %add3A_849 = arith.constant 16 : i32
      %add3A_850 = vector.broadcast %add3A_849 : i32 to vector<16xi32>
      %add3A_851 = arith.addi %add3A_824, %add3A_850 : vector<16xi32>
      tpu.vector_store_idx %arg12[%add3A_851], %add3A_848 {add = true} : memref<11968xf32, #tpu.memory_space<vmem>>[vector<16xi32>], vector<16xf32>,
      %add3A_852 = arith.addi %broadcast_in_dim3A_817, %select_n3A_139 : vector<16xi32>
      %gather3A_853 = tpu.vector_load_idx %arg10[%add3A_852] : memref<18688xf32, #tpu.memory_space<vmem>>[vector<16xi32>], vector<16xf32>,
      %add3A_854 = arith.constant 32 : i32
      %add3A_855 = vector.broadcast %add3A_854 : i32 to vector<16xi32>
      %add3A_856 = arith.addi %add3A_828, %add3A_855 : vector<16xi32>
      %gather3A_857 = tpu.vector_load_idx %arg8[%add3A_856] : memref<6400xf32, #tpu.memory_space<vmem>>[vector<16xi32>], vector<16xf32>,
      %mul3A_858 = arith.mulf %gather3A_857, %broadcast_in_dim3A_820 : vector<16xf32>
      %mul3A_859 = arith.mulf %gather3A_853, %mul3A_858 : vector<16xf32>
      %add3A_860 = arith.constant 32 : i32
      %add3A_861 = vector.broadcast %add3A_860 : i32 to vector<16xi32>
      %add3A_862 = arith.addi %add3A_824, %add3A_861 : vector<16xi32>
      tpu.vector_store_idx %arg12[%add3A_862], %mul3A_859 {add = true} : memref<11968xf32, #tpu.memory_space<vmem>>[vector<16xi32>], vector<16xf32>,
      %add3A_863 = arith.addi %broadcast_in_dim3A_817, %select_n3A_164 : vector<16xi32>
      %gather3A_864 = tpu.vector_load_idx %arg10[%add3A_863] : memref<18688xf32, #tpu.memory_space<vmem>>[vector<16xi32>], vector<16xf32>,
      %add3A_865 = arith.constant 48 : i32
      %add3A_866 = vector.broadcast %add3A_865 : i32 to vector<16xi32>
      %add3A_867 = arith.addi %add3A_828, %add3A_866 : vector<16xi32>
      %gather3A_868 = tpu.vector_load_idx %arg8[%add3A_867] : memref<6400xf32, #tpu.memory_space<vmem>>[vector<16xi32>], vector<16xf32>,
      %mul3A_869 = arith.mulf %gather3A_868, %broadcast_in_dim3A_820 : vector<16xf32>
      %mul3A_870 = arith.mulf %gather3A_864, %mul3A_869 : vector<16xf32>
      %add3A_871 = arith.addf %mul3A_870, %convert_element_type3A_172 : vector<16xf32>
      %add3A_872 = arith.constant 48 : i32
      %add3A_873 = vector.broadcast %add3A_872 : i32 to vector<16xi32>
      %add3A_874 = arith.addi %add3A_824, %add3A_873 : vector<16xi32>
      tpu.vector_store_idx %arg12[%add3A_874], %add3A_871 {add = true} : memref<11968xf32, #tpu.memory_space<vmem>>[vector<16xi32>], vector<16xf32>,
      %slice3A_875 = vector.extract_strided_slice %get3A_603 {offsets = [9], sizes = [1], strides = [1]} : vector<16xf32> to vector<1xf32>
      %squeeze3A_876 = vector.extract %slice3A_875[0] : f32 from vector<1xf32>
      %broadcast_in_dim3A_877 = vector.broadcast %squeeze3A_876 : f32 to vector<16xf32>
      tpu.vector_store_idx %arg10[%broadcast_in_dim3A_817], %broadcast_in_dim3A_877 masked %eq3A_45 {add = true} : memref<18688xf32, #tpu.memory_space<vmem>>[vector<16xi32>], vector<16xf32>, vector<16xi1>
      scf.yield %while3A_520#0, %while3A_520#1, %while3A_814#0, %while3A_814#1 : i32, f32, i32, f32
    }
    %while3A_272 = arith.constant 1 : i32
    %while3A_273:4 = scf.for %while3A_287 = %while3A_269 to %while3A_265 step %while3A_272 iter_args(%while3A_288 = %while3A_271#0, %while3A_289 = %while3A_271#1, %while3A_290 = %while3A_271#2, %while3A_291 = %while3A_271#3) -> (i32, f32, i32, f32)  : i32 {
      %mul3A_292 = arith.constant 4 : i32
      %mul3A_293 = arith.muli %mul3A_292, %while3A_287 : i32
      %min3A = arith.minsi %mul3A_293, %squeeze3A : i32
      %add3A_294 = arith.constant 0 : i32
      %add3A_295 = arith.addi %add3A_294, %min3A : i32
      %mul3A_296 = arith.constant 4 : i32
      %mul3A_297 = arith.muli %mul3A_296, %while3A_287 : i32
      %add3A_298 = arith.constant 2 : i32
      %add3A_299 = arith.addi %mul3A_297, %add3A_298 : i32
      %min3A_300 = arith.minsi %add3A_299, %squeeze3A : i32
      %add3A_301 = arith.constant 0 : i32
      %add3A_302 = arith.addi %add3A_301, %min3A_300 : i32
      %mul3A_303 = arith.constant 8 : i32
      %mul3A_304 = arith.muli %add3A_295, %mul3A_303 : i32
      %get3A_305 = arith.index_cast %mul3A_304 : i32 to index
      %get3A_306 = tpu.vector_load %arg13[%get3A_305] {strides = array<i32>} : memref<32832xf32, #tpu.memory_space<vmem>>, vector<16xf32>,
      %mul3A_307 = arith.constant 8 : i32
      %mul3A_308 = arith.muli %add3A_302, %mul3A_307 : i32
      %get3A_309 = arith.index_cast %mul3A_308 : i32 to index
      %get3A_310 = tpu.vector_load %arg13[%get3A_309] {strides = array<i32>} : memref<32832xf32, #tpu.memory_space<vmem>>, vector<16xf32>,
      %bitcast3A_311 = vector.bitcast %get3A_306 : vector<16xf32> to vector<16xi32>
      %bitcast3A_312 = vector.bitcast %get3A_310 : vector<16xf32> to vector<16xi32>
      %slice3A_313 = vector.extract_strided_slice %get3A_306 {offsets = [0], sizes = [1], strides = [1]} : vector<16xf32> to vector<1xf32>
      %squeeze3A_314 = vector.extract %slice3A_313[0] : f32 from vector<1xf32>
      %sub3A_315 = arith.constant 1.000000e+05 : f32
      %sub3A_316 = arith.subf %squeeze3A_314, %sub3A_315 : f32
      %while3A_317:2 = scf.while (%while3A_878 = %while3A_288, %while3A_879 = %while3A_289) : (i32, f32) -> (i32, f32) {
        %lt3A_880 = arith.cmpf olt, %while3A_879, %sub3A_316 : f32
        scf.condition(%lt3A_880) %while3A_878, %while3A_879 : i32, f32
      } do {
      ^bb0(%while3A_878: i32, %while3A_879: f32):
        %add3A_880 = arith.constant 0 : i32
        %add3A_881 = arith.addi %add3A_880, %while3A_878 : i32
        %mul3A_882 = arith.constant 8 : i32
        %mul3A_883 = arith.muli %add3A_881, %mul3A_882 : i32
        %get3A_884 = arith.index_cast %mul3A_883 : i32 to index
        %get3A_885 = tpu.vector_load %arg13[%get3A_884] {strides = array<i32>} : memref<32832xf32, #tpu.memory_space<vmem>>, vector<16xf32>,
        %bitcast3A_886 = vector.bitcast %get3A_885 : vector<16xf32> to vector<16xi32>
        %slice3A_887 = vector.extract_strided_slice %bitcast3A_886 {offsets = [3], sizes = [1], strides = [1]} : vector<16xi32> to vector<1xi32>
        %squeeze3A_888 = vector.extract %slice3A_887[0] : i32 from vector<1xi32>
        %broadcast_in_dim3A_889 = vector.broadcast %squeeze3A_888 : i32 to vector<16xi32>
        %slice3A_890 = vector.extract_strided_slice %get3A_885 {offsets = [1], sizes = [1], strides = [1]} : vector<16xf32> to vector<1xf32>
        %squeeze3A_891 = vector.extract %slice3A_890[0] : f32 from vector<1xf32>
        %broadcast_in_dim3A_892 = vector.broadcast %squeeze3A_891 : f32 to vector<16xf32>
        %sub3A_893 = arith.subf %convert_element_type3A, %broadcast_in_dim3A_892 : vector<16xf32>
        tpu.vector_store_idx %arg9[%broadcast_in_dim3A_889], %sub3A_893 masked %eq3A_45 {add = true} : memref<18688xf32, #tpu.memory_space<vmem>>[vector<16xi32>], vector<16xf32>, vector<16xi1>
        %add3A_894 = arith.constant 0 : i32
        %add3A_895 = arith.addi %add3A_894, %while3A_878 : i32
        %add3A_896 = arith.constant 1 : i32
        %add3A_897 = arith.addi %add3A_895, %add3A_896 : i32
        %mul3A_898 = arith.constant 8 : i32
        %mul3A_899 = arith.muli %add3A_897, %mul3A_898 : i32
        %get3A_900 = arith.index_cast %mul3A_899 : i32 to index
        %get3A_901 = tpu.vector_load %arg13[%get3A_900] {strides = array<i32>} : memref<32832xf32, #tpu.memory_space<vmem>>, vector<16xf32>,
        %add3A_902 = arith.constant 1 : i32
        %add3A_903 = arith.addi %while3A_878, %add3A_902 : i32
        %slice3A_904 = vector.extract_strided_slice %get3A_901 {offsets = [0], sizes = [1], strides = [1]} : vector<16xf32> to vector<1xf32>
        %squeeze3A_905 = vector.extract %slice3A_904[0] : f32 from vector<1xf32>
        scf.yield %add3A_903, %squeeze3A_905 : i32, f32
      }
      %slice3A_318 = vector.extract_strided_slice %bitcast3A_311 {offsets = [3], sizes = [1], strides = [1]} : vector<16xi32> to vector<1xi32>
      %squeeze3A_319 = vector.extract %slice3A_318[0] : i32 from vector<1xi32>
      %broadcast_in_dim3A_320 = vector.broadcast %squeeze3A_319 : i32 to vector<16xi32>
      %slice3A_321 = vector.extract_strided_slice %get3A_306 {offsets = [2], sizes = [1], strides = [1]} : vector<16xf32> to vector<1xf32>
      %squeeze3A_322 = vector.extract %slice3A_321[0] : f32 from vector<1xf32>
      %broadcast_in_dim3A_323 = vector.broadcast %squeeze3A_322 : f32 to vector<16xf32>
      %slice3A_324 = vector.extract_strided_slice %bitcast3A_311 {offsets = [4], sizes = [1], strides = [1]} : vector<16xi32> to vector<1xi32>
      %squeeze3A_325 = vector.extract %slice3A_324[0] : i32 from vector<1xi32>
      %broadcast_in_dim3A_326 = vector.broadcast %squeeze3A_325 : i32 to vector<16xi32>
      %add3A_327 = arith.addi %broadcast_in_dim3A_326, %iota3A : vector<16xi32>
      %slice3A_328 = vector.extract_strided_slice %bitcast3A_311 {offsets = [5], sizes = [1], strides = [1]} : vector<16xi32> to vector<1xi32>
      %squeeze3A_329 = vector.extract %slice3A_328[0] : i32 from vector<1xi32>
      %broadcast_in_dim3A_330 = vector.broadcast %squeeze3A_329 : i32 to vector<16xi32>
      %add3A_331 = arith.addi %broadcast_in_dim3A_330, %iota3A : vector<16xi32>
      %add3A_332 = arith.addi %broadcast_in_dim3A_320, %select_n3A_89 : vector<16xi32>
      %gather3A = tpu.vector_load_idx %arg9[%add3A_332] : memref<18688xf32, #tpu.memory_space<vmem>>[vector<16xi32>], vector<16xf32>,
      %add3A_333 = arith.constant 0 : i32
      %add3A_334 = vector.broadcast %add3A_333 : i32 to vector<16xi32>
      %add3A_335 = arith.addi %add3A_331, %add3A_334 : vector<16xi32>
      %gather3A_336 = tpu.vector_load_idx %arg8[%add3A_335] : memref<6400xf32, #tpu.memory_space<vmem>>[vector<16xi32>], vector<16xf32>,
      %mul3A_337 = arith.mulf %gather3A_336, %broadcast_in_dim3A_323 : vector<16xf32>
      %mul3A_338 = arith.mulf %gather3A, %mul3A_337 : vector<16xf32>
      %add3A_339 = arith.constant 0 : i32
      %add3A_340 = vector.broadcast %add3A_339 : i32 to vector<16xi32>
      %add3A_341 = arith.addi %add3A_327, %add3A_340 : vector<16xi32>
      tpu.vector_store_idx %arg11[%add3A_341], %mul3A_338 {add = true} : memref<11968xf32, #tpu.memory_space<vmem>>[vector<16xi32>], vector<16xf32>,
      %add3A_342 = arith.addi %broadcast_in_dim3A_320, %select_n3A_114 : vector<16xi32>
      %gather3A_343 = tpu.vector_load_idx %arg9[%add3A_342] : memref<18688xf32, #tpu.memory_space<vmem>>[vector<16xi32>], vector<16xf32>,
      %add3A_344 = arith.constant 16 : i32
      %add3A_345 = vector.broadcast %add3A_344 : i32 to vector<16xi32>
      %add3A_346 = arith.addi %add3A_331, %add3A_345 : vector<16xi32>
      %gather3A_347 = tpu.vector_load_idx %arg8[%add3A_346] : memref<6400xf32, #tpu.memory_space<vmem>>[vector<16xi32>], vector<16xf32>,
      %mul3A_348 = arith.mulf %gather3A_347, %broadcast_in_dim3A_323 : vector<16xf32>
      %mul3A_349 = arith.mulf %gather3A_343, %mul3A_348 : vector<16xf32>
      %add3A_350 = arith.addf %mul3A_349, %convert_element_type3A_249 : vector<16xf32>
      %add3A_351 = arith.constant 16 : i32
      %add3A_352 = vector.broadcast %add3A_351 : i32 to vector<16xi32>
      %add3A_353 = arith.addi %add3A_327, %add3A_352 : vector<16xi32>
      tpu.vector_store_idx %arg11[%add3A_353], %add3A_350 {add = true} : memref<11968xf32, #tpu.memory_space<vmem>>[vector<16xi32>], vector<16xf32>,
      %add3A_354 = arith.addi %broadcast_in_dim3A_320, %select_n3A_139 : vector<16xi32>
      %gather3A_355 = tpu.vector_load_idx %arg9[%add3A_354] : memref<18688xf32, #tpu.memory_space<vmem>>[vector<16xi32>], vector<16xf32>,
      %add3A_356 = arith.constant 32 : i32
      %add3A_357 = vector.broadcast %add3A_356 : i32 to vector<16xi32>
      %add3A_358 = arith.addi %add3A_331, %add3A_357 : vector<16xi32>
      %gather3A_359 = tpu.vector_load_idx %arg8[%add3A_358] : memref<6400xf32, #tpu.memory_space<vmem>>[vector<16xi32>], vector<16xf32>,
      %mul3A_360 = arith.mulf %gather3A_359, %broadcast_in_dim3A_323 : vector<16xf32>
      %mul3A_361 = arith.mulf %gather3A_355, %mul3A_360 : vector<16xf32>
      %add3A_362 = arith.constant 32 : i32
      %add3A_363 = vector.broadcast %add3A_362 : i32 to vector<16xi32>
      %add3A_364 = arith.addi %add3A_327, %add3A_363 : vector<16xi32>
      tpu.vector_store_idx %arg11[%add3A_364], %mul3A_361 {add = true} : memref<11968xf32, #tpu.memory_space<vmem>>[vector<16xi32>], vector<16xf32>,
      %add3A_365 = arith.addi %broadcast_in_dim3A_320, %select_n3A_164 : vector<16xi32>
      %gather3A_366 = tpu.vector_load_idx %arg9[%add3A_365] : memref<18688xf32, #tpu.memory_space<vmem>>[vector<16xi32>], vector<16xf32>,
      %add3A_367 = arith.constant 48 : i32
      %add3A_368 = vector.broadcast %add3A_367 : i32 to vector<16xi32>
      %add3A_369 = arith.addi %add3A_331, %add3A_368 : vector<16xi32>
      %gather3A_370 = tpu.vector_load_idx %arg8[%add3A_369] : memref<6400xf32, #tpu.memory_space<vmem>>[vector<16xi32>], vector<16xf32>,
      %mul3A_371 = arith.mulf %gather3A_370, %broadcast_in_dim3A_323 : vector<16xf32>
      %mul3A_372 = arith.mulf %gather3A_366, %mul3A_371 : vector<16xf32>
      %add3A_373 = arith.addf %mul3A_372, %convert_element_type3A_172 : vector<16xf32>
      %add3A_374 = arith.constant 48 : i32
      %add3A_375 = vector.broadcast %add3A_374 : i32 to vector<16xi32>
      %add3A_376 = arith.addi %add3A_327, %add3A_375 : vector<16xi32>
      tpu.vector_store_idx %arg11[%add3A_376], %add3A_373 {add = true} : memref<11968xf32, #tpu.memory_space<vmem>>[vector<16xi32>], vector<16xf32>,
      %slice3A_377 = vector.extract_strided_slice %get3A_306 {offsets = [1], sizes = [1], strides = [1]} : vector<16xf32> to vector<1xf32>
      %squeeze3A_378 = vector.extract %slice3A_377[0] : f32 from vector<1xf32>
      %broadcast_in_dim3A_379 = vector.broadcast %squeeze3A_378 : f32 to vector<16xf32>
      tpu.vector_store_idx %arg9[%broadcast_in_dim3A_320], %broadcast_in_dim3A_379 masked %eq3A_45 {add = true} : memref<18688xf32, #tpu.memory_space<vmem>>[vector<16xi32>], vector<16xf32>, vector<16xi1>
      %slice3A_380 = vector.extract_strided_slice %get3A_306 {offsets = [8], sizes = [1], strides = [1]} : vector<16xf32> to vector<1xf32>
      %squeeze3A_381 = vector.extract %slice3A_380[0] : f32 from vector<1xf32>
      %sub3A_382 = arith.constant 1.000000e+05 : f32
      %sub3A_383 = arith.subf %squeeze3A_381, %sub3A_382 : f32
      %while3A_384:2 = scf.while (%while3A_878 = %while3A_317#0, %while3A_879 = %while3A_317#1) : (i32, f32) -> (i32, f32) {
        %lt3A_880 = arith.cmpf olt, %while3A_879, %sub3A_383 : f32
        scf.condition(%lt3A_880) %while3A_878, %while3A_879 : i32, f32
      } do {
      ^bb0(%while3A_878: i32, %while3A_879: f32):
        %add3A_880 = arith.constant 0 : i32
        %add3A_881 = arith.addi %add3A_880, %while3A_878 : i32
        %mul3A_882 = arith.constant 8 : i32
        %mul3A_883 = arith.muli %add3A_881, %mul3A_882 : i32
        %get3A_884 = arith.index_cast %mul3A_883 : i32 to index
        %get3A_885 = tpu.vector_load %arg13[%get3A_884] {strides = array<i32>} : memref<32832xf32, #tpu.memory_space<vmem>>, vector<16xf32>,
        %bitcast3A_886 = vector.bitcast %get3A_885 : vector<16xf32> to vector<16xi32>
        %slice3A_887 = vector.extract_strided_slice %bitcast3A_886 {offsets = [3], sizes = [1], strides = [1]} : vector<16xi32> to vector<1xi32>
        %squeeze3A_888 = vector.extract %slice3A_887[0] : i32 from vector<1xi32>
        %broadcast_in_dim3A_889 = vector.broadcast %squeeze3A_888 : i32 to vector<16xi32>
        %slice3A_890 = vector.extract_strided_slice %get3A_885 {offsets = [1], sizes = [1], strides = [1]} : vector<16xf32> to vector<1xf32>
        %squeeze3A_891 = vector.extract %slice3A_890[0] : f32 from vector<1xf32>
        %broadcast_in_dim3A_892 = vector.broadcast %squeeze3A_891 : f32 to vector<16xf32>
        %sub3A_893 = arith.subf %convert_element_type3A, %broadcast_in_dim3A_892 : vector<16xf32>
        tpu.vector_store_idx %arg9[%broadcast_in_dim3A_889], %sub3A_893 masked %eq3A_45 {add = true} : memref<18688xf32, #tpu.memory_space<vmem>>[vector<16xi32>], vector<16xf32>, vector<16xi1>
        %add3A_894 = arith.constant 0 : i32
        %add3A_895 = arith.addi %add3A_894, %while3A_878 : i32
        %add3A_896 = arith.constant 1 : i32
        %add3A_897 = arith.addi %add3A_895, %add3A_896 : i32
        %mul3A_898 = arith.constant 8 : i32
        %mul3A_899 = arith.muli %add3A_897, %mul3A_898 : i32
        %get3A_900 = arith.index_cast %mul3A_899 : i32 to index
        %get3A_901 = tpu.vector_load %arg13[%get3A_900] {strides = array<i32>} : memref<32832xf32, #tpu.memory_space<vmem>>, vector<16xf32>,
        %add3A_902 = arith.constant 1 : i32
        %add3A_903 = arith.addi %while3A_878, %add3A_902 : i32
        %slice3A_904 = vector.extract_strided_slice %get3A_901 {offsets = [0], sizes = [1], strides = [1]} : vector<16xf32> to vector<1xf32>
        %squeeze3A_905 = vector.extract %slice3A_904[0] : f32 from vector<1xf32>
        scf.yield %add3A_903, %squeeze3A_905 : i32, f32
      }
      %slice3A_385 = vector.extract_strided_slice %bitcast3A_311 {offsets = [11], sizes = [1], strides = [1]} : vector<16xi32> to vector<1xi32>
      %squeeze3A_386 = vector.extract %slice3A_385[0] : i32 from vector<1xi32>
      %broadcast_in_dim3A_387 = vector.broadcast %squeeze3A_386 : i32 to vector<16xi32>
      %slice3A_388 = vector.extract_strided_slice %get3A_306 {offsets = [10], sizes = [1], strides = [1]} : vector<16xf32> to vector<1xf32>
      %squeeze3A_389 = vector.extract %slice3A_388[0] : f32 from vector<1xf32>
      %broadcast_in_dim3A_390 = vector.broadcast %squeeze3A_389 : f32 to vector<16xf32>
      %slice3A_391 = vector.extract_strided_slice %bitcast3A_311 {offsets = [12], sizes = [1], strides = [1]} : vector<16xi32> to vector<1xi32>
      %squeeze3A_392 = vector.extract %slice3A_391[0] : i32 from vector<1xi32>
      %broadcast_in_dim3A_393 = vector.broadcast %squeeze3A_392 : i32 to vector<16xi32>
      %add3A_394 = arith.addi %broadcast_in_dim3A_393, %iota3A : vector<16xi32>
      %slice3A_395 = vector.extract_strided_slice %bitcast3A_311 {offsets = [13], sizes = [1], strides = [1]} : vector<16xi32> to vector<1xi32>
      %squeeze3A_396 = vector.extract %slice3A_395[0] : i32 from vector<1xi32>
      %broadcast_in_dim3A_397 = vector.broadcast %squeeze3A_396 : i32 to vector<16xi32>
      %add3A_398 = arith.addi %broadcast_in_dim3A_397, %iota3A : vector<16xi32>
      %add3A_399 = arith.addi %broadcast_in_dim3A_387, %select_n3A_89 : vector<16xi32>
      %gather3A_400 = tpu.vector_load_idx %arg9[%add3A_399] : memref<18688xf32, #tpu.memory_space<vmem>>[vector<16xi32>], vector<16xf32>,
      %add3A_401 = arith.constant 0 : i32
      %add3A_402 = vector.broadcast %add3A_401 : i32 to vector<16xi32>
      %add3A_403 = arith.addi %add3A_398, %add3A_402 : vector<16xi32>
      %gather3A_404 = tpu.vector_load_idx %arg8[%add3A_403] : memref<6400xf32, #tpu.memory_space<vmem>>[vector<16xi32>], vector<16xf32>,
      %mul3A_405 = arith.mulf %gather3A_404, %broadcast_in_dim3A_390 : vector<16xf32>
      %mul3A_406 = arith.mulf %gather3A_400, %mul3A_405 : vector<16xf32>
      %add3A_407 = arith.constant 0 : i32
      %add3A_408 = vector.broadcast %add3A_407 : i32 to vector<16xi32>
      %add3A_409 = arith.addi %add3A_394, %add3A_408 : vector<16xi32>
      tpu.vector_store_idx %arg11[%add3A_409], %mul3A_406 {add = true} : memref<11968xf32, #tpu.memory_space<vmem>>[vector<16xi32>], vector<16xf32>,
      %add3A_410 = arith.addi %broadcast_in_dim3A_387, %select_n3A_114 : vector<16xi32>
      %gather3A_411 = tpu.vector_load_idx %arg9[%add3A_410] : memref<18688xf32, #tpu.memory_space<vmem>>[vector<16xi32>], vector<16xf32>,
      %add3A_412 = arith.constant 16 : i32
      %add3A_413 = vector.broadcast %add3A_412 : i32 to vector<16xi32>
      %add3A_414 = arith.addi %add3A_398, %add3A_413 : vector<16xi32>
      %gather3A_415 = tpu.vector_load_idx %arg8[%add3A_414] : memref<6400xf32, #tpu.memory_space<vmem>>[vector<16xi32>], vector<16xf32>,
      %mul3A_416 = arith.mulf %gather3A_415, %broadcast_in_dim3A_390 : vector<16xf32>
      %mul3A_417 = arith.mulf %gather3A_411, %mul3A_416 : vector<16xf32>
      %add3A_418 = arith.addf %mul3A_417, %convert_element_type3A_249 : vector<16xf32>
      %add3A_419 = arith.constant 16 : i32
      %add3A_420 = vector.broadcast %add3A_419 : i32 to vector<16xi32>
      %add3A_421 = arith.addi %add3A_394, %add3A_420 : vector<16xi32>
      tpu.vector_store_idx %arg11[%add3A_421], %add3A_418 {add = true} : memref<11968xf32, #tpu.memory_space<vmem>>[vector<16xi32>], vector<16xf32>,
      %add3A_422 = arith.addi %broadcast_in_dim3A_387, %select_n3A_139 : vector<16xi32>
      %gather3A_423 = tpu.vector_load_idx %arg9[%add3A_422] : memref<18688xf32, #tpu.memory_space<vmem>>[vector<16xi32>], vector<16xf32>,
      %add3A_424 = arith.constant 32 : i32
      %add3A_425 = vector.broadcast %add3A_424 : i32 to vector<16xi32>
      %add3A_426 = arith.addi %add3A_398, %add3A_425 : vector<16xi32>
      %gather3A_427 = tpu.vector_load_idx %arg8[%add3A_426] : memref<6400xf32, #tpu.memory_space<vmem>>[vector<16xi32>], vector<16xf32>,
      %mul3A_428 = arith.mulf %gather3A_427, %broadcast_in_dim3A_390 : vector<16xf32>
      %mul3A_429 = arith.mulf %gather3A_423, %mul3A_428 : vector<16xf32>
      %add3A_430 = arith.constant 32 : i32
      %add3A_431 = vector.broadcast %add3A_430 : i32 to vector<16xi32>
      %add3A_432 = arith.addi %add3A_394, %add3A_431 : vector<16xi32>
      tpu.vector_store_idx %arg11[%add3A_432], %mul3A_429 {add = true} : memref<11968xf32, #tpu.memory_space<vmem>>[vector<16xi32>], vector<16xf32>,
      %add3A_433 = arith.addi %broadcast_in_dim3A_387, %select_n3A_164 : vector<16xi32>
      %gather3A_434 = tpu.vector_load_idx %arg9[%add3A_433] : memref<18688xf32, #tpu.memory_space<vmem>>[vector<16xi32>], vector<16xf32>,
      %add3A_435 = arith.constant 48 : i32
      %add3A_436 = vector.broadcast %add3A_435 : i32 to vector<16xi32>
      %add3A_437 = arith.addi %add3A_398, %add3A_436 : vector<16xi32>
      %gather3A_438 = tpu.vector_load_idx %arg8[%add3A_437] : memref<6400xf32, #tpu.memory_space<vmem>>[vector<16xi32>], vector<16xf32>,
      %mul3A_439 = arith.mulf %gather3A_438, %broadcast_in_dim3A_390 : vector<16xf32>
      %mul3A_440 = arith.mulf %gather3A_434, %mul3A_439 : vector<16xf32>
      %add3A_441 = arith.addf %mul3A_440, %convert_element_type3A_172 : vector<16xf32>
      %add3A_442 = arith.constant 48 : i32
      %add3A_443 = vector.broadcast %add3A_442 : i32 to vector<16xi32>
      %add3A_444 = arith.addi %add3A_394, %add3A_443 : vector<16xi32>
      tpu.vector_store_idx %arg11[%add3A_444], %add3A_441 {add = true} : memref<11968xf32, #tpu.memory_space<vmem>>[vector<16xi32>], vector<16xf32>,
      %slice3A_445 = vector.extract_strided_slice %get3A_306 {offsets = [9], sizes = [1], strides = [1]} : vector<16xf32> to vector<1xf32>
      %squeeze3A_446 = vector.extract %slice3A_445[0] : f32 from vector<1xf32>
      %broadcast_in_dim3A_447 = vector.broadcast %squeeze3A_446 : f32 to vector<16xf32>
      tpu.vector_store_idx %arg9[%broadcast_in_dim3A_387], %broadcast_in_dim3A_447 masked %eq3A_45 {add = true} : memref<18688xf32, #tpu.memory_space<vmem>>[vector<16xi32>], vector<16xf32>, vector<16xi1>
      %slice3A_448 = vector.extract_strided_slice %get3A_310 {offsets = [0], sizes = [1], strides = [1]} : vector<16xf32> to vector<1xf32>
      %squeeze3A_449 = vector.extract %slice3A_448[0] : f32 from vector<1xf32>
      %sub3A_450 = arith.constant 1.000000e+05 : f32
      %sub3A_451 = arith.subf %squeeze3A_449, %sub3A_450 : f32
      %while3A_452:2 = scf.while (%while3A_878 = %while3A_384#0, %while3A_879 = %while3A_384#1) : (i32, f32) -> (i32, f32) {
        %lt3A_880 = arith.cmpf olt, %while3A_879, %sub3A_451 : f32
        scf.condition(%lt3A_880) %while3A_878, %while3A_879 : i32, f32
      } do {
      ^bb0(%while3A_878: i32, %while3A_879: f32):
        %add3A_880 = arith.constant 0 : i32
        %add3A_881 = arith.addi %add3A_880, %while3A_878 : i32
        %mul3A_882 = arith.constant 8 : i32
        %mul3A_883 = arith.muli %add3A_881, %mul3A_882 : i32
        %get3A_884 = arith.index_cast %mul3A_883 : i32 to index
        %get3A_885 = tpu.vector_load %arg13[%get3A_884] {strides = array<i32>} : memref<32832xf32, #tpu.memory_space<vmem>>, vector<16xf32>,
        %bitcast3A_886 = vector.bitcast %get3A_885 : vector<16xf32> to vector<16xi32>
        %slice3A_887 = vector.extract_strided_slice %bitcast3A_886 {offsets = [3], sizes = [1], strides = [1]} : vector<16xi32> to vector<1xi32>
        %squeeze3A_888 = vector.extract %slice3A_887[0] : i32 from vector<1xi32>
        %broadcast_in_dim3A_889 = vector.broadcast %squeeze3A_888 : i32 to vector<16xi32>
        %slice3A_890 = vector.extract_strided_slice %get3A_885 {offsets = [1], sizes = [1], strides = [1]} : vector<16xf32> to vector<1xf32>
        %squeeze3A_891 = vector.extract %slice3A_890[0] : f32 from vector<1xf32>
        %broadcast_in_dim3A_892 = vector.broadcast %squeeze3A_891 : f32 to vector<16xf32>
        %sub3A_893 = arith.subf %convert_element_type3A, %broadcast_in_dim3A_892 : vector<16xf32>
        tpu.vector_store_idx %arg9[%broadcast_in_dim3A_889], %sub3A_893 masked %eq3A_45 {add = true} : memref<18688xf32, #tpu.memory_space<vmem>>[vector<16xi32>], vector<16xf32>, vector<16xi1>
        %add3A_894 = arith.constant 0 : i32
        %add3A_895 = arith.addi %add3A_894, %while3A_878 : i32
        %add3A_896 = arith.constant 1 : i32
        %add3A_897 = arith.addi %add3A_895, %add3A_896 : i32
        %mul3A_898 = arith.constant 8 : i32
        %mul3A_899 = arith.muli %add3A_897, %mul3A_898 : i32
        %get3A_900 = arith.index_cast %mul3A_899 : i32 to index
        %get3A_901 = tpu.vector_load %arg13[%get3A_900] {strides = array<i32>} : memref<32832xf32, #tpu.memory_space<vmem>>, vector<16xf32>,
        %add3A_902 = arith.constant 1 : i32
        %add3A_903 = arith.addi %while3A_878, %add3A_902 : i32
        %slice3A_904 = vector.extract_strided_slice %get3A_901 {offsets = [0], sizes = [1], strides = [1]} : vector<16xf32> to vector<1xf32>
        %squeeze3A_905 = vector.extract %slice3A_904[0] : f32 from vector<1xf32>
        scf.yield %add3A_903, %squeeze3A_905 : i32, f32
      }
      %slice3A_453 = vector.extract_strided_slice %bitcast3A_312 {offsets = [3], sizes = [1], strides = [1]} : vector<16xi32> to vector<1xi32>
      %squeeze3A_454 = vector.extract %slice3A_453[0] : i32 from vector<1xi32>
      %broadcast_in_dim3A_455 = vector.broadcast %squeeze3A_454 : i32 to vector<16xi32>
      %slice3A_456 = vector.extract_strided_slice %get3A_310 {offsets = [2], sizes = [1], strides = [1]} : vector<16xf32> to vector<1xf32>
      %squeeze3A_457 = vector.extract %slice3A_456[0] : f32 from vector<1xf32>
      %broadcast_in_dim3A_458 = vector.broadcast %squeeze3A_457 : f32 to vector<16xf32>
      %slice3A_459 = vector.extract_strided_slice %bitcast3A_312 {offsets = [4], sizes = [1], strides = [1]} : vector<16xi32> to vector<1xi32>
      %squeeze3A_460 = vector.extract %slice3A_459[0] : i32 from vector<1xi32>
      %broadcast_in_dim3A_461 = vector.broadcast %squeeze3A_460 : i32 to vector<16xi32>
      %add3A_462 = arith.addi %broadcast_in_dim3A_461, %iota3A : vector<16xi32>
      %slice3A_463 = vector.extract_strided_slice %bitcast3A_312 {offsets = [5], sizes = [1], strides = [1]} : vector<16xi32> to vector<1xi32>
      %squeeze3A_464 = vector.extract %slice3A_463[0] : i32 from vector<1xi32>
      %broadcast_in_dim3A_465 = vector.broadcast %squeeze3A_464 : i32 to vector<16xi32>
      %add3A_466 = arith.addi %broadcast_in_dim3A_465, %iota3A : vector<16xi32>
      %add3A_467 = arith.addi %broadcast_in_dim3A_455, %select_n3A_89 : vector<16xi32>
      %gather3A_468 = tpu.vector_load_idx %arg9[%add3A_467] : memref<18688xf32, #tpu.memory_space<vmem>>[vector<16xi32>], vector<16xf32>,
      %add3A_469 = arith.constant 0 : i32
      %add3A_470 = vector.broadcast %add3A_469 : i32 to vector<16xi32>
      %add3A_471 = arith.addi %add3A_466, %add3A_470 : vector<16xi32>
      %gather3A_472 = tpu.vector_load_idx %arg8[%add3A_471] : memref<6400xf32, #tpu.memory_space<vmem>>[vector<16xi32>], vector<16xf32>,
      %mul3A_473 = arith.mulf %gather3A_472, %broadcast_in_dim3A_458 : vector<16xf32>
      %mul3A_474 = arith.mulf %gather3A_468, %mul3A_473 : vector<16xf32>
      %add3A_475 = arith.constant 0 : i32
      %add3A_476 = vector.broadcast %add3A_475 : i32 to vector<16xi32>
      %add3A_477 = arith.addi %add3A_462, %add3A_476 : vector<16xi32>
      tpu.vector_store_idx %arg11[%add3A_477], %mul3A_474 {add = true} : memref<11968xf32, #tpu.memory_space<vmem>>[vector<16xi32>], vector<16xf32>,
      %add3A_478 = arith.addi %broadcast_in_dim3A_455, %select_n3A_114 : vector<16xi32>
      %gather3A_479 = tpu.vector_load_idx %arg9[%add3A_478] : memref<18688xf32, #tpu.memory_space<vmem>>[vector<16xi32>], vector<16xf32>,
      %add3A_480 = arith.constant 16 : i32
      %add3A_481 = vector.broadcast %add3A_480 : i32 to vector<16xi32>
      %add3A_482 = arith.addi %add3A_466, %add3A_481 : vector<16xi32>
      %gather3A_483 = tpu.vector_load_idx %arg8[%add3A_482] : memref<6400xf32, #tpu.memory_space<vmem>>[vector<16xi32>], vector<16xf32>,
      %mul3A_484 = arith.mulf %gather3A_483, %broadcast_in_dim3A_458 : vector<16xf32>
      %mul3A_485 = arith.mulf %gather3A_479, %mul3A_484 : vector<16xf32>
      %add3A_486 = arith.addf %mul3A_485, %convert_element_type3A_249 : vector<16xf32>
      %add3A_487 = arith.constant 16 : i32
      %add3A_488 = vector.broadcast %add3A_487 : i32 to vector<16xi32>
      %add3A_489 = arith.addi %add3A_462, %add3A_488 : vector<16xi32>
      tpu.vector_store_idx %arg11[%add3A_489], %add3A_486 {add = true} : memref<11968xf32, #tpu.memory_space<vmem>>[vector<16xi32>], vector<16xf32>,
      %add3A_490 = arith.addi %broadcast_in_dim3A_455, %select_n3A_139 : vector<16xi32>
      %gather3A_491 = tpu.vector_load_idx %arg9[%add3A_490] : memref<18688xf32, #tpu.memory_space<vmem>>[vector<16xi32>], vector<16xf32>,
      %add3A_492 = arith.constant 32 : i32
      %add3A_493 = vector.broadcast %add3A_492 : i32 to vector<16xi32>
      %add3A_494 = arith.addi %add3A_466, %add3A_493 : vector<16xi32>
      %gather3A_495 = tpu.vector_load_idx %arg8[%add3A_494] : memref<6400xf32, #tpu.memory_space<vmem>>[vector<16xi32>], vector<16xf32>,
      %mul3A_496 = arith.mulf %gather3A_495, %broadcast_in_dim3A_458 : vector<16xf32>
      %mul3A_497 = arith.mulf %gather3A_491, %mul3A_496 : vector<16xf32>
      %add3A_498 = arith.constant 32 : i32
      %add3A_499 = vector.broadcast %add3A_498 : i32 to vector<16xi32>
      %add3A_500 = arith.addi %add3A_462, %add3A_499 : vector<16xi32>
      tpu.vector_store_idx %arg11[%add3A_500], %mul3A_497 {add = true} : memref<11968xf32, #tpu.memory_space<vmem>>[vector<16xi32>], vector<16xf32>,
      %add3A_501 = arith.addi %broadcast_in_dim3A_455, %select_n3A_164 : vector<16xi32>
      %gather3A_502 = tpu.vector_load_idx %arg9[%add3A_501] : memref<18688xf32, #tpu.memory_space<vmem>>[vector<16xi32>], vector<16xf32>,
      %add3A_503 = arith.constant 48 : i32
      %add3A_504 = vector.broadcast %add3A_503 : i32 to vector<16xi32>
      %add3A_505 = arith.addi %add3A_466, %add3A_504 : vector<16xi32>
      %gather3A_506 = tpu.vector_load_idx %arg8[%add3A_505] : memref<6400xf32, #tpu.memory_space<vmem>>[vector<16xi32>], vector<16xf32>,
      %mul3A_507 = arith.mulf %gather3A_506, %broadcast_in_dim3A_458 : vector<16xf32>
      %mul3A_508 = arith.mulf %gather3A_502, %mul3A_507 : vector<16xf32>
      %add3A_509 = arith.addf %mul3A_508, %convert_element_type3A_172 : vector<16xf32>
      %add3A_510 = arith.constant 48 : i32
      %add3A_511 = vector.broadcast %add3A_510 : i32 to vector<16xi32>
      %add3A_512 = arith.addi %add3A_462, %add3A_511 : vector<16xi32>
      tpu.vector_store_idx %arg11[%add3A_512], %add3A_509 {add = true} : memref<11968xf32, #tpu.memory_space<vmem>>[vector<16xi32>], vector<16xf32>,
      %slice3A_513 = vector.extract_strided_slice %get3A_310 {offsets = [1], sizes = [1], strides = [1]} : vector<16xf32> to vector<1xf32>
      %squeeze3A_514 = vector.extract %slice3A_513[0] : f32 from vector<1xf32>
      %broadcast_in_dim3A_515 = vector.broadcast %squeeze3A_514 : f32 to vector<16xf32>
      tpu.vector_store_idx %arg9[%broadcast_in_dim3A_455], %broadcast_in_dim3A_515 masked %eq3A_45 {add = true} : memref<18688xf32, #tpu.memory_space<vmem>>[vector<16xi32>], vector<16xf32>, vector<16xi1>
      %slice3A_516 = vector.extract_strided_slice %get3A_310 {offsets = [8], sizes = [1], strides = [1]} : vector<16xf32> to vector<1xf32>
      %squeeze3A_517 = vector.extract %slice3A_516[0] : f32 from vector<1xf32>
      %sub3A_518 = arith.constant 1.000000e+05 : f32
      %sub3A_519 = arith.subf %squeeze3A_517, %sub3A_518 : f32
      %while3A_520:2 = scf.while (%while3A_878 = %while3A_452#0, %while3A_879 = %while3A_452#1) : (i32, f32) -> (i32, f32) {
        %lt3A_880 = arith.cmpf olt, %while3A_879, %sub3A_519 : f32
        scf.condition(%lt3A_880) %while3A_878, %while3A_879 : i32, f32
      } do {
      ^bb0(%while3A_878: i32, %while3A_879: f32):
        %add3A_880 = arith.constant 0 : i32
        %add3A_881 = arith.addi %add3A_880, %while3A_878 : i32
        %mul3A_882 = arith.constant 8 : i32
        %mul3A_883 = arith.muli %add3A_881, %mul3A_882 : i32
        %get3A_884 = arith.index_cast %mul3A_883 : i32 to index
        %get3A_885 = tpu.vector_load %arg13[%get3A_884] {strides = array<i32>} : memref<32832xf32, #tpu.memory_space<vmem>>, vector<16xf32>,
        %bitcast3A_886 = vector.bitcast %get3A_885 : vector<16xf32> to vector<16xi32>
        %slice3A_887 = vector.extract_strided_slice %bitcast3A_886 {offsets = [3], sizes = [1], strides = [1]} : vector<16xi32> to vector<1xi32>
        %squeeze3A_888 = vector.extract %slice3A_887[0] : i32 from vector<1xi32>
        %broadcast_in_dim3A_889 = vector.broadcast %squeeze3A_888 : i32 to vector<16xi32>
        %slice3A_890 = vector.extract_strided_slice %get3A_885 {offsets = [1], sizes = [1], strides = [1]} : vector<16xf32> to vector<1xf32>
        %squeeze3A_891 = vector.extract %slice3A_890[0] : f32 from vector<1xf32>
        %broadcast_in_dim3A_892 = vector.broadcast %squeeze3A_891 : f32 to vector<16xf32>
        %sub3A_893 = arith.subf %convert_element_type3A, %broadcast_in_dim3A_892 : vector<16xf32>
        tpu.vector_store_idx %arg9[%broadcast_in_dim3A_889], %sub3A_893 masked %eq3A_45 {add = true} : memref<18688xf32, #tpu.memory_space<vmem>>[vector<16xi32>], vector<16xf32>, vector<16xi1>
        %add3A_894 = arith.constant 0 : i32
        %add3A_895 = arith.addi %add3A_894, %while3A_878 : i32
        %add3A_896 = arith.constant 1 : i32
        %add3A_897 = arith.addi %add3A_895, %add3A_896 : i32
        %mul3A_898 = arith.constant 8 : i32
        %mul3A_899 = arith.muli %add3A_897, %mul3A_898 : i32
        %get3A_900 = arith.index_cast %mul3A_899 : i32 to index
        %get3A_901 = tpu.vector_load %arg13[%get3A_900] {strides = array<i32>} : memref<32832xf32, #tpu.memory_space<vmem>>, vector<16xf32>,
        %add3A_902 = arith.constant 1 : i32
        %add3A_903 = arith.addi %while3A_878, %add3A_902 : i32
        %slice3A_904 = vector.extract_strided_slice %get3A_901 {offsets = [0], sizes = [1], strides = [1]} : vector<16xf32> to vector<1xf32>
        %squeeze3A_905 = vector.extract %slice3A_904[0] : f32 from vector<1xf32>
        scf.yield %add3A_903, %squeeze3A_905 : i32, f32
      }
      %slice3A_521 = vector.extract_strided_slice %bitcast3A_312 {offsets = [11], sizes = [1], strides = [1]} : vector<16xi32> to vector<1xi32>
      %squeeze3A_522 = vector.extract %slice3A_521[0] : i32 from vector<1xi32>
      %broadcast_in_dim3A_523 = vector.broadcast %squeeze3A_522 : i32 to vector<16xi32>
      %slice3A_524 = vector.extract_strided_slice %get3A_310 {offsets = [10], sizes = [1], strides = [1]} : vector<16xf32> to vector<1xf32>
      %squeeze3A_525 = vector.extract %slice3A_524[0] : f32 from vector<1xf32>
      %broadcast_in_dim3A_526 = vector.broadcast %squeeze3A_525 : f32 to vector<16xf32>
      %slice3A_527 = vector.extract_strided_slice %bitcast3A_312 {offsets = [12], sizes = [1], strides = [1]} : vector<16xi32> to vector<1xi32>
      %squeeze3A_528 = vector.extract %slice3A_527[0] : i32 from vector<1xi32>
      %broadcast_in_dim3A_529 = vector.broadcast %squeeze3A_528 : i32 to vector<16xi32>
      %add3A_530 = arith.addi %broadcast_in_dim3A_529, %iota3A : vector<16xi32>
      %slice3A_531 = vector.extract_strided_slice %bitcast3A_312 {offsets = [13], sizes = [1], strides = [1]} : vector<16xi32> to vector<1xi32>
      %squeeze3A_532 = vector.extract %slice3A_531[0] : i32 from vector<1xi32>
      %broadcast_in_dim3A_533 = vector.broadcast %squeeze3A_532 : i32 to vector<16xi32>
      %add3A_534 = arith.addi %broadcast_in_dim3A_533, %iota3A : vector<16xi32>
      %add3A_535 = arith.addi %broadcast_in_dim3A_523, %select_n3A_89 : vector<16xi32>
      %gather3A_536 = tpu.vector_load_idx %arg9[%add3A_535] : memref<18688xf32, #tpu.memory_space<vmem>>[vector<16xi32>], vector<16xf32>,
      %add3A_537 = arith.constant 0 : i32
      %add3A_538 = vector.broadcast %add3A_537 : i32 to vector<16xi32>
      %add3A_539 = arith.addi %add3A_534, %add3A_538 : vector<16xi32>
      %gather3A_540 = tpu.vector_load_idx %arg8[%add3A_539] : memref<6400xf32, #tpu.memory_space<vmem>>[vector<16xi32>], vector<16xf32>,
      %mul3A_541 = arith.mulf %gather3A_540, %broadcast_in_dim3A_526 : vector<16xf32>
      %mul3A_542 = arith.mulf %gather3A_536, %mul3A_541 : vector<16xf32>
      %add3A_543 = arith.constant 0 : i32
      %add3A_544 = vector.broadcast %add3A_543 : i32 to vector<16xi32>
      %add3A_545 = arith.addi %add3A_530, %add3A_544 : vector<16xi32>
      tpu.vector_store_idx %arg11[%add3A_545], %mul3A_542 {add = true} : memref<11968xf32, #tpu.memory_space<vmem>>[vector<16xi32>], vector<16xf32>,
      %add3A_546 = arith.addi %broadcast_in_dim3A_523, %select_n3A_114 : vector<16xi32>
      %gather3A_547 = tpu.vector_load_idx %arg9[%add3A_546] : memref<18688xf32, #tpu.memory_space<vmem>>[vector<16xi32>], vector<16xf32>,
      %add3A_548 = arith.constant 16 : i32
      %add3A_549 = vector.broadcast %add3A_548 : i32 to vector<16xi32>
      %add3A_550 = arith.addi %add3A_534, %add3A_549 : vector<16xi32>
      %gather3A_551 = tpu.vector_load_idx %arg8[%add3A_550] : memref<6400xf32, #tpu.memory_space<vmem>>[vector<16xi32>], vector<16xf32>,
      %mul3A_552 = arith.mulf %gather3A_551, %broadcast_in_dim3A_526 : vector<16xf32>
      %mul3A_553 = arith.mulf %gather3A_547, %mul3A_552 : vector<16xf32>
      %add3A_554 = arith.addf %mul3A_553, %convert_element_type3A_249 : vector<16xf32>
      %add3A_555 = arith.constant 16 : i32
      %add3A_556 = vector.broadcast %add3A_555 : i32 to vector<16xi32>
      %add3A_557 = arith.addi %add3A_530, %add3A_556 : vector<16xi32>
      tpu.vector_store_idx %arg11[%add3A_557], %add3A_554 {add = true} : memref<11968xf32, #tpu.memory_space<vmem>>[vector<16xi32>], vector<16xf32>,
      %add3A_558 = arith.addi %broadcast_in_dim3A_523, %select_n3A_139 : vector<16xi32>
      %gather3A_559 = tpu.vector_load_idx %arg9[%add3A_558] : memref<18688xf32, #tpu.memory_space<vmem>>[vector<16xi32>], vector<16xf32>,
      %add3A_560 = arith.constant 32 : i32
      %add3A_561 = vector.broadcast %add3A_560 : i32 to vector<16xi32>
      %add3A_562 = arith.addi %add3A_534, %add3A_561 : vector<16xi32>
      %gather3A_563 = tpu.vector_load_idx %arg8[%add3A_562] : memref<6400xf32, #tpu.memory_space<vmem>>[vector<16xi32>], vector<16xf32>,
      %mul3A_564 = arith.mulf %gather3A_563, %broadcast_in_dim3A_526 : vector<16xf32>
      %mul3A_565 = arith.mulf %gather3A_559, %mul3A_564 : vector<16xf32>
      %add3A_566 = arith.constant 32 : i32
      %add3A_567 = vector.broadcast %add3A_566 : i32 to vector<16xi32>
      %add3A_568 = arith.addi %add3A_530, %add3A_567 : vector<16xi32>
      tpu.vector_store_idx %arg11[%add3A_568], %mul3A_565 {add = true} : memref<11968xf32, #tpu.memory_space<vmem>>[vector<16xi32>], vector<16xf32>,
      %add3A_569 = arith.addi %broadcast_in_dim3A_523, %select_n3A_164 : vector<16xi32>
      %gather3A_570 = tpu.vector_load_idx %arg9[%add3A_569] : memref<18688xf32, #tpu.memory_space<vmem>>[vector<16xi32>], vector<16xf32>,
      %add3A_571 = arith.constant 48 : i32
      %add3A_572 = vector.broadcast %add3A_571 : i32 to vector<16xi32>
      %add3A_573 = arith.addi %add3A_534, %add3A_572 : vector<16xi32>
      %gather3A_574 = tpu.vector_load_idx %arg8[%add3A_573] : memref<6400xf32, #tpu.memory_space<vmem>>[vector<16xi32>], vector<16xf32>,
      %mul3A_575 = arith.mulf %gather3A_574, %broadcast_in_dim3A_526 : vector<16xf32>
      %mul3A_576 = arith.mulf %gather3A_570, %mul3A_575 : vector<16xf32>
      %add3A_577 = arith.addf %mul3A_576, %convert_element_type3A_172 : vector<16xf32>
      %add3A_578 = arith.constant 48 : i32
      %add3A_579 = vector.broadcast %add3A_578 : i32 to vector<16xi32>
      %add3A_580 = arith.addi %add3A_530, %add3A_579 : vector<16xi32>
      tpu.vector_store_idx %arg11[%add3A_580], %add3A_577 {add = true} : memref<11968xf32, #tpu.memory_space<vmem>>[vector<16xi32>], vector<16xf32>,
      %slice3A_581 = vector.extract_strided_slice %get3A_310 {offsets = [9], sizes = [1], strides = [1]} : vector<16xf32> to vector<1xf32>
      %squeeze3A_582 = vector.extract %slice3A_581[0] : f32 from vector<1xf32>
      %broadcast_in_dim3A_583 = vector.broadcast %squeeze3A_582 : f32 to vector<16xf32>
      tpu.vector_store_idx %arg9[%broadcast_in_dim3A_523], %broadcast_in_dim3A_583 masked %eq3A_45 {add = true} : memref<18688xf32, #tpu.memory_space<vmem>>[vector<16xi32>], vector<16xf32>, vector<16xi1>
      %mul3A_584 = arith.constant 4 : i32
      %mul3A_585 = arith.muli %mul3A_584, %while3A_287 : i32
      %min3A_586 = arith.minsi %mul3A_585, %squeeze3A_183 : i32
      %add3A_587 = arith.constant 2052 : i32
      %add3A_588 = arith.addi %add3A_587, %min3A_586 : i32
      %mul3A_589 = arith.constant 4 : i32
      %mul3A_590 = arith.muli %mul3A_589, %while3A_287 : i32
      %add3A_591 = arith.constant 2 : i32
      %add3A_592 = arith.addi %mul3A_590, %add3A_591 : i32
      %min3A_593 = arith.minsi %add3A_592, %squeeze3A_183 : i32
      %add3A_594 = arith.constant 2052 : i32
      %add3A_595 = arith.addi %add3A_594, %min3A_593 : i32
      %mul3A_596 = arith.constant 8 : i32
      %mul3A_597 = arith.muli %add3A_588, %mul3A_596 : i32
      %get3A_598 = arith.index_cast %mul3A_597 : i32 to index
      %get3A_599 = tpu.vector_load %arg13[%get3A_598] {strides = array<i32>} : memref<32832xf32, #tpu.memory_space<vmem>>, vector<16xf32>,
      %mul3A_600 = arith.constant 8 : i32
      %mul3A_601 = arith.muli %add3A_595, %mul3A_600 : i32
      %get3A_602 = arith.index_cast %mul3A_601 : i32 to index
      %get3A_603 = tpu.vector_load %arg13[%get3A_602] {strides = array<i32>} : memref<32832xf32, #tpu.memory_space<vmem>>, vector<16xf32>,
      %bitcast3A_604 = vector.bitcast %get3A_599 : vector<16xf32> to vector<16xi32>
      %bitcast3A_605 = vector.bitcast %get3A_603 : vector<16xf32> to vector<16xi32>
      %slice3A_606 = vector.extract_strided_slice %get3A_599 {offsets = [0], sizes = [1], strides = [1]} : vector<16xf32> to vector<1xf32>
      %squeeze3A_607 = vector.extract %slice3A_606[0] : f32 from vector<1xf32>
      %sub3A_608 = arith.constant 1.000000e+05 : f32
      %sub3A_609 = arith.subf %squeeze3A_607, %sub3A_608 : f32
      %while3A_610:2 = scf.while (%while3A_878 = %while3A_290, %while3A_879 = %while3A_291) : (i32, f32) -> (i32, f32) {
        %lt3A_880 = arith.cmpf olt, %while3A_879, %sub3A_609 : f32
        scf.condition(%lt3A_880) %while3A_878, %while3A_879 : i32, f32
      } do {
      ^bb0(%while3A_878: i32, %while3A_879: f32):
        %add3A_880 = arith.constant 2052 : i32
        %add3A_881 = arith.addi %add3A_880, %while3A_878 : i32
        %mul3A_882 = arith.constant 8 : i32
        %mul3A_883 = arith.muli %add3A_881, %mul3A_882 : i32
        %get3A_884 = arith.index_cast %mul3A_883 : i32 to index
        %get3A_885 = tpu.vector_load %arg13[%get3A_884] {strides = array<i32>} : memref<32832xf32, #tpu.memory_space<vmem>>, vector<16xf32>,
        %bitcast3A_886 = vector.bitcast %get3A_885 : vector<16xf32> to vector<16xi32>
        %slice3A_887 = vector.extract_strided_slice %bitcast3A_886 {offsets = [3], sizes = [1], strides = [1]} : vector<16xi32> to vector<1xi32>
        %squeeze3A_888 = vector.extract %slice3A_887[0] : i32 from vector<1xi32>
        %broadcast_in_dim3A_889 = vector.broadcast %squeeze3A_888 : i32 to vector<16xi32>
        %slice3A_890 = vector.extract_strided_slice %get3A_885 {offsets = [1], sizes = [1], strides = [1]} : vector<16xf32> to vector<1xf32>
        %squeeze3A_891 = vector.extract %slice3A_890[0] : f32 from vector<1xf32>
        %broadcast_in_dim3A_892 = vector.broadcast %squeeze3A_891 : f32 to vector<16xf32>
        %sub3A_893 = arith.subf %convert_element_type3A, %broadcast_in_dim3A_892 : vector<16xf32>
        tpu.vector_store_idx %arg10[%broadcast_in_dim3A_889], %sub3A_893 masked %eq3A_45 {add = true} : memref<18688xf32, #tpu.memory_space<vmem>>[vector<16xi32>], vector<16xf32>, vector<16xi1>
        %add3A_894 = arith.constant 2052 : i32
        %add3A_895 = arith.addi %add3A_894, %while3A_878 : i32
        %add3A_896 = arith.constant 1 : i32
        %add3A_897 = arith.addi %add3A_895, %add3A_896 : i32
        %mul3A_898 = arith.constant 8 : i32
        %mul3A_899 = arith.muli %add3A_897, %mul3A_898 : i32
        %get3A_900 = arith.index_cast %mul3A_899 : i32 to index
        %get3A_901 = tpu.vector_load %arg13[%get3A_900] {strides = array<i32>} : memref<32832xf32, #tpu.memory_space<vmem>>, vector<16xf32>,
        %add3A_902 = arith.constant 1 : i32
        %add3A_903 = arith.addi %while3A_878, %add3A_902 : i32
        %slice3A_904 = vector.extract_strided_slice %get3A_901 {offsets = [0], sizes = [1], strides = [1]} : vector<16xf32> to vector<1xf32>
        %squeeze3A_905 = vector.extract %slice3A_904[0] : f32 from vector<1xf32>
        scf.yield %add3A_903, %squeeze3A_905 : i32, f32
      }
      %slice3A_611 = vector.extract_strided_slice %bitcast3A_604 {offsets = [3], sizes = [1], strides = [1]} : vector<16xi32> to vector<1xi32>
      %squeeze3A_612 = vector.extract %slice3A_611[0] : i32 from vector<1xi32>
      %broadcast_in_dim3A_613 = vector.broadcast %squeeze3A_612 : i32 to vector<16xi32>
      %slice3A_614 = vector.extract_strided_slice %get3A_599 {offsets = [2], sizes = [1], strides = [1]} : vector<16xf32> to vector<1xf32>
      %squeeze3A_615 = vector.extract %slice3A_614[0] : f32 from vector<1xf32>
      %broadcast_in_dim3A_616 = vector.broadcast %squeeze3A_615 : f32 to vector<16xf32>
      %slice3A_617 = vector.extract_strided_slice %bitcast3A_604 {offsets = [4], sizes = [1], strides = [1]} : vector<16xi32> to vector<1xi32>
      %squeeze3A_618 = vector.extract %slice3A_617[0] : i32 from vector<1xi32>
      %broadcast_in_dim3A_619 = vector.broadcast %squeeze3A_618 : i32 to vector<16xi32>
      %add3A_620 = arith.addi %broadcast_in_dim3A_619, %iota3A : vector<16xi32>
      %slice3A_621 = vector.extract_strided_slice %bitcast3A_604 {offsets = [5], sizes = [1], strides = [1]} : vector<16xi32> to vector<1xi32>
      %squeeze3A_622 = vector.extract %slice3A_621[0] : i32 from vector<1xi32>
      %broadcast_in_dim3A_623 = vector.broadcast %squeeze3A_622 : i32 to vector<16xi32>
      %add3A_624 = arith.addi %broadcast_in_dim3A_623, %iota3A : vector<16xi32>
      %add3A_625 = arith.addi %broadcast_in_dim3A_613, %select_n3A_89 : vector<16xi32>
      %gather3A_626 = tpu.vector_load_idx %arg10[%add3A_625] : memref<18688xf32, #tpu.memory_space<vmem>>[vector<16xi32>], vector<16xf32>,
      %add3A_627 = arith.constant 0 : i32
      %add3A_628 = vector.broadcast %add3A_627 : i32 to vector<16xi32>
      %add3A_629 = arith.addi %add3A_624, %add3A_628 : vector<16xi32>
      %gather3A_630 = tpu.vector_load_idx %arg8[%add3A_629] : memref<6400xf32, #tpu.memory_space<vmem>>[vector<16xi32>], vector<16xf32>,
      %mul3A_631 = arith.mulf %gather3A_630, %broadcast_in_dim3A_616 : vector<16xf32>
      %mul3A_632 = arith.mulf %gather3A_626, %mul3A_631 : vector<16xf32>
      %add3A_633 = arith.constant 0 : i32
      %add3A_634 = vector.broadcast %add3A_633 : i32 to vector<16xi32>
      %add3A_635 = arith.addi %add3A_620, %add3A_634 : vector<16xi32>
      tpu.vector_store_idx %arg12[%add3A_635], %mul3A_632 {add = true} : memref<11968xf32, #tpu.memory_space<vmem>>[vector<16xi32>], vector<16xf32>,
      %add3A_636 = arith.addi %broadcast_in_dim3A_613, %select_n3A_114 : vector<16xi32>
      %gather3A_637 = tpu.vector_load_idx %arg10[%add3A_636] : memref<18688xf32, #tpu.memory_space<vmem>>[vector<16xi32>], vector<16xf32>,
      %add3A_638 = arith.constant 16 : i32
      %add3A_639 = vector.broadcast %add3A_638 : i32 to vector<16xi32>
      %add3A_640 = arith.addi %add3A_624, %add3A_639 : vector<16xi32>
      %gather3A_641 = tpu.vector_load_idx %arg8[%add3A_640] : memref<6400xf32, #tpu.memory_space<vmem>>[vector<16xi32>], vector<16xf32>,
      %mul3A_642 = arith.mulf %gather3A_641, %broadcast_in_dim3A_616 : vector<16xf32>
      %mul3A_643 = arith.mulf %gather3A_637, %mul3A_642 : vector<16xf32>
      %add3A_644 = arith.addf %mul3A_643, %convert_element_type3A_249 : vector<16xf32>
      %add3A_645 = arith.constant 16 : i32
      %add3A_646 = vector.broadcast %add3A_645 : i32 to vector<16xi32>
      %add3A_647 = arith.addi %add3A_620, %add3A_646 : vector<16xi32>
      tpu.vector_store_idx %arg12[%add3A_647], %add3A_644 {add = true} : memref<11968xf32, #tpu.memory_space<vmem>>[vector<16xi32>], vector<16xf32>,
      %add3A_648 = arith.addi %broadcast_in_dim3A_613, %select_n3A_139 : vector<16xi32>
      %gather3A_649 = tpu.vector_load_idx %arg10[%add3A_648] : memref<18688xf32, #tpu.memory_space<vmem>>[vector<16xi32>], vector<16xf32>,
      %add3A_650 = arith.constant 32 : i32
      %add3A_651 = vector.broadcast %add3A_650 : i32 to vector<16xi32>
      %add3A_652 = arith.addi %add3A_624, %add3A_651 : vector<16xi32>
      %gather3A_653 = tpu.vector_load_idx %arg8[%add3A_652] : memref<6400xf32, #tpu.memory_space<vmem>>[vector<16xi32>], vector<16xf32>,
      %mul3A_654 = arith.mulf %gather3A_653, %broadcast_in_dim3A_616 : vector<16xf32>
      %mul3A_655 = arith.mulf %gather3A_649, %mul3A_654 : vector<16xf32>
      %add3A_656 = arith.constant 32 : i32
      %add3A_657 = vector.broadcast %add3A_656 : i32 to vector<16xi32>
      %add3A_658 = arith.addi %add3A_620, %add3A_657 : vector<16xi32>
      tpu.vector_store_idx %arg12[%add3A_658], %mul3A_655 {add = true} : memref<11968xf32, #tpu.memory_space<vmem>>[vector<16xi32>], vector<16xf32>,
      %add3A_659 = arith.addi %broadcast_in_dim3A_613, %select_n3A_164 : vector<16xi32>
      %gather3A_660 = tpu.vector_load_idx %arg10[%add3A_659] : memref<18688xf32, #tpu.memory_space<vmem>>[vector<16xi32>], vector<16xf32>,
      %add3A_661 = arith.constant 48 : i32
      %add3A_662 = vector.broadcast %add3A_661 : i32 to vector<16xi32>
      %add3A_663 = arith.addi %add3A_624, %add3A_662 : vector<16xi32>
      %gather3A_664 = tpu.vector_load_idx %arg8[%add3A_663] : memref<6400xf32, #tpu.memory_space<vmem>>[vector<16xi32>], vector<16xf32>,
      %mul3A_665 = arith.mulf %gather3A_664, %broadcast_in_dim3A_616 : vector<16xf32>
      %mul3A_666 = arith.mulf %gather3A_660, %mul3A_665 : vector<16xf32>
      %add3A_667 = arith.addf %mul3A_666, %convert_element_type3A_172 : vector<16xf32>
      %add3A_668 = arith.constant 48 : i32
      %add3A_669 = vector.broadcast %add3A_668 : i32 to vector<16xi32>
      %add3A_670 = arith.addi %add3A_620, %add3A_669 : vector<16xi32>
      tpu.vector_store_idx %arg12[%add3A_670], %add3A_667 {add = true} : memref<11968xf32, #tpu.memory_space<vmem>>[vector<16xi32>], vector<16xf32>,
      %slice3A_671 = vector.extract_strided_slice %get3A_599 {offsets = [1], sizes = [1], strides = [1]} : vector<16xf32> to vector<1xf32>
      %squeeze3A_672 = vector.extract %slice3A_671[0] : f32 from vector<1xf32>
      %broadcast_in_dim3A_673 = vector.broadcast %squeeze3A_672 : f32 to vector<16xf32>
      tpu.vector_store_idx %arg10[%broadcast_in_dim3A_613], %broadcast_in_dim3A_673 masked %eq3A_45 {add = true} : memref<18688xf32, #tpu.memory_space<vmem>>[vector<16xi32>], vector<16xf32>, vector<16xi1>
      %slice3A_674 = vector.extract_strided_slice %get3A_599 {offsets = [8], sizes = [1], strides = [1]} : vector<16xf32> to vector<1xf32>
      %squeeze3A_675 = vector.extract %slice3A_674[0] : f32 from vector<1xf32>
      %sub3A_676 = arith.constant 1.000000e+05 : f32
      %sub3A_677 = arith.subf %squeeze3A_675, %sub3A_676 : f32
      %while3A_678:2 = scf.while (%while3A_878 = %while3A_610#0, %while3A_879 = %while3A_610#1) : (i32, f32) -> (i32, f32) {
        %lt3A_880 = arith.cmpf olt, %while3A_879, %sub3A_677 : f32
        scf.condition(%lt3A_880) %while3A_878, %while3A_879 : i32, f32
      } do {
      ^bb0(%while3A_878: i32, %while3A_879: f32):
        %add3A_880 = arith.constant 2052 : i32
        %add3A_881 = arith.addi %add3A_880, %while3A_878 : i32
        %mul3A_882 = arith.constant 8 : i32
        %mul3A_883 = arith.muli %add3A_881, %mul3A_882 : i32
        %get3A_884 = arith.index_cast %mul3A_883 : i32 to index
        %get3A_885 = tpu.vector_load %arg13[%get3A_884] {strides = array<i32>} : memref<32832xf32, #tpu.memory_space<vmem>>, vector<16xf32>,
        %bitcast3A_886 = vector.bitcast %get3A_885 : vector<16xf32> to vector<16xi32>
        %slice3A_887 = vector.extract_strided_slice %bitcast3A_886 {offsets = [3], sizes = [1], strides = [1]} : vector<16xi32> to vector<1xi32>
        %squeeze3A_888 = vector.extract %slice3A_887[0] : i32 from vector<1xi32>
        %broadcast_in_dim3A_889 = vector.broadcast %squeeze3A_888 : i32 to vector<16xi32>
        %slice3A_890 = vector.extract_strided_slice %get3A_885 {offsets = [1], sizes = [1], strides = [1]} : vector<16xf32> to vector<1xf32>
        %squeeze3A_891 = vector.extract %slice3A_890[0] : f32 from vector<1xf32>
        %broadcast_in_dim3A_892 = vector.broadcast %squeeze3A_891 : f32 to vector<16xf32>
        %sub3A_893 = arith.subf %convert_element_type3A, %broadcast_in_dim3A_892 : vector<16xf32>
        tpu.vector_store_idx %arg10[%broadcast_in_dim3A_889], %sub3A_893 masked %eq3A_45 {add = true} : memref<18688xf32, #tpu.memory_space<vmem>>[vector<16xi32>], vector<16xf32>, vector<16xi1>
        %add3A_894 = arith.constant 2052 : i32
        %add3A_895 = arith.addi %add3A_894, %while3A_878 : i32
        %add3A_896 = arith.constant 1 : i32
        %add3A_897 = arith.addi %add3A_895, %add3A_896 : i32
        %mul3A_898 = arith.constant 8 : i32
        %mul3A_899 = arith.muli %add3A_897, %mul3A_898 : i32
        %get3A_900 = arith.index_cast %mul3A_899 : i32 to index
        %get3A_901 = tpu.vector_load %arg13[%get3A_900] {strides = array<i32>} : memref<32832xf32, #tpu.memory_space<vmem>>, vector<16xf32>,
        %add3A_902 = arith.constant 1 : i32
        %add3A_903 = arith.addi %while3A_878, %add3A_902 : i32
        %slice3A_904 = vector.extract_strided_slice %get3A_901 {offsets = [0], sizes = [1], strides = [1]} : vector<16xf32> to vector<1xf32>
        %squeeze3A_905 = vector.extract %slice3A_904[0] : f32 from vector<1xf32>
        scf.yield %add3A_903, %squeeze3A_905 : i32, f32
      }
      %slice3A_679 = vector.extract_strided_slice %bitcast3A_604 {offsets = [11], sizes = [1], strides = [1]} : vector<16xi32> to vector<1xi32>
      %squeeze3A_680 = vector.extract %slice3A_679[0] : i32 from vector<1xi32>
      %broadcast_in_dim3A_681 = vector.broadcast %squeeze3A_680 : i32 to vector<16xi32>
      %slice3A_682 = vector.extract_strided_slice %get3A_599 {offsets = [10], sizes = [1], strides = [1]} : vector<16xf32> to vector<1xf32>
      %squeeze3A_683 = vector.extract %slice3A_682[0] : f32 from vector<1xf32>
      %broadcast_in_dim3A_684 = vector.broadcast %squeeze3A_683 : f32 to vector<16xf32>
      %slice3A_685 = vector.extract_strided_slice %bitcast3A_604 {offsets = [12], sizes = [1], strides = [1]} : vector<16xi32> to vector<1xi32>
      %squeeze3A_686 = vector.extract %slice3A_685[0] : i32 from vector<1xi32>
      %broadcast_in_dim3A_687 = vector.broadcast %squeeze3A_686 : i32 to vector<16xi32>
      %add3A_688 = arith.addi %broadcast_in_dim3A_687, %iota3A : vector<16xi32>
      %slice3A_689 = vector.extract_strided_slice %bitcast3A_604 {offsets = [13], sizes = [1], strides = [1]} : vector<16xi32> to vector<1xi32>
      %squeeze3A_690 = vector.extract %slice3A_689[0] : i32 from vector<1xi32>
      %broadcast_in_dim3A_691 = vector.broadcast %squeeze3A_690 : i32 to vector<16xi32>
      %add3A_692 = arith.addi %broadcast_in_dim3A_691, %iota3A : vector<16xi32>
      %add3A_693 = arith.addi %broadcast_in_dim3A_681, %select_n3A_89 : vector<16xi32>
      %gather3A_694 = tpu.vector_load_idx %arg10[%add3A_693] : memref<18688xf32, #tpu.memory_space<vmem>>[vector<16xi32>], vector<16xf32>,
      %add3A_695 = arith.constant 0 : i32
      %add3A_696 = vector.broadcast %add3A_695 : i32 to vector<16xi32>
      %add3A_697 = arith.addi %add3A_692, %add3A_696 : vector<16xi32>
      %gather3A_698 = tpu.vector_load_idx %arg8[%add3A_697] : memref<6400xf32, #tpu.memory_space<vmem>>[vector<16xi32>], vector<16xf32>,
      %mul3A_699 = arith.mulf %gather3A_698, %broadcast_in_dim3A_684 : vector<16xf32>
      %mul3A_700 = arith.mulf %gather3A_694, %mul3A_699 : vector<16xf32>
      %add3A_701 = arith.constant 0 : i32
      %add3A_702 = vector.broadcast %add3A_701 : i32 to vector<16xi32>
      %add3A_703 = arith.addi %add3A_688, %add3A_702 : vector<16xi32>
      tpu.vector_store_idx %arg12[%add3A_703], %mul3A_700 {add = true} : memref<11968xf32, #tpu.memory_space<vmem>>[vector<16xi32>], vector<16xf32>,
      %add3A_704 = arith.addi %broadcast_in_dim3A_681, %select_n3A_114 : vector<16xi32>
      %gather3A_705 = tpu.vector_load_idx %arg10[%add3A_704] : memref<18688xf32, #tpu.memory_space<vmem>>[vector<16xi32>], vector<16xf32>,
      %add3A_706 = arith.constant 16 : i32
      %add3A_707 = vector.broadcast %add3A_706 : i32 to vector<16xi32>
      %add3A_708 = arith.addi %add3A_692, %add3A_707 : vector<16xi32>
      %gather3A_709 = tpu.vector_load_idx %arg8[%add3A_708] : memref<6400xf32, #tpu.memory_space<vmem>>[vector<16xi32>], vector<16xf32>,
      %mul3A_710 = arith.mulf %gather3A_709, %broadcast_in_dim3A_684 : vector<16xf32>
      %mul3A_711 = arith.mulf %gather3A_705, %mul3A_710 : vector<16xf32>
      %add3A_712 = arith.addf %mul3A_711, %convert_element_type3A_249 : vector<16xf32>
      %add3A_713 = arith.constant 16 : i32
      %add3A_714 = vector.broadcast %add3A_713 : i32 to vector<16xi32>
      %add3A_715 = arith.addi %add3A_688, %add3A_714 : vector<16xi32>
      tpu.vector_store_idx %arg12[%add3A_715], %add3A_712 {add = true} : memref<11968xf32, #tpu.memory_space<vmem>>[vector<16xi32>], vector<16xf32>,
      %add3A_716 = arith.addi %broadcast_in_dim3A_681, %select_n3A_139 : vector<16xi32>
      %gather3A_717 = tpu.vector_load_idx %arg10[%add3A_716] : memref<18688xf32, #tpu.memory_space<vmem>>[vector<16xi32>], vector<16xf32>,
      %add3A_718 = arith.constant 32 : i32
      %add3A_719 = vector.broadcast %add3A_718 : i32 to vector<16xi32>
      %add3A_720 = arith.addi %add3A_692, %add3A_719 : vector<16xi32>
      %gather3A_721 = tpu.vector_load_idx %arg8[%add3A_720] : memref<6400xf32, #tpu.memory_space<vmem>>[vector<16xi32>], vector<16xf32>,
      %mul3A_722 = arith.mulf %gather3A_721, %broadcast_in_dim3A_684 : vector<16xf32>
      %mul3A_723 = arith.mulf %gather3A_717, %mul3A_722 : vector<16xf32>
      %add3A_724 = arith.constant 32 : i32
      %add3A_725 = vector.broadcast %add3A_724 : i32 to vector<16xi32>
      %add3A_726 = arith.addi %add3A_688, %add3A_725 : vector<16xi32>
      tpu.vector_store_idx %arg12[%add3A_726], %mul3A_723 {add = true} : memref<11968xf32, #tpu.memory_space<vmem>>[vector<16xi32>], vector<16xf32>,
      %add3A_727 = arith.addi %broadcast_in_dim3A_681, %select_n3A_164 : vector<16xi32>
      %gather3A_728 = tpu.vector_load_idx %arg10[%add3A_727] : memref<18688xf32, #tpu.memory_space<vmem>>[vector<16xi32>], vector<16xf32>,
      %add3A_729 = arith.constant 48 : i32
      %add3A_730 = vector.broadcast %add3A_729 : i32 to vector<16xi32>
      %add3A_731 = arith.addi %add3A_692, %add3A_730 : vector<16xi32>
      %gather3A_732 = tpu.vector_load_idx %arg8[%add3A_731] : memref<6400xf32, #tpu.memory_space<vmem>>[vector<16xi32>], vector<16xf32>,
      %mul3A_733 = arith.mulf %gather3A_732, %broadcast_in_dim3A_684 : vector<16xf32>
      %mul3A_734 = arith.mulf %gather3A_728, %mul3A_733 : vector<16xf32>
      %add3A_735 = arith.addf %mul3A_734, %convert_element_type3A_172 : vector<16xf32>
      %add3A_736 = arith.constant 48 : i32
      %add3A_737 = vector.broadcast %add3A_736 : i32 to vector<16xi32>
      %add3A_738 = arith.addi %add3A_688, %add3A_737 : vector<16xi32>
      tpu.vector_store_idx %arg12[%add3A_738], %add3A_735 {add = true} : memref<11968xf32, #tpu.memory_space<vmem>>[vector<16xi32>], vector<16xf32>,
      %slice3A_739 = vector.extract_strided_slice %get3A_599 {offsets = [9], sizes = [1], strides = [1]} : vector<16xf32> to vector<1xf32>
      %squeeze3A_740 = vector.extract %slice3A_739[0] : f32 from vector<1xf32>
      %broadcast_in_dim3A_741 = vector.broadcast %squeeze3A_740 : f32 to vector<16xf32>
      tpu.vector_store_idx %arg10[%broadcast_in_dim3A_681], %broadcast_in_dim3A_741 masked %eq3A_45 {add = true} : memref<18688xf32, #tpu.memory_space<vmem>>[vector<16xi32>], vector<16xf32>, vector<16xi1>
      %slice3A_742 = vector.extract_strided_slice %get3A_603 {offsets = [0], sizes = [1], strides = [1]} : vector<16xf32> to vector<1xf32>
      %squeeze3A_743 = vector.extract %slice3A_742[0] : f32 from vector<1xf32>
      %sub3A_744 = arith.constant 1.000000e+05 : f32
      %sub3A_745 = arith.subf %squeeze3A_743, %sub3A_744 : f32
      %while3A_746:2 = scf.while (%while3A_878 = %while3A_678#0, %while3A_879 = %while3A_678#1) : (i32, f32) -> (i32, f32) {
        %lt3A_880 = arith.cmpf olt, %while3A_879, %sub3A_745 : f32
        scf.condition(%lt3A_880) %while3A_878, %while3A_879 : i32, f32
      } do {
      ^bb0(%while3A_878: i32, %while3A_879: f32):
        %add3A_880 = arith.constant 2052 : i32
        %add3A_881 = arith.addi %add3A_880, %while3A_878 : i32
        %mul3A_882 = arith.constant 8 : i32
        %mul3A_883 = arith.muli %add3A_881, %mul3A_882 : i32
        %get3A_884 = arith.index_cast %mul3A_883 : i32 to index
        %get3A_885 = tpu.vector_load %arg13[%get3A_884] {strides = array<i32>} : memref<32832xf32, #tpu.memory_space<vmem>>, vector<16xf32>,
        %bitcast3A_886 = vector.bitcast %get3A_885 : vector<16xf32> to vector<16xi32>
        %slice3A_887 = vector.extract_strided_slice %bitcast3A_886 {offsets = [3], sizes = [1], strides = [1]} : vector<16xi32> to vector<1xi32>
        %squeeze3A_888 = vector.extract %slice3A_887[0] : i32 from vector<1xi32>
        %broadcast_in_dim3A_889 = vector.broadcast %squeeze3A_888 : i32 to vector<16xi32>
        %slice3A_890 = vector.extract_strided_slice %get3A_885 {offsets = [1], sizes = [1], strides = [1]} : vector<16xf32> to vector<1xf32>
        %squeeze3A_891 = vector.extract %slice3A_890[0] : f32 from vector<1xf32>
        %broadcast_in_dim3A_892 = vector.broadcast %squeeze3A_891 : f32 to vector<16xf32>
        %sub3A_893 = arith.subf %convert_element_type3A, %broadcast_in_dim3A_892 : vector<16xf32>
        tpu.vector_store_idx %arg10[%broadcast_in_dim3A_889], %sub3A_893 masked %eq3A_45 {add = true} : memref<18688xf32, #tpu.memory_space<vmem>>[vector<16xi32>], vector<16xf32>, vector<16xi1>
        %add3A_894 = arith.constant 2052 : i32
        %add3A_895 = arith.addi %add3A_894, %while3A_878 : i32
        %add3A_896 = arith.constant 1 : i32
        %add3A_897 = arith.addi %add3A_895, %add3A_896 : i32
        %mul3A_898 = arith.constant 8 : i32
        %mul3A_899 = arith.muli %add3A_897, %mul3A_898 : i32
        %get3A_900 = arith.index_cast %mul3A_899 : i32 to index
        %get3A_901 = tpu.vector_load %arg13[%get3A_900] {strides = array<i32>} : memref<32832xf32, #tpu.memory_space<vmem>>, vector<16xf32>,
        %add3A_902 = arith.constant 1 : i32
        %add3A_903 = arith.addi %while3A_878, %add3A_902 : i32
        %slice3A_904 = vector.extract_strided_slice %get3A_901 {offsets = [0], sizes = [1], strides = [1]} : vector<16xf32> to vector<1xf32>
        %squeeze3A_905 = vector.extract %slice3A_904[0] : f32 from vector<1xf32>
        scf.yield %add3A_903, %squeeze3A_905 : i32, f32
      }
      %slice3A_747 = vector.extract_strided_slice %bitcast3A_605 {offsets = [3], sizes = [1], strides = [1]} : vector<16xi32> to vector<1xi32>
      %squeeze3A_748 = vector.extract %slice3A_747[0] : i32 from vector<1xi32>
      %broadcast_in_dim3A_749 = vector.broadcast %squeeze3A_748 : i32 to vector<16xi32>
      %slice3A_750 = vector.extract_strided_slice %get3A_603 {offsets = [2], sizes = [1], strides = [1]} : vector<16xf32> to vector<1xf32>
      %squeeze3A_751 = vector.extract %slice3A_750[0] : f32 from vector<1xf32>
      %broadcast_in_dim3A_752 = vector.broadcast %squeeze3A_751 : f32 to vector<16xf32>
      %slice3A_753 = vector.extract_strided_slice %bitcast3A_605 {offsets = [4], sizes = [1], strides = [1]} : vector<16xi32> to vector<1xi32>
      %squeeze3A_754 = vector.extract %slice3A_753[0] : i32 from vector<1xi32>
      %broadcast_in_dim3A_755 = vector.broadcast %squeeze3A_754 : i32 to vector<16xi32>
      %add3A_756 = arith.addi %broadcast_in_dim3A_755, %iota3A : vector<16xi32>
      %slice3A_757 = vector.extract_strided_slice %bitcast3A_605 {offsets = [5], sizes = [1], strides = [1]} : vector<16xi32> to vector<1xi32>
      %squeeze3A_758 = vector.extract %slice3A_757[0] : i32 from vector<1xi32>
      %broadcast_in_dim3A_759 = vector.broadcast %squeeze3A_758 : i32 to vector<16xi32>
      %add3A_760 = arith.addi %broadcast_in_dim3A_759, %iota3A : vector<16xi32>
      %add3A_761 = arith.addi %broadcast_in_dim3A_749, %select_n3A_89 : vector<16xi32>
      %gather3A_762 = tpu.vector_load_idx %arg10[%add3A_761] : memref<18688xf32, #tpu.memory_space<vmem>>[vector<16xi32>], vector<16xf32>,
      %add3A_763 = arith.constant 0 : i32
      %add3A_764 = vector.broadcast %add3A_763 : i32 to vector<16xi32>
      %add3A_765 = arith.addi %add3A_760, %add3A_764 : vector<16xi32>
      %gather3A_766 = tpu.vector_load_idx %arg8[%add3A_765] : memref<6400xf32, #tpu.memory_space<vmem>>[vector<16xi32>], vector<16xf32>,
      %mul3A_767 = arith.mulf %gather3A_766, %broadcast_in_dim3A_752 : vector<16xf32>
      %mul3A_768 = arith.mulf %gather3A_762, %mul3A_767 : vector<16xf32>
      %add3A_769 = arith.constant 0 : i32
      %add3A_770 = vector.broadcast %add3A_769 : i32 to vector<16xi32>
      %add3A_771 = arith.addi %add3A_756, %add3A_770 : vector<16xi32>
      tpu.vector_store_idx %arg12[%add3A_771], %mul3A_768 {add = true} : memref<11968xf32, #tpu.memory_space<vmem>>[vector<16xi32>], vector<16xf32>,
      %add3A_772 = arith.addi %broadcast_in_dim3A_749, %select_n3A_114 : vector<16xi32>
      %gather3A_773 = tpu.vector_load_idx %arg10[%add3A_772] : memref<18688xf32, #tpu.memory_space<vmem>>[vector<16xi32>], vector<16xf32>,
      %add3A_774 = arith.constant 16 : i32
      %add3A_775 = vector.broadcast %add3A_774 : i32 to vector<16xi32>
      %add3A_776 = arith.addi %add3A_760, %add3A_775 : vector<16xi32>
      %gather3A_777 = tpu.vector_load_idx %arg8[%add3A_776] : memref<6400xf32, #tpu.memory_space<vmem>>[vector<16xi32>], vector<16xf32>,
      %mul3A_778 = arith.mulf %gather3A_777, %broadcast_in_dim3A_752 : vector<16xf32>
      %mul3A_779 = arith.mulf %gather3A_773, %mul3A_778 : vector<16xf32>
      %add3A_780 = arith.addf %mul3A_779, %convert_element_type3A_249 : vector<16xf32>
      %add3A_781 = arith.constant 16 : i32
      %add3A_782 = vector.broadcast %add3A_781 : i32 to vector<16xi32>
      %add3A_783 = arith.addi %add3A_756, %add3A_782 : vector<16xi32>
      tpu.vector_store_idx %arg12[%add3A_783], %add3A_780 {add = true} : memref<11968xf32, #tpu.memory_space<vmem>>[vector<16xi32>], vector<16xf32>,
      %add3A_784 = arith.addi %broadcast_in_dim3A_749, %select_n3A_139 : vector<16xi32>
      %gather3A_785 = tpu.vector_load_idx %arg10[%add3A_784] : memref<18688xf32, #tpu.memory_space<vmem>>[vector<16xi32>], vector<16xf32>,
      %add3A_786 = arith.constant 32 : i32
      %add3A_787 = vector.broadcast %add3A_786 : i32 to vector<16xi32>
      %add3A_788 = arith.addi %add3A_760, %add3A_787 : vector<16xi32>
      %gather3A_789 = tpu.vector_load_idx %arg8[%add3A_788] : memref<6400xf32, #tpu.memory_space<vmem>>[vector<16xi32>], vector<16xf32>,
      %mul3A_790 = arith.mulf %gather3A_789, %broadcast_in_dim3A_752 : vector<16xf32>
      %mul3A_791 = arith.mulf %gather3A_785, %mul3A_790 : vector<16xf32>
      %add3A_792 = arith.constant 32 : i32
      %add3A_793 = vector.broadcast %add3A_792 : i32 to vector<16xi32>
      %add3A_794 = arith.addi %add3A_756, %add3A_793 : vector<16xi32>
      tpu.vector_store_idx %arg12[%add3A_794], %mul3A_791 {add = true} : memref<11968xf32, #tpu.memory_space<vmem>>[vector<16xi32>], vector<16xf32>,
      %add3A_795 = arith.addi %broadcast_in_dim3A_749, %select_n3A_164 : vector<16xi32>
      %gather3A_796 = tpu.vector_load_idx %arg10[%add3A_795] : memref<18688xf32, #tpu.memory_space<vmem>>[vector<16xi32>], vector<16xf32>,
      %add3A_797 = arith.constant 48 : i32
      %add3A_798 = vector.broadcast %add3A_797 : i32 to vector<16xi32>
      %add3A_799 = arith.addi %add3A_760, %add3A_798 : vector<16xi32>
      %gather3A_800 = tpu.vector_load_idx %arg8[%add3A_799] : memref<6400xf32, #tpu.memory_space<vmem>>[vector<16xi32>], vector<16xf32>,
      %mul3A_801 = arith.mulf %gather3A_800, %broadcast_in_dim3A_752 : vector<16xf32>
      %mul3A_802 = arith.mulf %gather3A_796, %mul3A_801 : vector<16xf32>
      %add3A_803 = arith.addf %mul3A_802, %convert_element_type3A_172 : vector<16xf32>
      %add3A_804 = arith.constant 48 : i32
      %add3A_805 = vector.broadcast %add3A_804 : i32 to vector<16xi32>
      %add3A_806 = arith.addi %add3A_756, %add3A_805 : vector<16xi32>
      tpu.vector_store_idx %arg12[%add3A_806], %add3A_803 {add = true} : memref<11968xf32, #tpu.memory_space<vmem>>[vector<16xi32>], vector<16xf32>,
      %slice3A_807 = vector.extract_strided_slice %get3A_603 {offsets = [1], sizes = [1], strides = [1]} : vector<16xf32> to vector<1xf32>
      %squeeze3A_808 = vector.extract %slice3A_807[0] : f32 from vector<1xf32>
      %broadcast_in_dim3A_809 = vector.broadcast %squeeze3A_808 : f32 to vector<16xf32>
      tpu.vector_store_idx %arg10[%broadcast_in_dim3A_749], %broadcast_in_dim3A_809 masked %eq3A_45 {add = true} : memref<18688xf32, #tpu.memory_space<vmem>>[vector<16xi32>], vector<16xf32>, vector<16xi1>
      %slice3A_810 = vector.extract_strided_slice %get3A_603 {offsets = [8], sizes = [1], strides = [1]} : vector<16xf32> to vector<1xf32>
      %squeeze3A_811 = vector.extract %slice3A_810[0] : f32 from vector<1xf32>
      %sub3A_812 = arith.constant 1.000000e+05 : f32
      %sub3A_813 = arith.subf %squeeze3A_811, %sub3A_812 : f32
      %while3A_814:2 = scf.while (%while3A_878 = %while3A_746#0, %while3A_879 = %while3A_746#1) : (i32, f32) -> (i32, f32) {
        %lt3A_880 = arith.cmpf olt, %while3A_879, %sub3A_813 : f32
        scf.condition(%lt3A_880) %while3A_878, %while3A_879 : i32, f32
      } do {
      ^bb0(%while3A_878: i32, %while3A_879: f32):
        %add3A_880 = arith.constant 2052 : i32
        %add3A_881 = arith.addi %add3A_880, %while3A_878 : i32
        %mul3A_882 = arith.constant 8 : i32
        %mul3A_883 = arith.muli %add3A_881, %mul3A_882 : i32
        %get3A_884 = arith.index_cast %mul3A_883 : i32 to index
        %get3A_885 = tpu.vector_load %arg13[%get3A_884] {strides = array<i32>} : memref<32832xf32, #tpu.memory_space<vmem>>, vector<16xf32>,
        %bitcast3A_886 = vector.bitcast %get3A_885 : vector<16xf32> to vector<16xi32>
        %slice3A_887 = vector.extract_strided_slice %bitcast3A_886 {offsets = [3], sizes = [1], strides = [1]} : vector<16xi32> to vector<1xi32>
        %squeeze3A_888 = vector.extract %slice3A_887[0] : i32 from vector<1xi32>
        %broadcast_in_dim3A_889 = vector.broadcast %squeeze3A_888 : i32 to vector<16xi32>
        %slice3A_890 = vector.extract_strided_slice %get3A_885 {offsets = [1], sizes = [1], strides = [1]} : vector<16xf32> to vector<1xf32>
        %squeeze3A_891 = vector.extract %slice3A_890[0] : f32 from vector<1xf32>
        %broadcast_in_dim3A_892 = vector.broadcast %squeeze3A_891 : f32 to vector<16xf32>
        %sub3A_893 = arith.subf %convert_element_type3A, %broadcast_in_dim3A_892 : vector<16xf32>
        tpu.vector_store_idx %arg10[%broadcast_in_dim3A_889], %sub3A_893 masked %eq3A_45 {add = true} : memref<18688xf32, #tpu.memory_space<vmem>>[vector<16xi32>], vector<16xf32>, vector<16xi1>
        %add3A_894 = arith.constant 2052 : i32
        %add3A_895 = arith.addi %add3A_894, %while3A_878 : i32
        %add3A_896 = arith.constant 1 : i32
        %add3A_897 = arith.addi %add3A_895, %add3A_896 : i32
        %mul3A_898 = arith.constant 8 : i32
        %mul3A_899 = arith.muli %add3A_897, %mul3A_898 : i32
        %get3A_900 = arith.index_cast %mul3A_899 : i32 to index
        %get3A_901 = tpu.vector_load %arg13[%get3A_900] {strides = array<i32>} : memref<32832xf32, #tpu.memory_space<vmem>>, vector<16xf32>,
        %add3A_902 = arith.constant 1 : i32
        %add3A_903 = arith.addi %while3A_878, %add3A_902 : i32
        %slice3A_904 = vector.extract_strided_slice %get3A_901 {offsets = [0], sizes = [1], strides = [1]} : vector<16xf32> to vector<1xf32>
        %squeeze3A_905 = vector.extract %slice3A_904[0] : f32 from vector<1xf32>
        scf.yield %add3A_903, %squeeze3A_905 : i32, f32
      }
      %slice3A_815 = vector.extract_strided_slice %bitcast3A_605 {offsets = [11], sizes = [1], strides = [1]} : vector<16xi32> to vector<1xi32>
      %squeeze3A_816 = vector.extract %slice3A_815[0] : i32 from vector<1xi32>
      %broadcast_in_dim3A_817 = vector.broadcast %squeeze3A_816 : i32 to vector<16xi32>
      %slice3A_818 = vector.extract_strided_slice %get3A_603 {offsets = [10], sizes = [1], strides = [1]} : vector<16xf32> to vector<1xf32>
      %squeeze3A_819 = vector.extract %slice3A_818[0] : f32 from vector<1xf32>
      %broadcast_in_dim3A_820 = vector.broadcast %squeeze3A_819 : f32 to vector<16xf32>
      %slice3A_821 = vector.extract_strided_slice %bitcast3A_605 {offsets = [12], sizes = [1], strides = [1]} : vector<16xi32> to vector<1xi32>
      %squeeze3A_822 = vector.extract %slice3A_821[0] : i32 from vector<1xi32>
      %broadcast_in_dim3A_823 = vector.broadcast %squeeze3A_822 : i32 to vector<16xi32>
      %add3A_824 = arith.addi %broadcast_in_dim3A_823, %iota3A : vector<16xi32>
      %slice3A_825 = vector.extract_strided_slice %bitcast3A_605 {offsets = [13], sizes = [1], strides = [1]} : vector<16xi32> to vector<1xi32>
      %squeeze3A_826 = vector.extract %slice3A_825[0] : i32 from vector<1xi32>
      %broadcast_in_dim3A_827 = vector.broadcast %squeeze3A_826 : i32 to vector<16xi32>
      %add3A_828 = arith.addi %broadcast_in_dim3A_827, %iota3A : vector<16xi32>
      %add3A_829 = arith.addi %broadcast_in_dim3A_817, %select_n3A_89 : vector<16xi32>
      %gather3A_830 = tpu.vector_load_idx %arg10[%add3A_829] : memref<18688xf32, #tpu.memory_space<vmem>>[vector<16xi32>], vector<16xf32>,
      %add3A_831 = arith.constant 0 : i32
      %add3A_832 = vector.broadcast %add3A_831 : i32 to vector<16xi32>
      %add3A_833 = arith.addi %add3A_828, %add3A_832 : vector<16xi32>
      %gather3A_834 = tpu.vector_load_idx %arg8[%add3A_833] : memref<6400xf32, #tpu.memory_space<vmem>>[vector<16xi32>], vector<16xf32>,
      %mul3A_835 = arith.mulf %gather3A_834, %broadcast_in_dim3A_820 : vector<16xf32>
      %mul3A_836 = arith.mulf %gather3A_830, %mul3A_835 : vector<16xf32>
      %add3A_837 = arith.constant 0 : i32
      %add3A_838 = vector.broadcast %add3A_837 : i32 to vector<16xi32>
      %add3A_839 = arith.addi %add3A_824, %add3A_838 : vector<16xi32>
      tpu.vector_store_idx %arg12[%add3A_839], %mul3A_836 {add = true} : memref<11968xf32, #tpu.memory_space<vmem>>[vector<16xi32>], vector<16xf32>,
      %add3A_840 = arith.addi %broadcast_in_dim3A_817, %select_n3A_114 : vector<16xi32>
      %gather3A_841 = tpu.vector_load_idx %arg10[%add3A_840] : memref<18688xf32, #tpu.memory_space<vmem>>[vector<16xi32>], vector<16xf32>,
      %add3A_842 = arith.constant 16 : i32
      %add3A_843 = vector.broadcast %add3A_842 : i32 to vector<16xi32>
      %add3A_844 = arith.addi %add3A_828, %add3A_843 : vector<16xi32>
      %gather3A_845 = tpu.vector_load_idx %arg8[%add3A_844] : memref<6400xf32, #tpu.memory_space<vmem>>[vector<16xi32>], vector<16xf32>,
      %mul3A_846 = arith.mulf %gather3A_845, %broadcast_in_dim3A_820 : vector<16xf32>
      %mul3A_847 = arith.mulf %gather3A_841, %mul3A_846 : vector<16xf32>
      %add3A_848 = arith.addf %mul3A_847, %convert_element_type3A_249 : vector<16xf32>
      %add3A_849 = arith.constant 16 : i32
      %add3A_850 = vector.broadcast %add3A_849 : i32 to vector<16xi32>
      %add3A_851 = arith.addi %add3A_824, %add3A_850 : vector<16xi32>
      tpu.vector_store_idx %arg12[%add3A_851], %add3A_848 {add = true} : memref<11968xf32, #tpu.memory_space<vmem>>[vector<16xi32>], vector<16xf32>,
      %add3A_852 = arith.addi %broadcast_in_dim3A_817, %select_n3A_139 : vector<16xi32>
      %gather3A_853 = tpu.vector_load_idx %arg10[%add3A_852] : memref<18688xf32, #tpu.memory_space<vmem>>[vector<16xi32>], vector<16xf32>,
      %add3A_854 = arith.constant 32 : i32
      %add3A_855 = vector.broadcast %add3A_854 : i32 to vector<16xi32>
      %add3A_856 = arith.addi %add3A_828, %add3A_855 : vector<16xi32>
      %gather3A_857 = tpu.vector_load_idx %arg8[%add3A_856] : memref<6400xf32, #tpu.memory_space<vmem>>[vector<16xi32>], vector<16xf32>,
      %mul3A_858 = arith.mulf %gather3A_857, %broadcast_in_dim3A_820 : vector<16xf32>
      %mul3A_859 = arith.mulf %gather3A_853, %mul3A_858 : vector<16xf32>
      %add3A_860 = arith.constant 32 : i32
      %add3A_861 = vector.broadcast %add3A_860 : i32 to vector<16xi32>
      %add3A_862 = arith.addi %add3A_824, %add3A_861 : vector<16xi32>
      tpu.vector_store_idx %arg12[%add3A_862], %mul3A_859 {add = true} : memref<11968xf32, #tpu.memory_space<vmem>>[vector<16xi32>], vector<16xf32>,
      %add3A_863 = arith.addi %broadcast_in_dim3A_817, %select_n3A_164 : vector<16xi32>
      %gather3A_864 = tpu.vector_load_idx %arg10[%add3A_863] : memref<18688xf32, #tpu.memory_space<vmem>>[vector<16xi32>], vector<16xf32>,
      %add3A_865 = arith.constant 48 : i32
      %add3A_866 = vector.broadcast %add3A_865 : i32 to vector<16xi32>
      %add3A_867 = arith.addi %add3A_828, %add3A_866 : vector<16xi32>
      %gather3A_868 = tpu.vector_load_idx %arg8[%add3A_867] : memref<6400xf32, #tpu.memory_space<vmem>>[vector<16xi32>], vector<16xf32>,
      %mul3A_869 = arith.mulf %gather3A_868, %broadcast_in_dim3A_820 : vector<16xf32>
      %mul3A_870 = arith.mulf %gather3A_864, %mul3A_869 : vector<16xf32>
      %add3A_871 = arith.addf %mul3A_870, %convert_element_type3A_172 : vector<16xf32>
      %add3A_872 = arith.constant 48 : i32
      %add3A_873 = vector.broadcast %add3A_872 : i32 to vector<16xi32>
      %add3A_874 = arith.addi %add3A_824, %add3A_873 : vector<16xi32>
      tpu.vector_store_idx %arg12[%add3A_874], %add3A_871 {add = true} : memref<11968xf32, #tpu.memory_space<vmem>>[vector<16xi32>], vector<16xf32>,
      %slice3A_875 = vector.extract_strided_slice %get3A_603 {offsets = [9], sizes = [1], strides = [1]} : vector<16xf32> to vector<1xf32>
      %squeeze3A_876 = vector.extract %slice3A_875[0] : f32 from vector<1xf32>
      %broadcast_in_dim3A_877 = vector.broadcast %squeeze3A_876 : f32 to vector<16xf32>
      tpu.vector_store_idx %arg10[%broadcast_in_dim3A_817], %broadcast_in_dim3A_877 masked %eq3A_45 {add = true} : memref<18688xf32, #tpu.memory_space<vmem>>[vector<16xi32>], vector<16xf32>, vector<16xi1>
      scf.yield %while3A_520#0, %while3A_520#1, %while3A_814#0, %while3A_814#1 : i32, f32, i32, f32
    }
    %scan3A_274 = arith.constant 0 : i32
    %scan3A_275 = arith.constant 0 : i32
    %scan3A_276 = arith.constant 93 : i32
    %scan3A_277 = arith.addi %scan3A_275, %scan3A_276 : i32
    %scan3A_278 = arith.constant 1 : i32
    scf.for %scan3A_287 = %scan3A_275 to %scan3A_277 step %scan3A_278  : i32 {
      %mul3A_288 = arith.constant 128 : i32
      %mul3A_289 = arith.muli %scan3A_287, %mul3A_288 : i32
      %add3A_290 = arith.constant 48 : i32
      %add3A_291 = arith.addi %mul3A_289, %add3A_290 : i32
      %get3A_292 = arith.index_cast %add3A_291 : i32 to index
      %get3A_293 = tpu.vector_load %arg11[%get3A_292] {strides = array<i32>} : memref<11968xf32, #tpu.memory_space<vmem>>, vector<16xf32>,
      %slice3A_294 = vector.extract_strided_slice %get3A_293 {offsets = [1], sizes = [1], strides = [1]} : vector<16xf32> to vector<1xf32>
      %squeeze3A_295 = vector.extract %slice3A_294[0] : f32 from vector<1xf32>
      %mul3A_296 = arith.constant 128 : i32
      %mul3A_297 = arith.muli %scan3A_287, %mul3A_296 : i32
      %add3A_298 = arith.constant 64 : i32
      %add3A_299 = arith.addi %mul3A_297, %add3A_298 : i32
      %add3A_300 = arith.constant 48 : i32
      %add3A_301 = arith.addi %add3A_299, %add3A_300 : i32
      %get3A_302 = arith.index_cast %add3A_301 : i32 to index
      %get3A_303 = tpu.vector_load %arg11[%get3A_302] {strides = array<i32>} : memref<11968xf32, #tpu.memory_space<vmem>>, vector<16xf32>,
      %slice3A_304 = vector.extract_strided_slice %get3A_303 {offsets = [1], sizes = [1], strides = [1]} : vector<16xf32> to vector<1xf32>
      %squeeze3A_305 = vector.extract %slice3A_304[0] : f32 from vector<1xf32>
      %add3A_306 = arith.addf %squeeze3A_295, %squeeze3A_305 : f32
      %add3A_307 = arith.constant 9.99999997E-7 : f32
      %add3A_308 = arith.addf %add3A_306, %add3A_307 : f32
      %broadcast_in_dim3A_309 = vector.broadcast %add3A_308 : f32 to vector<16xf32>
      %div3A_310 = arith.divf %add3A_42, %broadcast_in_dim3A_309 : vector<16xf32>
      %mul3A_311 = arith.constant 128 : i32
      %mul3A_312 = arith.muli %scan3A_287, %mul3A_311 : i32
      %add3A_313 = arith.constant 0 : i32
      %add3A_314 = arith.addi %mul3A_312, %add3A_313 : i32
      %get3A_315 = arith.index_cast %add3A_314 : i32 to index
      %get3A_316 = tpu.vector_load %arg11[%get3A_315] {strides = array<i32>} : memref<11968xf32, #tpu.memory_space<vmem>>, vector<16xf32>,
      %mul3A_317 = arith.mulf %get3A_316, %div3A_310 : vector<16xf32>
      %swap3A_318 = arith.index_cast %add3A_314 : i32 to index
      %swap3A_319 = tpu.vector_load %arg11[%swap3A_318] {strides = array<i32>} : memref<11968xf32, #tpu.memory_space<vmem>>, vector<16xf32>,
      tpu.vector_store %arg11[%swap3A_318], %mul3A_317 {strides = array<i32>} : memref<11968xf32, #tpu.memory_space<vmem>>, vector<16xf32>,
      %mul3A_320 = arith.constant 128 : i32
      %mul3A_321 = arith.muli %scan3A_287, %mul3A_320 : i32
      %add3A_322 = arith.constant 16 : i32
      %add3A_323 = arith.addi %mul3A_321, %add3A_322 : i32
      %get3A_324 = arith.index_cast %add3A_323 : i32 to index
      %get3A_325 = tpu.vector_load %arg11[%get3A_324] {strides = array<i32>} : memref<11968xf32, #tpu.memory_space<vmem>>, vector<16xf32>,
      %mul3A_326 = arith.mulf %get3A_325, %div3A_310 : vector<16xf32>
      %swap3A_327 = arith.index_cast %add3A_323 : i32 to index
      %swap3A_328 = tpu.vector_load %arg11[%swap3A_327] {strides = array<i32>} : memref<11968xf32, #tpu.memory_space<vmem>>, vector<16xf32>,
      tpu.vector_store %arg11[%swap3A_327], %mul3A_326 {strides = array<i32>} : memref<11968xf32, #tpu.memory_space<vmem>>, vector<16xf32>,
      %mul3A_329 = arith.constant 128 : i32
      %mul3A_330 = arith.muli %scan3A_287, %mul3A_329 : i32
      %add3A_331 = arith.constant 32 : i32
      %add3A_332 = arith.addi %mul3A_330, %add3A_331 : i32
      %get3A_333 = arith.index_cast %add3A_332 : i32 to index
      %get3A_334 = tpu.vector_load %arg11[%get3A_333] {strides = array<i32>} : memref<11968xf32, #tpu.memory_space<vmem>>, vector<16xf32>,
      %mul3A_335 = arith.mulf %get3A_334, %div3A_310 : vector<16xf32>
      %swap3A_336 = arith.index_cast %add3A_332 : i32 to index
      %swap3A_337 = tpu.vector_load %arg11[%swap3A_336] {strides = array<i32>} : memref<11968xf32, #tpu.memory_space<vmem>>, vector<16xf32>,
      tpu.vector_store %arg11[%swap3A_336], %mul3A_335 {strides = array<i32>} : memref<11968xf32, #tpu.memory_space<vmem>>, vector<16xf32>,
      %mul3A_338 = arith.constant 128 : i32
      %mul3A_339 = arith.muli %scan3A_287, %mul3A_338 : i32
      %add3A_340 = arith.constant 48 : i32
      %add3A_341 = arith.addi %mul3A_339, %add3A_340 : i32
      %get3A_342 = arith.index_cast %add3A_341 : i32 to index
      %get3A_343 = tpu.vector_load %arg11[%get3A_342] {strides = array<i32>} : memref<11968xf32, #tpu.memory_space<vmem>>, vector<16xf32>,
      %mul3A_344 = arith.mulf %get3A_343, %div3A_310 : vector<16xf32>
      %swap3A_345 = arith.index_cast %add3A_341 : i32 to index
      %swap3A_346 = tpu.vector_load %arg11[%swap3A_345] {strides = array<i32>} : memref<11968xf32, #tpu.memory_space<vmem>>, vector<16xf32>,
      tpu.vector_store %arg11[%swap3A_345], %mul3A_344 {strides = array<i32>} : memref<11968xf32, #tpu.memory_space<vmem>>, vector<16xf32>,
      %mul3A_347 = arith.constant 128 : i32
      %mul3A_348 = arith.muli %scan3A_287, %mul3A_347 : i32
      %add3A_349 = arith.constant 64 : i32
      %add3A_350 = arith.addi %mul3A_348, %add3A_349 : i32
      %get3A_351 = arith.index_cast %add3A_350 : i32 to index
      %get3A_352 = tpu.vector_load %arg11[%get3A_351] {strides = array<i32>} : memref<11968xf32, #tpu.memory_space<vmem>>, vector<16xf32>,
      %mul3A_353 = arith.mulf %get3A_352, %div3A_310 : vector<16xf32>
      %swap3A_354 = arith.index_cast %add3A_350 : i32 to index
      %swap3A_355 = tpu.vector_load %arg11[%swap3A_354] {strides = array<i32>} : memref<11968xf32, #tpu.memory_space<vmem>>, vector<16xf32>,
      tpu.vector_store %arg11[%swap3A_354], %mul3A_353 {strides = array<i32>} : memref<11968xf32, #tpu.memory_space<vmem>>, vector<16xf32>,
      %mul3A_356 = arith.constant 128 : i32
      %mul3A_357 = arith.muli %scan3A_287, %mul3A_356 : i32
      %add3A_358 = arith.constant 80 : i32
      %add3A_359 = arith.addi %mul3A_357, %add3A_358 : i32
      %get3A_360 = arith.index_cast %add3A_359 : i32 to index
      %get3A_361 = tpu.vector_load %arg11[%get3A_360] {strides = array<i32>} : memref<11968xf32, #tpu.memory_space<vmem>>, vector<16xf32>,
      %mul3A_362 = arith.mulf %get3A_361, %div3A_310 : vector<16xf32>
      %swap3A_363 = arith.index_cast %add3A_359 : i32 to index
      %swap3A_364 = tpu.vector_load %arg11[%swap3A_363] {strides = array<i32>} : memref<11968xf32, #tpu.memory_space<vmem>>, vector<16xf32>,
      tpu.vector_store %arg11[%swap3A_363], %mul3A_362 {strides = array<i32>} : memref<11968xf32, #tpu.memory_space<vmem>>, vector<16xf32>,
      %mul3A_365 = arith.constant 128 : i32
      %mul3A_366 = arith.muli %scan3A_287, %mul3A_365 : i32
      %add3A_367 = arith.constant 96 : i32
      %add3A_368 = arith.addi %mul3A_366, %add3A_367 : i32
      %get3A_369 = arith.index_cast %add3A_368 : i32 to index
      %get3A_370 = tpu.vector_load %arg11[%get3A_369] {strides = array<i32>} : memref<11968xf32, #tpu.memory_space<vmem>>, vector<16xf32>,
      %mul3A_371 = arith.mulf %get3A_370, %div3A_310 : vector<16xf32>
      %swap3A_372 = arith.index_cast %add3A_368 : i32 to index
      %swap3A_373 = tpu.vector_load %arg11[%swap3A_372] {strides = array<i32>} : memref<11968xf32, #tpu.memory_space<vmem>>, vector<16xf32>,
      tpu.vector_store %arg11[%swap3A_372], %mul3A_371 {strides = array<i32>} : memref<11968xf32, #tpu.memory_space<vmem>>, vector<16xf32>,
      %mul3A_374 = arith.constant 128 : i32
      %mul3A_375 = arith.muli %scan3A_287, %mul3A_374 : i32
      %add3A_376 = arith.constant 112 : i32
      %add3A_377 = arith.addi %mul3A_375, %add3A_376 : i32
      %get3A_378 = arith.index_cast %add3A_377 : i32 to index
      %get3A_379 = tpu.vector_load %arg11[%get3A_378] {strides = array<i32>} : memref<11968xf32, #tpu.memory_space<vmem>>, vector<16xf32>,
      %mul3A_380 = arith.mulf %get3A_379, %div3A_310 : vector<16xf32>
      %swap3A_381 = arith.index_cast %add3A_377 : i32 to index
      %swap3A_382 = tpu.vector_load %arg11[%swap3A_381] {strides = array<i32>} : memref<11968xf32, #tpu.memory_space<vmem>>, vector<16xf32>,
      tpu.vector_store %arg11[%swap3A_381], %mul3A_380 {strides = array<i32>} : memref<11968xf32, #tpu.memory_space<vmem>>, vector<16xf32>,
      %mul3A_383 = arith.constant 128 : i32
      %mul3A_384 = arith.muli %scan3A_287, %mul3A_383 : i32
      %add3A_385 = arith.constant 48 : i32
      %add3A_386 = arith.addi %mul3A_384, %add3A_385 : i32
      %get3A_387 = arith.index_cast %add3A_386 : i32 to index
      %get3A_388 = tpu.vector_load %arg12[%get3A_387] {strides = array<i32>} : memref<11968xf32, #tpu.memory_space<vmem>>, vector<16xf32>,
      %slice3A_389 = vector.extract_strided_slice %get3A_388 {offsets = [1], sizes = [1], strides = [1]} : vector<16xf32> to vector<1xf32>
      %squeeze3A_390 = vector.extract %slice3A_389[0] : f32 from vector<1xf32>
      %mul3A_391 = arith.constant 128 : i32
      %mul3A_392 = arith.muli %scan3A_287, %mul3A_391 : i32
      %add3A_393 = arith.constant 64 : i32
      %add3A_394 = arith.addi %mul3A_392, %add3A_393 : i32
      %add3A_395 = arith.constant 48 : i32
      %add3A_396 = arith.addi %add3A_394, %add3A_395 : i32
      %get3A_397 = arith.index_cast %add3A_396 : i32 to index
      %get3A_398 = tpu.vector_load %arg12[%get3A_397] {strides = array<i32>} : memref<11968xf32, #tpu.memory_space<vmem>>, vector<16xf32>,
      %slice3A_399 = vector.extract_strided_slice %get3A_398 {offsets = [1], sizes = [1], strides = [1]} : vector<16xf32> to vector<1xf32>
      %squeeze3A_400 = vector.extract %slice3A_399[0] : f32 from vector<1xf32>
      %add3A_401 = arith.addf %squeeze3A_390, %squeeze3A_400 : f32
      %add3A_402 = arith.constant 9.99999997E-7 : f32
      %add3A_403 = arith.addf %add3A_401, %add3A_402 : f32
      %broadcast_in_dim3A_404 = vector.broadcast %add3A_403 : f32 to vector<16xf32>
      %div3A_405 = arith.divf %add3A_42, %broadcast_in_dim3A_404 : vector<16xf32>
      %mul3A_406 = arith.constant 128 : i32
      %mul3A_407 = arith.muli %scan3A_287, %mul3A_406 : i32
      %add3A_408 = arith.constant 0 : i32
      %add3A_409 = arith.addi %mul3A_407, %add3A_408 : i32
      %get3A_410 = arith.index_cast %add3A_409 : i32 to index
      %get3A_411 = tpu.vector_load %arg12[%get3A_410] {strides = array<i32>} : memref<11968xf32, #tpu.memory_space<vmem>>, vector<16xf32>,
      %mul3A_412 = arith.mulf %get3A_411, %div3A_405 : vector<16xf32>
      %swap3A_413 = arith.index_cast %add3A_409 : i32 to index
      %swap3A_414 = tpu.vector_load %arg12[%swap3A_413] {strides = array<i32>} : memref<11968xf32, #tpu.memory_space<vmem>>, vector<16xf32>,
      tpu.vector_store %arg12[%swap3A_413], %mul3A_412 {strides = array<i32>} : memref<11968xf32, #tpu.memory_space<vmem>>, vector<16xf32>,
      %mul3A_415 = arith.constant 128 : i32
      %mul3A_416 = arith.muli %scan3A_287, %mul3A_415 : i32
      %add3A_417 = arith.constant 16 : i32
      %add3A_418 = arith.addi %mul3A_416, %add3A_417 : i32
      %get3A_419 = arith.index_cast %add3A_418 : i32 to index
      %get3A_420 = tpu.vector_load %arg12[%get3A_419] {strides = array<i32>} : memref<11968xf32, #tpu.memory_space<vmem>>, vector<16xf32>,
      %mul3A_421 = arith.mulf %get3A_420, %div3A_405 : vector<16xf32>
      %swap3A_422 = arith.index_cast %add3A_418 : i32 to index
      %swap3A_423 = tpu.vector_load %arg12[%swap3A_422] {strides = array<i32>} : memref<11968xf32, #tpu.memory_space<vmem>>, vector<16xf32>,
      tpu.vector_store %arg12[%swap3A_422], %mul3A_421 {strides = array<i32>} : memref<11968xf32, #tpu.memory_space<vmem>>, vector<16xf32>,
      %mul3A_424 = arith.constant 128 : i32
      %mul3A_425 = arith.muli %scan3A_287, %mul3A_424 : i32
      %add3A_426 = arith.constant 32 : i32
      %add3A_427 = arith.addi %mul3A_425, %add3A_426 : i32
      %get3A_428 = arith.index_cast %add3A_427 : i32 to index
      %get3A_429 = tpu.vector_load %arg12[%get3A_428] {strides = array<i32>} : memref<11968xf32, #tpu.memory_space<vmem>>, vector<16xf32>,
      %mul3A_430 = arith.mulf %get3A_429, %div3A_405 : vector<16xf32>
      %swap3A_431 = arith.index_cast %add3A_427 : i32 to index
      %swap3A_432 = tpu.vector_load %arg12[%swap3A_431] {strides = array<i32>} : memref<11968xf32, #tpu.memory_space<vmem>>, vector<16xf32>,
      tpu.vector_store %arg12[%swap3A_431], %mul3A_430 {strides = array<i32>} : memref<11968xf32, #tpu.memory_space<vmem>>, vector<16xf32>,
      %mul3A_433 = arith.constant 128 : i32
      %mul3A_434 = arith.muli %scan3A_287, %mul3A_433 : i32
      %add3A_435 = arith.constant 48 : i32
      %add3A_436 = arith.addi %mul3A_434, %add3A_435 : i32
      %get3A_437 = arith.index_cast %add3A_436 : i32 to index
      %get3A_438 = tpu.vector_load %arg12[%get3A_437] {strides = array<i32>} : memref<11968xf32, #tpu.memory_space<vmem>>, vector<16xf32>,
      %mul3A_439 = arith.mulf %get3A_438, %div3A_405 : vector<16xf32>
      %swap3A_440 = arith.index_cast %add3A_436 : i32 to index
      %swap3A_441 = tpu.vector_load %arg12[%swap3A_440] {strides = array<i32>} : memref<11968xf32, #tpu.memory_space<vmem>>, vector<16xf32>,
      tpu.vector_store %arg12[%swap3A_440], %mul3A_439 {strides = array<i32>} : memref<11968xf32, #tpu.memory_space<vmem>>, vector<16xf32>,
      %mul3A_442 = arith.constant 128 : i32
      %mul3A_443 = arith.muli %scan3A_287, %mul3A_442 : i32
      %add3A_444 = arith.constant 64 : i32
      %add3A_445 = arith.addi %mul3A_443, %add3A_444 : i32
      %get3A_446 = arith.index_cast %add3A_445 : i32 to index
      %get3A_447 = tpu.vector_load %arg12[%get3A_446] {strides = array<i32>} : memref<11968xf32, #tpu.memory_space<vmem>>, vector<16xf32>,
      %mul3A_448 = arith.mulf %get3A_447, %div3A_405 : vector<16xf32>
      %swap3A_449 = arith.index_cast %add3A_445 : i32 to index
      %swap3A_450 = tpu.vector_load %arg12[%swap3A_449] {strides = array<i32>} : memref<11968xf32, #tpu.memory_space<vmem>>, vector<16xf32>,
      tpu.vector_store %arg12[%swap3A_449], %mul3A_448 {strides = array<i32>} : memref<11968xf32, #tpu.memory_space<vmem>>, vector<16xf32>,
      %mul3A_451 = arith.constant 128 : i32
      %mul3A_452 = arith.muli %scan3A_287, %mul3A_451 : i32
      %add3A_453 = arith.constant 80 : i32
      %add3A_454 = arith.addi %mul3A_452, %add3A_453 : i32
      %get3A_455 = arith.index_cast %add3A_454 : i32 to index
      %get3A_456 = tpu.vector_load %arg12[%get3A_455] {strides = array<i32>} : memref<11968xf32, #tpu.memory_space<vmem>>, vector<16xf32>,
      %mul3A_457 = arith.mulf %get3A_456, %div3A_405 : vector<16xf32>
      %swap3A_458 = arith.index_cast %add3A_454 : i32 to index
      %swap3A_459 = tpu.vector_load %arg12[%swap3A_458] {strides = array<i32>} : memref<11968xf32, #tpu.memory_space<vmem>>, vector<16xf32>,
      tpu.vector_store %arg12[%swap3A_458], %mul3A_457 {strides = array<i32>} : memref<11968xf32, #tpu.memory_space<vmem>>, vector<16xf32>,
      %mul3A_460 = arith.constant 128 : i32
      %mul3A_461 = arith.muli %scan3A_287, %mul3A_460 : i32
      %add3A_462 = arith.constant 96 : i32
      %add3A_463 = arith.addi %mul3A_461, %add3A_462 : i32
      %get3A_464 = arith.index_cast %add3A_463 : i32 to index
      %get3A_465 = tpu.vector_load %arg12[%get3A_464] {strides = array<i32>} : memref<11968xf32, #tpu.memory_space<vmem>>, vector<16xf32>,
      %mul3A_466 = arith.mulf %get3A_465, %div3A_405 : vector<16xf32>
      %swap3A_467 = arith.index_cast %add3A_463 : i32 to index
      %swap3A_468 = tpu.vector_load %arg12[%swap3A_467] {strides = array<i32>} : memref<11968xf32, #tpu.memory_space<vmem>>, vector<16xf32>,
      tpu.vector_store %arg12[%swap3A_467], %mul3A_466 {strides = array<i32>} : memref<11968xf32, #tpu.memory_space<vmem>>, vector<16xf32>,
      %mul3A_469 = arith.constant 128 : i32
      %mul3A_470 = arith.muli %scan3A_287, %mul3A_469 : i32
      %add3A_471 = arith.constant 112 : i32
      %add3A_472 = arith.addi %mul3A_470, %add3A_471 : i32
      %get3A_473 = arith.index_cast %add3A_472 : i32 to index
      %get3A_474 = tpu.vector_load %arg12[%get3A_473] {strides = array<i32>} : memref<11968xf32, #tpu.memory_space<vmem>>, vector<16xf32>,
      %mul3A_475 = arith.mulf %get3A_474, %div3A_405 : vector<16xf32>
      %swap3A_476 = arith.index_cast %add3A_472 : i32 to index
      %swap3A_477 = tpu.vector_load %arg12[%swap3A_476] {strides = array<i32>} : memref<11968xf32, #tpu.memory_space<vmem>>, vector<16xf32>,
      tpu.vector_store %arg12[%swap3A_476], %mul3A_475 {strides = array<i32>} : memref<11968xf32, #tpu.memory_space<vmem>>, vector<16xf32>,
    }
    %scan3A_279 = arith.constant 93 : i32
    %mul3A_280 = arith.constant 744 : i32
    %mul3A_281 = arith.muli %select_n3A, %mul3A_280 : i32
    %add3A_282 = arith.addi %mul3A_281, %mul3A_34 : i32
    %mul3A_283 = arith.constant 128 : i32
    %mul3A_284 = arith.muli %add3A_282, %mul3A_283 : i32
    "tpu.region"() ({
      %run_scoped3A = tpu.sem_alloc : memref<!tpu.dma_semaphore, #tpu.memory_space<semaphore_mem>>
      %dma_start3A = arith.constant 0 : i32
      %dma_start3A_287 = tpu.memref_slice %arg11[%dma_start3A] : memref<11968xf32, #tpu.memory_space<vmem>> -> memref<11904xf32, #tpu.memory_space<vmem>>
      %dma_start3A_288 = tpu.memref_slice %arg5[%mul3A_284] : memref<761856xf32, #tpu.memory_space<hbm>> -> memref<11904xf32, #tpu.memory_space<hbm>>
      %dma_start3A_289 = tpu.memref_slice %arg5[%mul3A_284] : memref<761856xf32, #tpu.memory_space<hbm>> -> memref<11904xf32, #tpu.memory_space<hbm>>
      %dma_start3A_290 = arith.constant 0 : i32
      %dma_start3A_291 = tpu.memref_slice %arg11[%dma_start3A_290] : memref<11968xf32, #tpu.memory_space<vmem>> -> memref<11904xf32, #tpu.memory_space<vmem>>
      tpu.enqueue_dma source(%dma_start3A_291 : memref<11904xf32, #tpu.memory_space<vmem>>) target(%dma_start3A_289 : memref<11904xf32, #tpu.memory_space<hbm>>) target_semaphore(%run_scoped3A : memref<!tpu.dma_semaphore, #tpu.memory_space<semaphore_mem>>)
      %dma_wait3A = arith.constant 0 : i32
      %dma_wait3A_292 = tpu.memref_slice %arg11[%dma_wait3A] : memref<11968xf32, #tpu.memory_space<vmem>> -> memref<11904xf32, #tpu.memory_space<vmem>>
      %dma_wait3A_293 = tpu.memref_slice %arg5[%mul3A_284] : memref<761856xf32, #tpu.memory_space<hbm>> -> memref<11904xf32, #tpu.memory_space<hbm>>
      %dma_wait3A_294 = tpu.memref_slice %arg5[%mul3A_284] : memref<761856xf32, #tpu.memory_space<hbm>> -> memref<11904xf32, #tpu.memory_space<hbm>>
      %dma_wait3A_295 = arith.constant 0 : i32
      %dma_wait3A_296 = tpu.memref_slice %arg11[%dma_wait3A_295] : memref<11968xf32, #tpu.memory_space<vmem>> -> memref<11904xf32, #tpu.memory_space<vmem>>
      tpu.wait_dma2 semaphore(%run_scoped3A : memref<!tpu.dma_semaphore, #tpu.memory_space<semaphore_mem>>) src(%dma_wait3A_296 : memref<11904xf32, #tpu.memory_space<vmem>>) dst(%dma_wait3A_294 : memref<11904xf32, #tpu.memory_space<hbm>>)
      tpu.yield
    }) : () -> ()
    %add3A_285 = arith.constant 11904 : i32
    %add3A_286 = arith.addi %mul3A_284, %add3A_285 : i32
    "tpu.region"() ({
      %run_scoped3A = tpu.sem_alloc : memref<!tpu.dma_semaphore, #tpu.memory_space<semaphore_mem>>
      %dma_start3A = arith.constant 0 : i32
      %dma_start3A_287 = tpu.memref_slice %arg12[%dma_start3A] : memref<11968xf32, #tpu.memory_space<vmem>> -> memref<11904xf32, #tpu.memory_space<vmem>>
      %dma_start3A_288 = tpu.memref_slice %arg5[%add3A_286] : memref<761856xf32, #tpu.memory_space<hbm>> -> memref<11904xf32, #tpu.memory_space<hbm>>
      %dma_start3A_289 = tpu.memref_slice %arg5[%add3A_286] : memref<761856xf32, #tpu.memory_space<hbm>> -> memref<11904xf32, #tpu.memory_space<hbm>>
      %dma_start3A_290 = arith.constant 0 : i32
      %dma_start3A_291 = tpu.memref_slice %arg12[%dma_start3A_290] : memref<11968xf32, #tpu.memory_space<vmem>> -> memref<11904xf32, #tpu.memory_space<vmem>>
      tpu.enqueue_dma source(%dma_start3A_291 : memref<11904xf32, #tpu.memory_space<vmem>>) target(%dma_start3A_289 : memref<11904xf32, #tpu.memory_space<hbm>>) target_semaphore(%run_scoped3A : memref<!tpu.dma_semaphore, #tpu.memory_space<semaphore_mem>>)
      %dma_wait3A = arith.constant 0 : i32
      %dma_wait3A_292 = tpu.memref_slice %arg12[%dma_wait3A] : memref<11968xf32, #tpu.memory_space<vmem>> -> memref<11904xf32, #tpu.memory_space<vmem>>
      %dma_wait3A_293 = tpu.memref_slice %arg5[%add3A_286] : memref<761856xf32, #tpu.memory_space<hbm>> -> memref<11904xf32, #tpu.memory_space<hbm>>
      %dma_wait3A_294 = tpu.memref_slice %arg5[%add3A_286] : memref<761856xf32, #tpu.memory_space<hbm>> -> memref<11904xf32, #tpu.memory_space<hbm>>
      %dma_wait3A_295 = arith.constant 0 : i32
      %dma_wait3A_296 = tpu.memref_slice %arg12[%dma_wait3A_295] : memref<11968xf32, #tpu.memory_space<vmem>> -> memref<11904xf32, #tpu.memory_space<vmem>>
      tpu.wait_dma2 semaphore(%run_scoped3A : memref<!tpu.dma_semaphore, #tpu.memory_space<semaphore_mem>>) src(%dma_wait3A_296 : memref<11904xf32, #tpu.memory_space<vmem>>) dst(%dma_wait3A_294 : memref<11904xf32, #tpu.memory_space<hbm>>)
      tpu.yield
    }) : () -> ()
    return
  }
}

</mosaic_0001>

<sc_bundles>
// kernel: _hats_sc.3.cloned.1.call-start
scs
__scs_entry_jumppad:
0x0: {  	(pc) =	sbr.rel $0x88, $3  }
0x1: {  	(tag) =	ssettag $0x0;
	lr =	simm.s32 $0x1  }
0x2: {  	[smem:$0x3F9E] =	sst lr;
	_ =	strace $0xD0000000  }
0x3: {  	_ = 	snop  }
0x4: {  	_ = 	snop  }
0x5: {  	_ = 	snop  }
0x6: {  	_ = 	snop  }
0x7: {  	_ = 	snop  }
__scs_overlays_trampoline_lowered:
0x8: {  	[smem:$0x3FAD] =	sst s0  }
0x9: {  	[smem:$0x3FAE] =	sst s1  }
0xa: {  	[smem:$0x3FAF] =	sst s2  }
0xb: {  	[smem:$0x3FB0] =	sst s3  }
0xc: {  	[smem:$0x3FB1] =	sst s4  }
0xd: {  	[smem:$0x3FB2] =	sst s5  }
0xe: {  	[smem:$0x3FB3] =	sst s6  }
0xf: {  	[smem:$0x3FB4] =	sst s7  }
0x10: {  	[smem:$0x3FB5] =	sst s8  }
0x11: {  	[smem:$0x3FB6] =	sst s9;
	s0 =	simm.s32 @!p0 $0x0  }
0x12: {  	s1 =	sld [smem:$0x3F9C];
	s0 =	simm.s32 @p0 $0x1  }
0x13: {  	[smem:$0x3FB7] =	sst s0;
	s0 =	simm.s32 @!p1 $0x0  }
0x14: {  	s2 =	sld [smem:$0x3F9B];
	s0 =	simm.s32 @p1 $0x1  }
0x15: {  	[smem:$0x3FB8] =	sst s0;
	s0 =	simm.s32 @!p2 $0x0  }
0x16: {  	s3 =	sld [smem:$0x3FDB];
	s0 =	simm.s32 @p2 $0x1  }
0x17: {  	s4 =	simm.s32 $0x1BF5;
	[smem:$0x3FBA] =	sst s0  }
0x18: {  	s0 =	sld [smem:$0x3F9D];
	_ =	swait.ge [sflag:s4], $0x0  }
0x19: {  	s7 =	sld [smem:$0x3F9E]  }
0x1a: {  	s8 =	sadd.s32 $0xFFFFE003, lr  }
0x1b: {  	s9 =	sadd.s32 $0xFFFFFEF7, lr;
	s5 =	simm.s32 $0xFFFFFFFF;
	p2 =	slt.u32 s8, $0xFFFFF086  }
0x1c: {  	p1 =	slt.u32 s9, $0xF7A;
	s5 =	simm.s32 @!p2 $0x0  }
0x1d: {  	s5 =	simm.s32 @p1 $0x1;
	p0 =	seq.s32 s7, s2  }
0x1e: {  	s7 =	smul.u32 @!p0 $0xF7A, s2;
	p2 =	seq.s32 @!p0 s5, $0x0  }
0x1f: {  	s9 =	smul.u32 $0xF7A, s1;
	s8 =	simm.s32 @!p0 $0x1BF5;
	p2 =	por !p2, p0  }
0x20: {  	[sflag:s8] =	ssyncset.s32 @!p0 $0xFFFFF086;
	s6 =	sadd.s32 @!p0 s3, s7;
	s7 =	simm.s32 @!p0 $0x108  }
0x21: {  	s3 =	sadd.s32 s3, s9;
	s6 =	sadd.s32 @!p0 $0x88, s6;
	s7 =	simm.s32 @p2 $0x1082  }
0x22: {  	[simem:s7], [sflag:s8] =	dma.local @!p0 [hbm:s6], $0xF7A  }
0x23: {  	s9 =	sor.u32 $0xD0000000, s2;
	s6 =	simm.s32 $0x108;
	_ =	swait.ge @!p0 [sflag:s8], $0x0  }
0x24: {  	s3 =	sadd.s32 $0x88, s3;
	s6 =	simm.s32 @!p1 $0x1082;
	[sflag:s4] =	ssyncset.s32 $0xFFFFF086  }
0x25: {  	[simem:s6], [sflag:s4] =	dma.local [hbm:s3], $0xF7A  }
0x26: {  	[smem:$0x3F9E] =	sst s1;
	(tag) =	ssettag s2;
	_ =	strace s9  }
0x27: {  	s1 =	sld [smem:$0x3FAE]  }
0x28: {  	s2 =	sld [smem:$0x3FAF]  }
0x29: {  	s4 =	sld [smem:$0x3FB1]  }
0x2a: {  	p0 =	seq.s32 s5, $0x0;
	s5 =	sld [smem:$0x3FB2]  }
0x2b: {  	s6 =	sld [smem:$0x3FB3]  }
0x2c: {  	s7 =	sld [smem:$0x3FB4]  }
0x2d: {  	s3 =	simm.s32 $0x108;
	s8 =	sld [smem:$0x3FB5]  }
0x2e: {  	s3 =	simm.s32 @!p0 $0x1082;
	s9 =	sld [smem:$0x3FB6]  }
0x2f: {  	lr =	sadd.s32 s0, s3;
	s0 =	sld [smem:$0x3FAD]  }
0x30: {  	s3 =	sld [smem:$0x3FB0]  }
0x31: {  	[smem:$0x3FB9] =	sst s10  }
0x32: {  	s10 =	sld [smem:$0x3FB7];
	_ =	sdelay $0x3  }
0x33: {  	p0 =	seq.s32 s10, $0x1;
	s10 =	sld [smem:$0x3FB9];
	_ =	sdelay $0x3  }
0x34: {  	[smem:$0x3FB9] =	sst s10  }
0x35: {  	s10 =	sld [smem:$0x3FB8];
	_ =	sdelay $0x3  }
0x36: {  	p1 =	seq.s32 s10, $0x1;
	s10 =	sld [smem:$0x3FB9];
	_ =	sdelay $0x3  }
0x37: {  	[smem:$0x3FB9] =	sst s10  }
0x38: {  	s10 =	sld [smem:$0x3FBA]  }
0x39: {  	_ = 	snop;
	(pc) =	sbr.ind lr, $3  }
0x3a: {  	_ = 	snop  }
0x3b: {  	_ = 	snop  }
0x3c: {  	p2 =	seq.s32 s10, $0x1;
	s10 =	sld [smem:$0x3FB9]  }
0x3d: {  	_ =	shalt  }
0x3e: {  	_ =	shalt  }
0x3f: {  	_ =	shalt  }
0x40: {  	_ =	shalt  }
0x41: {  	_ =	shalt  }
0x42: {  	_ =	shalt  }
0x43: {  	_ =	shalt  }
0x44: {  	_ =	shalt  }
0x45: {  	_ =	shalt  }
0x46: {  	_ =	shalt  }
0x47: {  	_ =	shalt  }
0x48: {  	_ =	shalt  }
0x49: {  	_ =	shalt  }
0x4a: {  	_ =	shalt  }
0x4b: {  	_ =	shalt  }
0x4c: {  	_ =	shalt  }
0x4d: {  	_ =	shalt  }
0x4e: {  	_ =	shalt  }
0x4f: {  	_ =	shalt  }
0x50: {  	_ =	shalt  }
0x51: {  	_ =	shalt  }
0x52: {  	_ =	shalt  }
0x53: {  	_ =	shalt  }
0x54: {  	_ =	shalt  }
0x55: {  	_ =	shalt  }
0x56: {  	_ =	shalt  }
0x57: {  	_ =	shalt  }
0x58: {  	_ =	shalt  }
0x59: {  	_ =	shalt  }
0x5a: {  	_ =	shalt  }
0x5b: {  	_ =	shalt  }
0x5c: {  	_ =	shalt  }
0x5d: {  	_ =	shalt  }
0x5e: {  	_ =	shalt  }
0x5f: {  	_ =	shalt  }
0x60: {  	_ =	shalt  }
0x61: {  	_ =	shalt  }
0x62: {  	_ =	shalt  }
0x63: {  	_ =	shalt  }
0x64: {  	_ =	shalt  }
0x65: {  	_ =	shalt  }
0x66: {  	_ =	shalt  }
0x67: {  	_ =	shalt  }
0x68: {  	_ =	shalt  }
0x69: {  	_ =	shalt  }
0x6a: {  	_ =	shalt  }
0x6b: {  	_ =	shalt  }
0x6c: {  	_ =	shalt  }
0x6d: {  	_ =	shalt  }
0x6e: {  	_ =	shalt  }
0x6f: {  	_ =	shalt  }
0x70: {  	_ =	shalt  }
0x71: {  	_ =	shalt  }
0x72: {  	_ =	shalt  }
0x73: {  	_ =	shalt  }
0x74: {  	_ =	shalt  }
0x75: {  	_ =	shalt  }
0x76: {  	_ =	shalt  }
0x77: {  	_ =	shalt  }
0x78: {  	_ =	shalt  }
0x79: {  	_ =	shalt  }
0x7a: {  	_ =	shalt  }
0x7b: {  	_ =	shalt  }
0x7c: {  	_ =	shalt  }
0x7d: {  	_ =	shalt  }
0x7e: {  	_ =	shalt  }
0x7f: {  	_ =	shalt  }
0x80: {  	_ =	shalt  }
0x81: {  	_ =	shalt  }
0x82: {  	_ =	shalt  }
0x83: {  	_ =	shalt  }
0x84: {  	_ =	shalt  }
0x85: {  	_ =	shalt  }
0x86: {  	_ =	shalt  }
0x87: {  	_ =	shalt  }
.Lfunc_end0:
.L_simem_size_0:
called_computation_lowered:
.L_overlay_start_0:
0x88: {  	s2 =	sld [smem:$0x3FD9]  }
0x89: {  	s3 =	sld [smem:$0x3FFE];
	_ =	sdelay $0x1  }
0x8a: {  	s1 =	srdreg.scid  }
0x8b: {  	s0 =	sand.u32 $0x1, s1  }
0x8c: {  	s18 =	sshll.u32 s0, $0xA;
	s2 =	sadd.s32 s3, s2  }
0x8d: {  	s2 =	sadd.s32 s2, s18  }
0x8e: {  	[smem:$0x3FC5] =	sst s2  }
0x8f: {  	_ = 	snop  }
0x90: {  	s2 =	sld [smem:$0x3FC9]  }
0x91: {  	s19 =	sld [smem:$0x3FC8]  }
0x92: {  	s4 =	sld [smem:$0x3FC7]  }
0x93: {  	s5 =	sld [smem:$0x3FD0];
	(tm) =	ssettm $0x1  }
0x94: {  	s6 =	sld [smem:$0x3FFB];
	_ =	sdelay $0x3  }
0x95: {  	_ =	strace s6  }
0x96: {  	s6 =	sld [smem:$0x3FFC];
	_ =	sdelay $0x3  }
0x97: {  	_ =	strace s6  }
0x98: {  	s6 =	sld [smem:$0x3FFD];
	_ =	sdelay $0x3  }
0x99: {  	_ =	strace s6  }
0x9a: {  	_ =	strace $0x8FFFFFFF  }
0x9b: {  	s20 =	sld [smem:$0x3FDB];
	_ =	sdelay $0x1  }
0x9c: {  	s7 =	simm.s32 $_scs_section_size  }
0x9d: {  	s8 =	simm.s32 $_size__tile_overlayer_lowered;
	s9 =	simm.s32 $_tile_overlayer_lowered  }
0x9e: {  	s23 =	simm.s32 $0x1BFF;
	s22 =	sshll.u32 s9, $0x1;
	s6 =	sadd.s32 s7, s20  }
0x9f: {  	s10 =	simm.s32 $0x0;
	s21 =	sshll.u32 s8, $0x1;
	s8 =	sadd.s32 s22, s6  }
0xa0: {  	[timem:s10], [sflag:s23] =	dma.local [hbm:s8], s21  }
0xa1: {  	_ =	swait.ge [sflag:s23], s21  }
0xa2: {  	s7 =	ssub.s32 $0x0, s21;
	[sflag:s23] =	ssyncset.done $0x0  }
0xa3: {  	[sflag:s23] =	ssyncadd.s32 s7;
	_ =	sdelay $0x1  }
0xa4: {  	s24 =	simm.s32 $0x1B8B  }
0xa5: {  	_ =	swait.ge [sflag:s24], $0x1  }
0xa6: {  	[sflag:s24] =	ssyncset.done $0x0  }
0xa7: {  	s25 =	simm.s32 $0x1B8E;
	[sflag:s24] =	ssyncadd.s32 $0xFFFFFFFF  }
0xa8: {  	s26 =	simm.s32 $execute0_lowered;
	[smem:$0x3FD2] =	sst s25  }
0xa9: {  	s7 =	sshll.u32 s26, $0x1;
	_ =	strace $0x80000046;
	[dreg:$0x1] =	wrdreg $0xFFFFFFFF  }
0xaa: {  	s28 =	simm.s32 $_size_execute0_lowered;
	s6 =	sadd.s32 s6, s7;
	[dreg:$0x0] =	wrdreg $0x0  }
0xab: {  	s7 =	sshll.u32 s28, $0x1;
	[dreg:$0x2] =	wrdreg s6  }
0xac: {  	[dreg:$0x3] =	wrdreg s7  }
0xad: {  	[dreg:$0x4] =	wrdreg $0xC0  }
0xae: {  	_ =	task [dreg:s10], $0x5FFFF  }
0xaf: {  	[dreg:$0x1] =	wrdreg $0xFFFFFFFF  }
0xb0: {  	[dreg:$0x0] =	wrdreg $0x60  }
0xb1: {  	[dreg:$0x2] =	wrdreg s2  }
0xb2: {  	[dreg:$0x3] =	wrdreg s19  }
0xb3: {  	[dreg:$0x4] =	wrdreg s4  }
0xb4: {  	[dreg:$0x5] =	wrdreg s5  }
0xb5: {  	[dreg:$0x6] =	wrdreg $0x9  }
0xb6: {  	_ =	task.clear_ibuf [dreg:s10], $0x7FFFF;
	_ =	strace $0x90000046  }
0xb7: {  	s29 =	simm.s32 $0x9;
	_ =	strace $0x80000048  }
0xb8: {  	_ =	swait.ge [sflag:s29], $0x1  }
0xb9: {  	[sflag:s29] =	ssyncadd.s32 $0xFFFFFFFF  }
0xba: {  	_ =	strace $0x90000048  }
0xbb: {  	_ =	sfence  }
0xbc: {  	s30 =	sld [smem:$0x0];
	_ =	sdelay $0x2  }
0xbd: {  	s31 =	sshll.u32 s1, $0xD;
	s1 =	sshrl.u32 s1, $0x2  }
0xbe: {  	s3 =	sand.u32 $0x4000, s31;
	s1 =	sadd.s32 s1, s30  }
0xbf: {  	s0 =	sor.u32 s3, s0;
	s1 =	sshll.u32 s1, $0x11  }
0xc0: {  	s0 =	sor.u32 s1, s0  }
0xc1: {  	s0 =	sadd.s32 $0x8F2B, s0  }
0xc2: {  	[sflag:s0] =	ssyncadd.remote.s32 $0x1  }
0xc3: {  	_ =	sfence.sel $0xFFFF  }
0xc4: {  	[dreg:$0x0] =	wrdreg $0xFFFFFFFF;
	(pc) =	sbr.abs _section_cstart, $3  }
0xc5: {  	[dreg:$0x1] =	wrdreg $0xFFFFFFFF  }
0xc6: {  	_ =	task.clear_ibuf [dreg:s10], $0x2FFFF;
	_ =	strace $0x9FFFFFFF  }
0xc7: {  	(tm) =	ssettm $0x7FFFFFFF  }
tec
execute0_lowered:
.L_overlay_start_1:
0x0: {  	(tag) =	ssettag $0x1  }
0x1: {  	v3 =	vimm.f32 $0.0e+00;
	v4 =	vlaneseq.u32  }
0x2: {  	v6 =	vimm.s32 $0xECA86420;
	vm1 =	vcmask $0xB08;
	vm2 =	vcmask $0x1310  }
0x3: {  	vm3 =	vcmask $0x1B18;
	vm4 =	vcmask $0x300;
	vm7 =	vcmask $0x704  }
0x4: {  	s3 =	stileid.u32;
	vm6 =	vcmask $0x2320;
	vm12 =	vcmask $0xF0C;
	vm8 =	vcmask $0x2B28  }
0x5: {  	vm9 =	vcmask $0x3330;
	vm10 =	vcmask $0x3B38;
	vm11 =	vmmov $0xff;
	s24 =	sshrl.u32 s3, $0x1  }
0x6: {  	vm13 =	vcmask $0x2724;
	vm14 =	vcmask $0x2F2C;
	v5 =	vmov s24  }
0x7: {  	v10 =	vimm.s32 $0xFED93210;
	vm0 =	veq.s32 v5, v4;
	v5 =	vimm.s32 $0x0  }
0x8: {  	v13 =	vimm.s32 $0xA090807;
	v14 =	vimm.s32 $0xE9E5E4E3;
	v5 =	vsel vm0, $0xFFFFFFFF, v5  }
0x9: {  	vm5 =	vcmask $0x2F10;
	[tilespmem:$0x1FFF0] =	vst v5;
	v5 =	vunpack.c.l.s4.s8 v6;
	v6 =	vsel vm4, $0xF149F2CA, v3  }
0xa: {  	v15 =	vimm.s32 $0x110D0C0B;
	v16 =	vimm.s32 $0x15141312;
	v6 =	vsel vm7, $0x3F800000, v6  }
0xb: {  	s0 =	srdreg.scid;
	vm15 =	vcmask $0x1714;
	s2 =	sshll.u32 s3, $0x1;
	v10 =	vunpack.c.l.s4.s8 v10;
	v7 =	vsel vm12, $0x28, v6  }
0xc: {  	s1 =	sand.u32 $0x1, s0;
	v13 =	vunpack.c.0.s8.s32 v13;
	v14 =	vunpack.c.0.s8.s32 v14;
	s22 =	sand.u32 $0x2, s2;
	v7 =	vsel vm2, $0x2E80, v7  }
0xd: {  	v15 =	vunpack.c.0.s8.s32 v15;
	v16 =	vunpack.c.0.s8.s32 v16;
	s0 =	sor.u32 s1, s22;
	v7 =	vsel vm6, $0xF149F2CA, v7  }
0xe: {  	v10 =	vunpack.c.0.s8.s32 v10;
	s23 =	smul.u32 $0xBA, s0;
	v8 =	vsel vm13, $0x3F800000, v7;
	v7 =	vimm.s32 $0xEDECEBEA  }
0xf: {  	vm0 =	vcmask $0x1F10;
	v9 =	vunpack.c.0.s8.s32 v7;
	v7 =	vimm.s32 $0xF4F3EFEE  }
0x10: {  	s25 =	sadd.s32 $0x5D, s23;
	v0 =	vmov s23;
	v11 =	vunpack.c.0.s8.s32 v7;
	v7 =	vimm.s32 $0xE2E1E0DF  }
0x11: {  	s4 =	sadd.s32 $0xBA, s23;
	v1 =	vmov s25;
	v12 =	vunpack.c.0.s8.s32 v7;
	v7 =	vimm.s32 $0xF8F7F6F5  }
0x12: {  	s26 =	rddreg [dreg:$0x0];
	v2 =	vmov s4;
	v5 =	vunpack.c.0.s8.s32 v5;
	v7 =	vunpack.c.0.s8.s32 v7  }
0x13: {  	s28 =	rddreg [dreg:$0x3];
	s1 =	ssub.s32 $0x2, s1;
	v6 =	vmul.u32 $0x2, v4;
	v17 =	vsel vm14, $0x28, v8;
	v8 =	vimm.s32 $0x0  }
0x14: {  	s6 =	simm.s32 $0x0;
	s5 =	smul.u32 $0x2E8, s24;
	s29 =	sshrl.u32 s1, $0x1;
	v11 =	vsel vm0, v11, v9;
	v7 =	vsel vm5, v10, v7;
	vm5 =	vcmask $0x3F30  }
0x15: {  	[smem:$0x7FF] =	sst s6;
	s0 =	sshll.u32 s24, $0xA;
	s1 =	ssub.s32 s1, s29;
	v10 =	vimm.s32 $0x1C1B1716;
	v7 =	vsel vm5, v13, v7;
	v13 =	vimm.s32 $0x201F1E1D  }
0x16: {  	s0 =	sadd.s32 s26, s0;
	s2 =	sadd.s32 s5, s23;
	_ =	strace $0x80000047;
	v9 =	vsel vm9, $0x2E80, v17;
	v10 =	vunpack.c.0.s8.s32 v10;
	v13 =	vunpack.c.0.s8.s32 v13  }
0x17: {  	[dreg:$0x6] =	wrdreg s0;
	s31 =	smax.u32 s1, $0x1;
	s2 =	sshll.u32 s2, $0x4;
	v17 =	vsel vm7, $0x3F800000, v3;
	v12 =	vsel vm0, v14, v12;
	v14 =	vsel vm0, v16, v15  }
0x18: {  	[dreg:$0x8] =	wrdreg s31;
	s2 =	sadd.s32 s28, s2;
	v15 =	vsel vm4, $0x21, v8;
	v16 =	vor.u32 $0x30, v4;
	v13 =	vsel vm0, v13, v10  }
0x19: {  	s1 =	simm.s32 $0x1;
	[dreg:$0x5] =	wrdreg s2;
	s30 =	sadd.s32 $0x5D0, s2;
	vm0 =	vcmask $0x1F1C;
	v10 =	vcombine.low v12, v11;
	v11 =	vor.u32 $0x10, v4  }
0x1a: {  	s4 =	simm.s32 $0x2080;
	s2 =	simm.s32 $0x0;
	[dreg:$0x7] =	wrdreg s30;
	v12 =	vsel vm6, $0x3F800000, v3;
	v13 =	vcombine.low v14, v13;
	v14 =	vor.u32 $0x20, v4  }
.LBB2_1:
0x1b: {  	[dreg:$0x9] =	wrdreg s2  }
0x1c: {  	s0 =	rddreg [dreg:$0x6]  }
0x1d: {  	[tilespmem:s6], [sflag:$0x1] =	stream.linear.gather [hbm4b:s0+s6], $0x2000, $0x38;
	[tilespmem:$0x1AA00] =	vst v63  }
0x1e: {  	_ =	swait.ge [sflag:s1], $0x2000  }
0x1f: {  	[sflag:s1] =	ssyncset.done $0x0  }
0x20: {  	[sflag:s1] =	ssyncadd.s32 $0xFFFFE000  }
0x21: {  	s30 =	simm.s32 $0x2000;
	s29 =	rddreg [dreg:$0x1]  }
0x22: {  	[tilespmem:s30], [sflag:$0x1] =	stream.linear.gather [hbm4b:s29+s6], $0x80, $0x38;
	[tilespmem:$0x1AA00] =	vst v63  }
0x23: {  	_ =	swait.ge [sflag:s1], $0x80  }
0x24: {  	[sflag:s1] =	ssyncset.done $0x0  }
0x25: {  	[sflag:s1] =	ssyncadd.s32 $0xFFFFFF80  }
0x26: {  	p0 =	por $0x0, $0x0;
	s31 =	rddreg [dreg:$0x2]  }
0x27: {  	[tilespmem:s4], [sflag:$0x1] =	stream.linear.gather [hbm4b:s31+s6], $0x1900, $0x38;
	[tilespmem:$0x1AA00] =	vst v63  }
.Ltmp0:
0x28: {  	_ = 	snop;
	(pc) =	sbr.rel @p0 .LBB2_3-.Ltmp0, $4  }
0x29: {  	_ =	swait.ge [sflag:s1], $0x1900  }
0x2a: {  	[sflag:s1] =	ssyncset.done $0x0  }
0x2b: {  	[sflag:s1] =	ssyncadd.s32 $0xFFFFE700  }
0x2c: {  	s0 =	simm.s32 $0x0;
	s1 =	simm.s32 $0x200;
	v18 =	vld [tilespmem:$0x2000]  }
.LBB2_2:
0x2d: {  	p0 =	seq.s32 s1, $0x12200;
	[tilespmem:s0+$0x82F0] =	vst v3  }
0x2e: {  	[tilespmem:s0+$0x3980] =	vst v3  }
0x2f: {  	[tilespmem:s0+$0x3990] =	vst v3  }
0x30: {  	[tilespmem:s0+$0x39A0] =	vst v3  }
0x31: {  	[tilespmem:s0+$0x39B0] =	vst v3  }
0x32: {  	[tilespmem:s0+$0x39C0] =	vst v3  }
0x33: {  	[tilespmem:s0+$0x39D0] =	vst v3  }
0x34: {  	[tilespmem:s0+$0x39E0] =	vst v3  }
0x35: {  	[tilespmem:s0+$0x39F0] =	vst v3  }
0x36: {  	[tilespmem:s0+$0x8280] =	vst v3  }
0x37: {  	[tilespmem:s0+$0x8290] =	vst v3  }
.Ltmp1:
0x38: {  	[tilespmem:s0+$0x82A0] =	vst v3;
	(pc) =	sbr.rel @!p0 .LBB2_2-.Ltmp1, $4  }
0x39: {  	[tilespmem:s0+$0x82B0] =	vst v3  }
0x3a: {  	[tilespmem:s0+$0x82C0] =	vst v3  }
0x3b: {  	[tilespmem:s0+$0x82D0] =	vst v3  }
0x3c: {  	[tilespmem:s0+$0x82E0] =	vst v3;
	s0 =	sshra.s32 s1, $0x2;
	s1 =	sadd.s32 $0x200, s1  }
.LBB2_3:
0x3d: {  	[tilespmem:s0+$0x82F0] =	vst v3  }
0x3e: {  	[tilespmem:s0+$0x3980] =	vst v3  }
0x3f: {  	[tilespmem:s0+$0x3990] =	vst v3  }
0x40: {  	[tilespmem:s0+$0x39A0] =	vst v3  }
0x41: {  	[tilespmem:s0+$0x39B0] =	vst v3  }
0x42: {  	[tilespmem:s0+$0x39C0] =	vst v3  }
0x43: {  	[tilespmem:s0+$0x39D0] =	vst v3  }
0x44: {  	[tilespmem:s0+$0x39E0] =	vst v3  }
0x45: {  	[tilespmem:s0+$0x39F0] =	vst v3  }
0x46: {  	[tilespmem:s0+$0x8280] =	vst v3  }
0x47: {  	[tilespmem:s0+$0x8290] =	vst v3  }
0x48: {  	[tilespmem:s0+$0x82A0] =	vst v3  }
0x49: {  	[tilespmem:s0+$0x82B0] =	vst v3  }
0x4a: {  	[tilespmem:s0+$0x82C0] =	vst v3  }
0x4b: {  	[tilespmem:s0+$0x82D0] =	vst v3  }
0x4c: {  	[tilespmem:s0+$0x82E0] =	vst v3;
	s0 =	simm.s32 $0x0;
	s1 =	simm.s32 $0x200  }
.LBB2_4:
0x4d: {  	p0 =	seq.s32 s1, $0xB800;
	[tilespmem:s0+$0xFAF0] =	vst v3  }
0x4e: {  	[tilespmem:s0+$0xCB80] =	vst v3  }
0x4f: {  	[tilespmem:s0+$0xCB90] =	vst v3  }
0x50: {  	[tilespmem:s0+$0xCBA0] =	vst v3  }
0x51: {  	[tilespmem:s0+$0xCBB0] =	vst v3  }
0x52: {  	[tilespmem:s0+$0xCBC0] =	vst v3  }
0x53: {  	[tilespmem:s0+$0xCBD0] =	vst v3  }
0x54: {  	[tilespmem:s0+$0xCBE0] =	vst v3  }
0x55: {  	[tilespmem:s0+$0xCBF0] =	vst v3  }
0x56: {  	[tilespmem:s0+$0xFA80] =	vst v3  }
0x57: {  	[tilespmem:s0+$0xFA90] =	vst v3  }
.Ltmp2:
0x58: {  	[tilespmem:s0+$0xFAA0] =	vst v3;
	(pc) =	sbr.rel @!p0 .LBB2_4-.Ltmp2, $4  }
0x59: {  	[tilespmem:s0+$0xFAB0] =	vst v3  }
0x5a: {  	[tilespmem:s0+$0xFAC0] =	vst v3  }
0x5b: {  	[tilespmem:s0+$0xFAD0] =	vst v3  }
0x5c: {  	[tilespmem:s0+$0xFAE0] =	vst v3;
	s0 =	sshra.s32 s1, $0x2;
	s1 =	sadd.s32 $0x200, s1  }
0x5d: {  	[tilespmem:s0+$0xFAF0] =	vst v3  }
0x5e: {  	[tilespmem:s0+$0xCB80] =	vst v3;
	v19 =	vld [tilespmem:$0x1FFF0]  }
0x5f: {  	[tilespmem:s0+$0xCB90] =	vst v3  }
0x60: {  	[tilespmem:s0+$0xCBA0] =	vst v3  }
0x61: {  	[tilespmem:s0+$0xCBB0] =	vst v3  }
0x62: {  	[tilespmem:s0+$0xCBC0] =	vst v3  }
0x63: {  	[tilespmem:s0+$0xCBD0] =	vst v3;
	vm5 =	vnez.u8 v19  }
0x64: {  	[tilespmem:s0+$0xCBE0] =	vst v3;
	v18 =	vnsel vm5, $0x0, v18  }
0x65: {  	[tilespmem:s0+$0xCBF0] =	vst v3;
	(xrf0) =	vadd.scan.msk.s32 $0xffff, v18  }
0x66: {  	[tilespmem:s0+$0xFA80] =	vst v3  }
0x67: {  	[tilespmem:s0+$0xFA90] =	vst v3  }
0x68: {  	[tilespmem:s0+$0xFAA0] =	vst v3  }
0x69: {  	[tilespmem:s0+$0xFAB0] =	vst v3  }
0x6a: {  	[tilespmem:s0+$0xFAC0] =	vst v3  }
0x6b: {  	[tilespmem:s0+$0xFAD0] =	vst v3;
	v19, _, _ =	vpop (xrf0)  }
0x6c: {  	[tilespmem:s0+$0xFAE0] =	vst v3;
	s1 =	simm.s32 $0x0;
	s0 =	simm.s32 $0x0;
	v20 =	vimm.s32 $0x0;
	v18 =	vimm.s32 $0x0;
	v19 =	vbroadcast v19, $0xF  }
.LBB2_6:
0x6d: {  	[dreg:$0xb] =	wrdreg s0  }
0x6e: {  	[dreg:$0xa] =	wrdreg s1  }
0x6f: {  	s0 =	rddreg [dreg:$0xb]  }
0x70: {  	s1 =	rddreg [dreg:$0xa]  }
0x71: {  	s0 =	sand.u32 $0x70, s0;
	s1 =	sand.u32 $0x1E00, s1  }
0x72: {  	s0 =	sor.u32 s0, s1  }
0x73: {  	v21 =	vld [tilespmem:s0+$0x80];
	_ =	sdelay $0x4  }
0x74: {  	v21 =	vtrunc.f32 v21  }
0x75: {  	v21 =	vcvt.f32.s32 v21;
	_ =	sdelay $0x1  }
0x76: {  	(v2sf) =	vpush v21, $0xD;
	_ =	sdelay $0x1  }
0x77: {  	(v2sf) =	vpush v21, $0xC;
	_ =	sdelay $0x1  }
0x78: {  	(v2sf) =	vpush v21, $0xE;
	_ =	sdelay $0x1  }
0x79: {  	(v2sf) =	vpush v21, $0xF;
	_ =	sdelay $0x1  }
0x7a: {  	(v2sf) =	vpush v21, $0x9;
	_ =	sdelay $0x1  }
0x7b: {  	(v2sf) =	vpush v21, $0x8;
	_ =	sdelay $0x1  }
0x7c: {  	(v2sf) =	vpush v21, $0xA;
	_ =	sdelay $0x1  }
0x7d: {  	(v2sf) =	vpush v21, $0xB  }
0x7e: {  	s25 =	spop (v2sf)  }
0x7f: {  	(v2sf) =	vpush v21, $0x0;
	s13 =	smulhi.u32 $0x66666667, s25;
	s1 =	sshra.s32 s25, $0x1F  }
0x80: {  	s3 =	spop (v2sf);
	s15 =	smul.u32 $0x66666667, s1  }
0x81: {  	(v2sf) =	vpush v21, $0x1;
	s14 =	smulhi.u32 $0x66666667, s3;
	s3 =	sshra.s32 s3, $0x1F  }
0x82: {  	s4 =	spop (v2sf);
	s17 =	smul.u32 $0x66666667, s3  }
0x83: {  	(v2sf) =	vpush v21, $0x2;
	s19 =	smulhi.u32 $0x66666667, s4;
	s4 =	sshra.s32 s4, $0x1F  }
0x84: {  	s26 =	spop (v2sf);
	(v2sf) =	vpush v21, $0x3;
	s12 =	smul.u32 $0x66666667, s4  }
0x85: {  	s21 =	smulhi.u32 $0x66666667, s26;
	s4 =	sshra.s32 s26, $0x1F  }
0x86: {  	s28 =	spop (v2sf);
	(v2sf) =	vpush v21, $0x4;
	s7 =	smul.u32 $0x66666667, s4  }
0x87: {  	s22 =	smulhi.u32 $0x66666667, s28;
	s4 =	sshra.s32 s28, $0x1F  }
0x88: {  	v22 =	vld [tilespmem:s0+$0x0];
	s8 =	spop (v2sf);
	(v2sf) =	vpush v21, $0x5;
	s11 =	smul.u32 $0x66666667, s4  }
0x89: {  	s26 =	smulhi.u32 $0x66666667, s8;
	s8 =	sshra.s32 s8, $0x1F  }
0x8a: {  	s29 =	spop (v2sf);
	(v2sf) =	vpush v21, $0x6;
	s5 =	smul.u32 $0x66666667, s8  }
0x8b: {  	s28 =	smulhi.u32 $0x66666667, s29;
	s8 =	sshra.s32 s29, $0x1F  }
0x8c: {  	s30 =	spop (v2sf);
	s20 =	smul.u32 $0x66666667, s8  }
0x8d: {  	v22 =	vtrunc.f32 v22;
	s31 =	smulhi.u32 $0x66666667, s30;
	s8 =	sshra.s32 s30, $0x1F  }
0x8e: {  	v22 =	vcvt.f32.s32 v22;
	(v2sf) =	vpush v21, $0x7;
	s18 =	smul.u32 $0x66666667, s8;
	s1 =	spop (v2sf)  }
0x8f: {  	[dreg:$0xc] =	wrdreg s0;
	s16 =	smulhi.u32 $0x66666667, s1;
	s8 =	sshra.s32 s1, $0x1F  }
0x90: {  	(v2sf) =	vpush v22, $0xD;
	s2 =	spop (v2sf);
	s1 =	smul.u32 $0x66666667, s8  }
0x91: {  	[dreg:$0x13] =	wrdreg s31;
	s3 =	smulhi.u32 $0x66666667, s2;
	s8 =	sshra.s32 s2, $0x1F  }
0x92: {  	s4 =	spop (v2sf);
	s9 =	smul.u32 $0x66666667, s8  }
0x93: {  	(v2sf) =	vpush v22, $0xC;
	s6 =	smulhi.u32 $0x66666667, s4;
	s8 =	sshra.s32 s4, $0x1F;
	s10 =	spop (v2sf)  }
0x94: {  	[dreg:$0x14] =	wrdreg s3;
	s4 =	smul.u32 $0x66666667, s8  }
0x95: {  	s23 =	smulhi.u32 $0x66666667, s10;
	s8 =	sshra.s32 s10, $0x1F;
	s24 =	spop (v2sf)  }
0x96: {  	[dreg:$0x15] =	wrdreg s6;
	s6 =	smul.u32 $0x66666667, s8  }
0x97: {  	(v2sf) =	vpush v22, $0xE;
	s25 =	smulhi.u32 $0x66666667, s24;
	s8 =	sshra.s32 s24, $0x1F;
	s29 =	spop (v2sf)  }
0x98: {  	[dreg:$0x16] =	wrdreg s23;
	s10 =	smul.u32 $0x66666667, s8  }
0x99: {  	(v2sf) =	vpush v22, $0xF;
	s30 =	smulhi.u32 $0x66666667, s29;
	s8 =	sshra.s32 s29, $0x1F;
	s31 =	spop (v2sf)  }
0x9a: {  	s21 =	sadd.s32 s7, s21;
	s7 =	rddreg [dreg:$0x15];
	s2 =	smul.u32 $0x66666667, s8  }
0x9b: {  	(v2sf) =	vpush v22, $0x9;
	[dreg:$0x17] =	wrdreg s25;
	s3 =	smulhi.u32 $0x66666667, s31  }
0x9c: {  	s8 =	sshra.s32 s31, $0x1F;
	s31 =	sadd.s32 s15, s13;
	[dreg:$0x18] =	wrdreg s30  }
0x9d: {  	s20 =	sadd.s32 s20, s28;
	(v2sf) =	vpush v22, $0x8;
	s23 =	spop (v2sf);
	[dreg:$0x1f] =	wrdreg s31  }
0x9e: {  	s16 =	sadd.s32 s1, s16;
	s24 =	smulhi.u32 $0x66666667, s23;
	[dreg:$0x19] =	wrdreg s3  }
0x9f: {  	(v2sf) =	vpush v22, $0xA;
	s4 =	sadd.s32 s4, s7;
	s3 =	smul.u32 $0x66666667, s8;
	s25 =	spop (v2sf)  }
0xa0: {  	[dreg:$0x1a] =	wrdreg s24;
	s29 =	smulhi.u32 $0x66666667, s25;
	s30 =	sshra.s32 s25, $0x1F  }
0xa1: {  	(v2sf) =	vpush v22, $0xB;
	s8 =	sshra.s32 s23, $0x1F;
	s0 =	smul.u32 $0x66666667, s30;
	s30 =	rddreg [dreg:$0x13]  }
0xa2: {  	s23 =	sadd.s32 s12, s19;
	s13 =	spop (v2sf);
	[dreg:$0x1b] =	wrdreg s29  }
0xa3: {  	s15 =	smulhi.u32 $0x66666667, s13;
	s18 =	sadd.s32 s18, s30;
	s30 =	rddreg [dreg:$0x17]  }
0xa4: {  	s24 =	smul.u32 $0x66666667, s8;
	[dreg:$0x1c] =	wrdreg s0;
	s0 =	sshra.s32 s13, $0x1F  }
0xa5: {  	s29 =	sadd.s32 s17, s14;
	[dreg:$0x1d] =	wrdreg s15;
	s0 =	smul.u32 $0x66666667, s0  }
0xa6: {  	(v2sf) =	vpush v22, $0x0;
	s17 =	spop (v2sf);
	s15 =	sadd.s32 s5, s26;
	s5 =	rddreg [dreg:$0x14]  }
0xa7: {  	s19 =	smulhi.u32 $0x66666667, s17;
	[dreg:$0x1e] =	wrdreg s0;
	s0 =	sshra.s32 s17, $0x1F  }
0xa8: {  	s17 =	sadd.s32 s11, s22;
	s22 =	spop (v2sf);
	s25 =	smul.u32 $0x66666667, s0  }
0xa9: {  	[smem:$0x7FD] =	sst s19;
	s26 =	smulhi.u32 $0x66666667, s22;
	s0 =	sshra.s32 s22, $0x1F  }
0xaa: {  	s10 =	sadd.s32 s10, s30;
	s28 =	spop (v2sf);
	s19 =	smul.u32 $0x66666667, s0  }
0xab: {  	s30 =	rddreg [dreg:$0x19];
	s22 =	smulhi.u32 $0x66666667, s28;
	s0 =	sshra.s32 s28, $0x1F  }
0xac: {  	(v2sf) =	vpush v22, $0x1;
	s9 =	sadd.s32 s9, s5;
	s31 =	spop (v2sf);
	s14 =	smul.u32 $0x66666667, s0  }
0xad: {  	s28 =	rddreg [dreg:$0x16];
	s13 =	smulhi.u32 $0x66666667, s31;
	s0 =	sshra.s32 s31, $0x1F  }
0xae: {  	s8 =	spop (v2sf);
	s6 =	sadd.s32 s6, s28;
	s12 =	smul.u32 $0x66666667, s0  }
0xaf: {  	(v2sf) =	vpush v22, $0x2;
	s28 =	rddreg [dreg:$0x18];
	s11 =	smulhi.u32 $0x66666667, s8;
	s0 =	sshra.s32 s8, $0x1F  }
0xb0: {  	s31 =	spop (v2sf);
	s8 =	sadd.s32 s2, s28;
	s2 =	rddreg [dreg:$0x1a]  }
0xb1: {  	s28 =	sadd.s32 s3, s30;
	s30 =	rddreg [dreg:$0x1b];
	s7 =	smul.u32 $0x66666667, s0  }
0xb2: {  	s26 =	sadd.s32 s19, s26;
	s5 =	smulhi.u32 $0x66666667, s31;
	s14 =	sadd.s32 s14, s22  }
0xb3: {  	s0 =	sshra.s32 s31, $0x1F;
	[dreg:$0x11] =	wrdreg s14;
	s12 =	sadd.s32 s12, s13  }
0xb4: {  	s3 =	smul.u32 $0x66666667, s0;
	[dreg:$0xe] =	wrdreg s12;
	s7 =	sadd.s32 s7, s11  }
0xb5: {  	s24 =	sadd.s32 s24, s2;
	s31 =	spop (v2sf);
	[dreg:$0xd] =	wrdreg s7  }
0xb6: {  	s2 =	smulhi.u32 $0x66666667, s31;
	s0 =	sshra.s32 s31, $0x1F;
	s31 =	rddreg [dreg:$0x1c]  }
0xb7: {  	s19 =	sshrl.u32 s29, $0x1F;
	s1 =	sadd.s32 s31, s30;
	s31 =	rddreg [dreg:$0x1d]  }
0xb8: {  	v24 =	vmov s19;
	s19 =	sshrl.u32 s9, $0x1F;
	s30 =	rddreg [dreg:$0x1e]  }
0xb9: {  	s11 =	sshra.s32 s15, $0x2;
	s5 =	sadd.s32 s3, s5;
	[dreg:$0x10] =	wrdreg s1  }
0xba: {  	s7 =	sshra.s32 s21, $0x2;
	s31 =	sadd.s32 s30, s31;
	s30 =	sld [smem:$0x7FD]  }
0xbb: {  	s3 =	sshra.s32 s20, $0x2;
	s1 =	smul.u32 $0x66666667, s0;
	s0 =	spop (v2sf)  }
0xbc: {  	[dreg:$0x12] =	wrdreg s31;
	s31 =	smulhi.u32 $0x66666667, s0;
	s0 =	sshra.s32 s0, $0x1F  }
0xbd: {  	(v2sf) =	vpush v22, $0x3;
	v28 =	vmov s11;
	s11 =	rddreg [dreg:$0xd];
	s0 =	smul.u32 $0x66666667, s0;
	s25 =	sadd.s32 s25, s30  }
0xbe: {  	(v2sf) =	vpush v22, $0x4;
	s12 =	sadd.s32 s1, s2;
	[dreg:$0xf] =	wrdreg s25;
	s25 =	spop (v2sf)  }
0xbf: {  	s1 =	sshra.s32 s18, $0x2;
	(v2sf) =	vpush v22, $0x5;
	s30 =	smulhi.u32 $0x66666667, s25;
	s25 =	sshra.s32 s25, $0x1F  }
0xc0: {  	s31 =	sadd.s32 s0, s31;
	(v2sf) =	vpush v22, $0x6;
	s22 =	smul.u32 $0x66666667, s25;
	s25 =	rddreg [dreg:$0x1f]  }
0xc1: {  	s0 =	sshra.s32 s23, $0x2;
	(v2sf) =	vpush v22, $0x7;
	s2 =	sshrl.u32 s25, $0x1F;
	s13 =	sshra.s32 s25, $0x2  }
0xc2: {  	s25 =	sshra.s32 s29, $0x2;
	s29 =	sshrl.u32 s15, $0x1F;
	s15 =	sshrl.u32 s20, $0x1F  }
0xc3: {  	s20 =	sshrl.u32 s18, $0x1F;
	s18 =	sshrl.u32 s16, $0x1F;
	s14 =	sadd.s32 s22, s30  }
0xc4: {  	s22 =	sshrl.u32 s23, $0x1F;
	s23 =	sshrl.u32 s21, $0x1F;
	s21 =	sshrl.u32 s17, $0x1F  }
0xc5: {  	s17 =	sshra.s32 s17, $0x2;
	s30 =	sshra.s32 s24, $0x1F;
	v24 =	vsel vm1, s2, v24;
	v25 =	vmov s18;
	s2 =	sshra.s32 s9, $0x1F;
	v26 =	vmov s29  }
0xc6: {  	s18 =	sshrl.u32 s6, $0x1F;
	s29 =	sshra.s32 s8, $0x2;
	v27 =	vmov s25;
	v23 =	vmov s30;
	s30 =	sshra.s32 s16, $0x2;
	v24 =	vsel vm2, s22, v24  }
0xc7: {  	s16 =	sshra.s32 s16, $0x1F;
	v25 =	vnsel vm4, $0x0, v25;
	s22 =	sshra.s32 s6, $0x2;
	v27 =	vsel vm1, s13, v27;
	s13 =	sshra.s32 s24, $0x2;
	v23 =	vsel vm4, s30, v23  }
0xc8: {  	v26 =	vsel vm1, s21, v26;
	v28 =	vsel vm1, s17, v28;
	s17 =	sshrl.u32 s26, $0x1F;
	s30 =	sshra.s32 s9, $0x2;
	s9 =	sshrl.u32 s4, $0x1F;
	v23 =	vsel vm7, s16, v23  }
0xc9: {  	v24 =	vsel vm3, s23, v24;
	v25 =	vsel vm1, s19, v25;
	s19 =	sshrl.u32 s10, $0x1F;
	s23 =	sshrl.u32 s8, $0x1F;
	s8 =	sshra.s32 s8, $0x1F;
	v23 =	vsel vm1, s30, v23  }
0xca: {  	v26 =	vsel vm2, s15, v26;
	s15 =	sshra.s32 s28, $0x1F;
	s16 =	sshra.s32 s4, $0x2;
	s4 =	sshra.s32 s4, $0x1F;
	v25 =	vsel vm2, s9, v25;
	v23 =	vsel vm12, s2, v23  }
0xcb: {  	s9 =	sshra.s32 s10, $0x1F;
	v26 =	vsel vm3, s20, v26;
	s20 =	sshrl.u32 s28, $0x1F;
	s30 =	sshra.s32 s10, $0x2;
	v25 =	vsel vm3, s18, v25;
	v23 =	vsel vm2, s16, v23  }
0xcc: {  	s18 =	rddreg [dreg:$0x11];
	s2 =	sshra.s32 s6, $0x1F;
	v25 =	vsel vm6, s19, v25;
	s16 =	spop (v2sf);
	v23 =	vsel vm15, s4, v23  }
0xcd: {  	s19 =	rddreg [dreg:$0xf];
	v25 =	vsel vm8, s23, v25;
	s23 =	sshra.s32 s28, $0x2;
	s21 =	spop (v2sf);
	v23 =	vsel vm3, s22, v23  }
0xce: {  	v27 =	vsel vm2, s0, v27;
	s6 =	smulhi.u32 $0x66666667, s16;
	s10 =	sshra.s32 s16, $0x1F;
	v23 =	vsel vm0, s2, v23;
	s4 =	spop (v2sf)  }
0xcf: {  	v28 =	vsel vm2, s3, v28;
	v25 =	vsel vm9, s20, v25;
	s20 =	rddreg [dreg:$0x10];
	s16 =	sshra.s32 s12, $0x1F;
	v23 =	vsel vm6, s30, v23;
	s2 =	spop (v2sf)  }
0xd0: {  	v27 =	vsel vm3, s7, v27;
	v28 =	vsel vm3, s1, v28;
	s10 =	smul.u32 $0x66666667, s10;
	s22 =	sshrl.u32 s24, $0x1F;
	v23 =	vsel vm13, s9, v23;
	s30 =	spop (v2sf)  }
0xd1: {  	v24 =	vcombine.low v26, v24;
	v25 =	vsel vm10, s22, v25;
	s22 =	rddreg [dreg:$0x12];
	v23 =	vsel vm8, s29, v23;
	s25 =	smulhi.u32 $0x66666667, s30;
	s28 =	sshra.s32 s30, $0x1F  }
0xd2: {  	vm5 =	vcmask $0x3734;
	v27 =	vcombine.low v28, v27;
	s6 =	sadd.s32 s10, s6;
	s10 =	sshrl.u32 s31, $0x1F;
	v23 =	vsel vm14, s8, v23;
	s0 =	smul.u32 $0x66666667, s28  }
0xd3: {  	v24 =	vperm.xlane v24, v5;
	v25 =	vperm.xlane v25, v6;
	s9 =	sshra.s32 s12, $0x2;
	s29 =	sshrl.u32 s20, $0x1F;
	s30 =	sshrl.u32 s22, $0x1F;
	v23 =	vsel vm9, s23, v23  }
0xd4: {  	v27 =	vperm.xlane v27, v5;
	s8 =	sshrl.u32 s19, $0x1F;
	v29 =	vmov s30;
	v23 =	vsel vm5, s15, v23;
	s15 =	rddreg [dreg:$0xe];
	s0 =	sadd.s32 s0, s25  }
0xd5: {  	v24 =	vsel vm11, v25, v24;
	s23 =	sshrl.u32 s18, $0x1F;
	v29 =	vsel vm1, s29, v29;
	s24 =	sshrl.u32 s15, $0x1F;
	v23 =	vsel vm10, s13, v23;
	s29 =	sshra.s32 s0, $0x1F  }
0xd6: {  	s30 =	smulhi.u32 $0x66666667, s21;
	s21 =	sshra.s32 s21, $0x1F;
	s15 =	sshra.s32 s15, $0x2;
	v29 =	vsel vm2, s8, v29;
	v30 =	vmov s24;
	v31 =	vmov s29  }
0xd7: {  	s28 =	sshrl.u32 s11, $0x1F;
	s13 =	sshrl.u32 s14, $0x1F;
	s25 =	smul.u32 $0x66666667, s21;
	v23 =	vperm.xlane v23, v6;
	v42 =	vmov s15;
	v31 =	vsel vm4, s9, v31  }
0xd8: {  	s21 =	sshra.s32 s31, $0x2;
	s24 =	sshra.s32 s31, $0x1F;
	s31 =	sshrl.u32 s5, $0x1F;
	v29 =	vsel vm3, s17, v29;
	v30 =	vsel vm1, s23, v30;
	v31 =	vsel vm7, s16, v31  }
0xd9: {  	s17 =	smulhi.u32 $0x66666667, s4;
	s3 =	sadd.s32 s25, s30;
	s30 =	sshrl.u32 s12, $0x1F;
	v30 =	vsel vm2, s28, v30;
	v23 =	vsel vm11, v23, v27;
	v31 =	vsel vm1, s21, v31  }
0xda: {  	s4 =	sshra.s32 s4, $0x1F;
	s23 =	sshrl.u32 s6, $0x1F;
	s28 =	sshra.s32 s14, $0x2;
	v37 =	vmov s30;
	v40 =	vsel vm3, s31, v30;
	v31 =	vsel vm12, s24, v31  }
0xdb: {  	s4 =	smul.u32 $0x66666667, s4;
	s30 =	sshra.s32 s14, $0x1F;
	s14 =	sshra.s32 s22, $0x2;
	v23 =	vadd.s32 v24, v23;
	v26 =	vnsel vm4, $0x0, v37;
	v38 =	vsel vm2, s28, v31  }
0xdc: {  	s25 =	smulhi.u32 $0x66666667, s2;
	s2 =	sshra.s32 s2, $0x1F;
	s9 =	sshra.s32 s6, $0x2;
	v28 =	vcombine.low v40, v29;
	v41 =	vmov s14;
	v39 =	vsel vm15, s30, v38  }
0xdd: {  	s29 =	sshrl.u32 s3, $0x1F;
	s6 =	sshra.s32 s6, $0x1F;
	s16 =	sshra.s32 s20, $0x2;
	v45 =	vmul.u32 $0x1F, v23;
	v26 =	vsel vm1, s10, v26;
	v25 =	vsel vm3, s9, v39  }
0xde: {  	s1 =	sadd.s32 s4, s17;
	s17 =	sshra.s32 s18, $0x2;
	v29 =	vsel vm1, s16, v41;
	v26 =	vsel vm2, s13, v26;
	s13 =	sshra.s32 s3, $0x2;
	v25 =	vsel vm0, s6, v25  }
0xdf: {  	s2 =	smul.u32 $0x66666667, s2;
	s20 =	sshra.s32 s19, $0x2;
	v30 =	vsel vm1, s17, v42;
	vm1 =	vmmov vm13;
	s3 =	sshra.s32 s3, $0x1F;
	v25 =	vsel vm6, s13, v25  }
0xe0: {  	s22 =	sshra.s32 s26, $0x2;
	s18 =	sshra.s32 s1, $0x2;
	s21 =	sshra.s32 s11, $0x2;
	v29 =	vsel vm2, s20, v29;
	v26 =	vsel vm3, s23, v26;
	v25 =	vsel vm13, s3, v25  }
0xe1: {  	s2 =	sadd.s32 s2, s25;
	s10 =	sshrl.u32 s1, $0x1F;
	s1 =	sshra.s32 s1, $0x1F;
	v30 =	vsel vm2, s21, v30;
	v26 =	vsel vm6, s29, v26;
	v25 =	vsel vm8, s18, v25  }
0xe2: {  	s12 =	sshrl.u32 s2, $0x1F;
	s24 =	sshra.s32 s2, $0x2;
	s23 =	sshra.s32 s5, $0x2;
	v29 =	vsel vm3, s22, v29;
	v26 =	vsel vm8, s10, v26;
	v25 =	vsel vm14, s1, v25  }
0xe3: {  	s25 =	sshrl.u32 s0, $0x1F;
	s26 =	sshra.s32 s2, $0x1F;
	v30 =	vsel vm3, s23, v30;
	v26 =	vsel vm9, s12, v26;
	v25 =	vsel vm9, s24, v25  }
0xe4: {  	s0 =	sshra.s32 s0, $0x2;
	v29 =	vcombine.low v30, v29;
	v26 =	vsel vm10, s25, v26;
	v25 =	vsel vm5, s26, v25  }
0xe5: {  	v28 =	vperm.xlane v28, v5;
	v26 =	vperm.xlane v26, v6;
	v25 =	vsel vm10, s0, v25  }
0xe6: {  	vm2 =	vmmov vm12;
	s30 =	rddreg [dreg:$0xb];
	v43 =	vperm.xlane v29, v5;
	v25 =	vperm.xlane v25, v6  }
0xe7: {  	v46 =	vor.u32 s30, v4;
	vm3 =	vmmov vm11;
	v44 =	vsel vm11, v26, v28  }
0xe8: {  	vm5 =	vlt.s32 v46, v19;
	v25 =	vsel vm11, v25, v43;
	vm11 =	vmmov vm10  }
0xe9: {  	vm10 =	vmmov vm9;
	vm9 =	vmmov vm8;
	v24 =	vadd.s32 v44, v25  }
0xea: {  	s31 =	rddreg [dreg:$0xc];
	vm8 =	vmmov vm6;
	vm6 =	vmmov vm4;
	v25 =	vadd.s32 v24, v45  }
0xeb: {  	v47 =	vld [tilespmem:s31+$0x100];
	vm4 =	vmmov vm14;
	vm14 =	vmmov vm7;
	vm7 =	vlt.s32 v25, v1  }
0xec: {  	vm12 =	vge.s32 v25, v0;
	vm13 =	vlt.s32 v25, v2;
	vm7 =	vmand vm7, vm5  }
0xed: {  	vm5 =	vmand vm13, vm5;
	vm7 =	vmand vm7, vm12;
	vm12 =	vge.s32 v25, v1  }
0xee: {  	vm5 =	vmand vm5, vm12;
	v48 =	vsel vm7, $0x1, v8  }
0xef: {  	v53 =	vld [tilespmem:s31+$0x180];
	(xrf0) =	vadd.scan.msk.s32 $0xffff, v48;
	v49 =	vsel vm5, $0x1, v8  }
0xf0: {  	v50 =	vmul.f32 $9.999999970e-07, v47;
	(xrf0) =	vadd.scan.msk.s32 $0xffff, v49  }
0xf1: {  	v51 =	vmul.f32 $-9.999999970e-07, v47  }
0xf2: {  	v23 =	vmul.u32 $0xFFFFFFF6, v23;
	v27 =	vmul.f32 $1.442695020e+00, v50  }
0xf3: {  	v28 =	vmul.f32 $1.442695020e+00, v51  }
0xf4: {  	v21 =	vadd.s32 v21, v23;
	v30 =	vtrunc.f32 v53;
	(erf) = vpow2.f32 v27  }
0xf5: {  	v21 =	vmul.u32 $0xA, v21;
	v30 =	vcvt.f32.s32 v30;
	(erf) = vpow2.f32 v28;
	v52, _, _ =	vpop (xrf0)  }
0xf6: {  	v23 =	vmul.u32 $0xFFFFFFF6, v24;
	v58 =	vshll.u32 v25, $0x1;
	vm13 =	vmmov vm1;
	v54, _, _ =	vpop (xrf0)  }
0xf7: {  	vm1 =	vcmask $0xB08;
	v55 =	vadd.s32 v20, v52;
	v32 =	vadd.s32 v18, v54  }
0xf8: {  	v24 =	vadd.s32 v30, v58;
	v27 =	vshll.u32 v55, $0x3;
	v56 =	vshll.u32 v32, $0x3  }
0xf9: {  	vm5 =	vmor vm7, vm5;
	v27 =	vadd.s32 $0xFFFFFFF8, v27;
	v28 =	vadd.s32 $0x4018, v56  }
0xfa: {  	v22 =	vadd.s32 v22, v23;
	v23 =	vmul.u32 $0x64, v24;
	v27 =	vsel vm7, v27, v28  }
0xfb: {  	v21 =	vadd.s32 v22, v21;
	v24 =	vshll.u32 v24, $0x6;
	v59 =	vor.u32 $0x1, v27  }
0xfc: {  	vm12 =	vmmov vm2;
	v57 =	vsel vm7, v0, v1;
	v60 =	vor.u32 $0x2, v27  }
0xfd: {  	v22 =	vmul.u32 $0xFFFFFF38, v57;
	v23 =	vadd.s32 v23, v21;
	v61 =	vor.u32 $0x3, v27  }
0xfe: {  	s28 =	simm.s32 $0x12980;
	vm2 =	vcmask $0x1310;
	v63 =	vbroadcast v54, $0xF;
	v33 =	vor.u32 $0x4, v27  }
0xff: {  	p0 =	sne.s32 s30, $0x7F0;
	v34 =	vpop (erf);
	v21 =	vshll.u32 v21, $0x6;
	v22 =	vadd.s32 v22, v23;
	v62 =	vor.u32 $0x5, v27;
	[tilespmem:v27+s28+$0x0] =	vst.idx.msk vm5, v47  }
.Ltmp3:
0x100: {  	v23 =	vpop (erf);
	v22 =	vadd.s32 $0x28, v22;
	v18 =	vadd.s32 v18, v63;
	vm7 =	vmmov vm14;
	[tilespmem:v59+s28+$0x0] =	vst.idx.msk vm5, v34;
	(pc) =	sbr.rel @p0 .LBB2_6-.Ltmp3, $4  }
0x101: {  	vm14 =	vmmov vm4;
	vm4 =	vmmov vm6;
	[tilespmem:v60+s28+$0x0] =	vst.idx.msk vm5, v23;
	v23 =	vshll.u32 v57, $0x7  }
0x102: {  	vm6 =	vmmov vm8;
	[tilespmem:v61+s28+$0x0] =	vst.idx.msk vm5, v22;
	v22 =	vsub.s32 v24, v23;
	v23 =	vbroadcast v52, $0xF  }
0x103: {  	s29 =	rddreg [dreg:$0xa];
	vm8 =	vmmov vm9;
	vm9 =	vmmov vm10;
	vm10 =	vmmov vm11;
	[tilespmem:v33+s28+$0x0] =	vst.idx.msk vm5, v22  }
0x104: {  	s1 =	sadd.s32 $0x40, s29;
	s0 =	sadd.s32 $0x10, s30;
	vm11 =	vmmov vm3;
	vm3 =	vcmask $0x1B18;
	[tilespmem:v62+s28+$0x0] =	vst.idx.msk vm5, v21;
	v20 =	vadd.s32 v20, v23  }
0x105: {  	(v2sf) =	vpush v20, $0x0  }
0x106: {  	(v2sf) =	vpush v18, $0x0;
	_ =	sdelay $0xd  }
0x107: {  	s18 =	spop (v2sf)  }
0x108: {  	s19 =	spop (v2sf);
	s0 =	sshll.u32 s18, $0x5  }
0x109: {  	s0 =	sshra.s32 s0, $0x2;
	p0 =	sgt.s32 s18, s19;
	s1 =	smov.u32 s19  }
0x10a: {  	[tilespmem:s0+$0x12980] =	vst v9;
	s1 =	smov.u32 @p0 s18  }
0x10b: {  	[tilespmem:s0+$0x12990] =	vst v9;
	s0 =	sadd.s32 $0x3, s1  }
0x10c: {  	p0 =	slt.s32 s0, $0x4  }
.Ltmp4:
0x10d: {  	_ = 	snop;
	(pc) =	sbr.rel @p0 .LBB2_34-.Ltmp4, $4  }
0x10e: {  	s2 =	sshll.u32 s19, $0x5  }
0x10f: {  	s2 =	sshra.s32 s2, $0x2  }
0x110: {  	s6 =	simm.s32 $0x0;
	s4 =	simm.s32 $0x2080;
	s5 =	simm.s32 $0xCB80;
	[tilespmem:s2+$0x169A0] =	vst v9  }
0x111: {  	s3 =	simm.s32 $0x8280;
	s7 =	simm.s32 $0xFA80;
	[tilespmem:s2+$0x169B0] =	vst v9;
	s2 =	simm.s32 $0x3980  }
0x112: {  	v18 =	vld [tilespmem:$0x169A0]  }
0x113: {  	v19 =	vld [tilespmem:$0x12980];
	_ =	sdelay $0x3  }
0x114: {  	(v2sf) =	vpush v18, $0x0  }
0x115: {  	(v2sf) =	vpush v19, $0x0;
	_ =	sdelay $0xa  }
.Ltmp5:
0x116: {  	_ = 	snop;
	(pc) =	sbr.rel .LBB2_9-.Ltmp5, $4  }
0x117: {  	s1 =	sshra.s32 s0, $0x1F  }
0x118: {  	s21 =	simm.s32 $0x0;
	s1 =	sshrl.u32 s1, $0x1E  }
0x119: {  	s22 =	simm.s32 $0x0;
	s31 =	sadd.s32 s1, s0;
	s24 =	spop (v2sf)  }
0x11a: {  	s23 =	simm.s32 $0x0;
	s20 =	sshra.s32 s31, $0x2;
	s25 =	spop (v2sf)  }
.LBB2_33:
0x11b: {  	v19 =	vbroadcast v18, $0xD;
	_ =	sdelay $0x1  }
0x11c: {  	v20 =	vbroadcast v18, $0xB;
	v21 =	vadd.s32 v4, v19;
	_ =	sdelay $0x1  }
0x11d: {  	v22 =	vadd.s32 v10, v20;
	_ =	sdelay $0x2  }
0x11e: {  	v21 =	vld.idx.msk [tilespmem:v21+s4+$0x0], $0xffff;
	_ =	sdelay $0x1  }
0x11f: {  	v23 =	vbroadcast v18, $0xC;
	v22 =	vld.idx.msk [tilespmem:v22+s3+$0x0], $0xffff  }
0x120: {  	v24 =	vbroadcast v18, $0xA  }
0x121: {  	v25 =	vadd.s32 v4, v23  }
0x122: {  	v26 =	vadd.s32 v11, v19;
	v21 =	vmul.f32 v21, v24;
	_ =	sdelay $0x1  }
0x123: {  	v56 =	vadd.s32 v7, v20;
	v21 =	vmul.f32 v21, v22;
	_ =	sdelay $0x1  }
0x124: {  	[tilespmem:v25+s7+$0x0] =	vst.idx.add.f32.msk $0xffff, v21  }
0x125: {  	v21 =	vld.idx.msk [tilespmem:v26+s4+$0x0], $0xffff;
	_ =	sdelay $0x1  }
0x126: {  	v22 =	vld.idx.msk [tilespmem:v56+s3+$0x0], $0xffff;
	_ =	sdelay $0x2  }
0x127: {  	v21 =	vmul.f32 v21, v24  }
0x128: {  	v57 =	vadd.s32 v11, v23  }
0x129: {  	v58 =	vadd.s32 v14, v19;
	v21 =	vmul.f32 v21, v22;
	_ =	sdelay $0x1  }
0x12a: {  	v59 =	vadd.s32 v13, v20;
	v21 =	vadd.f32 v12, v21;
	_ =	sdelay $0x1  }
0x12b: {  	[tilespmem:v57+s7+$0x0] =	vst.idx.add.f32.msk $0xffff, v21  }
0x12c: {  	v21 =	vld.idx.msk [tilespmem:v58+s4+$0x0], $0xffff;
	_ =	sdelay $0x1  }
0x12d: {  	v60 =	vld.idx.msk [tilespmem:v59+s3+$0x0], $0xffff;
	_ =	sdelay $0x1  }
0x12e: {  	v61 =	vadd.s32 v14, v23  }
0x12f: {  	v19 =	vadd.s32 v16, v19;
	v21 =	vmul.f32 v21, v24;
	_ =	sdelay $0x1  }
0x130: {  	v62 =	vadd.s32 v15, v20;
	v21 =	vmul.f32 v21, v60;
	_ =	sdelay $0x1  }
0x131: {  	[tilespmem:v61+s7+$0x0] =	vst.idx.add.f32.msk $0xffff, v21  }
0x132: {  	v19 =	vld.idx.msk [tilespmem:v19+s4+$0x0], $0xffff;
	_ =	sdelay $0x1  }
0x133: {  	v21 =	vld.idx.msk [tilespmem:v62+s3+$0x0], $0xffff;
	_ =	sdelay $0x2  }
0x134: {  	v19 =	vmul.f32 v19, v24  }
0x135: {  	s23 =	sadd.s32 $0x1, s23;
	v63 =	vadd.s32 v16, v23  }
0x136: {  	p0 =	sne.s32 s23, s20;
	v19 =	vmul.f32 v19, v21  }
.Ltmp6:
0x137: {  	_ = 	snop;
	(pc) =	sbr.rel @!p0 .LBB2_34-.Ltmp6, $4  }
0x138: {  	v19 =	vadd.f32 v17, v19  }
0x139: {  	v18 =	vbroadcast v18, $0x9  }
0x13a: {  	[tilespmem:v63+s7+$0x0] =	vst.idx.add.f32.msk $0xffff, v19  }
0x13b: {  	[tilespmem:v20+s3+$0x0] =	vst.idx.add.f32.msk $0x1, v18  }
.LBB2_9:
0x13c: {  	s28 =	sshll.u32 s23, $0x2  }
0x13d: {  	s0 =	smov.u32 s18;
	p0 =	slt.s32 s28, s18  }
0x13e: {  	s0 =	smov.u32 @p0 s28  }
0x13f: {  	s0 =	sshll.u32 s0, $0x5  }
0x140: {  	s0 =	sshra.s32 s0, $0x2  }
0x141: {  	v19 =	vld [tilespmem:s0+$0x12980];
	_ =	sdelay $0x4  }
0x142: {  	(v2sf) =	vpush v19, $0x0;
	_ =	sdelay $0xe  }
0x143: {  	s31 =	spop (v2sf)  }
0x144: {  	s26 =	sor.u32 $0x2, s28;
	s0 =	sadd.f32 $-1.000000000e+05, s31  }
0x145: {  	s1 =	smov.u32 s18;
	p0 =	slt.s32 s26, s18  }
0x146: {  	s1 =	smov.u32 @p0 s26;
	p0 =	slt.f32 s25, s0  }
.Ltmp7:
0x147: {  	_ = 	snop;
	(pc) =	sbr.rel @!p0 .LBB2_12-.Ltmp7, $4  }
0x148: {  	_ = 	snop  }
0x149: {  	s1 =	sshll.u32 s1, $0x5  }
0x14a: {  	s1 =	sshra.s32 s1, $0x2  }
0x14b: {  	v18 =	vld [tilespmem:s1+$0x12980]  }
0x14c: {  	s1 =	sshll.u32 s22, $0x5  }
0x14d: {  	s1 =	sshra.s32 s1, $0x2  }
0x14e: {  	s1 =	sadd.s32 $0x12988, s1  }
.LBB2_11:
0x14f: {  	v20 =	vld [tilespmem:s1+$0xFFFFFFF8];
	_ =	sdelay $0x4  }
0x150: {  	v21 =	vbroadcast v20, $0x3;
	_ =	sdelay $0x1  }
0x151: {  	v20 =	vsub.f32 $0.0e+00, v20;
	_ =	sdelay $0x1  }
0x152: {  	v20 =	vbroadcast v20, $0x1;
	_ =	sdelay $0x1  }
0x153: {  	[tilespmem:v21+s2+$0x0] =	vst.idx.add.f32.msk $0x1, v20  }
0x154: {  	v20 =	vld [tilespmem:s1+$0x0];
	_ =	sdelay $0x4  }
0x155: {  	(v2sf) =	vpush v20, $0x0;
	_ =	sdelay $0xe  }
0x156: {  	s25 =	spop (v2sf)  }
0x157: {  	p0 =	slt.f32 s25, s0  }
.Ltmp8:
0x158: {  	_ = 	snop;
	(pc) =	sbr.rel @p0 .LBB2_11-.Ltmp8, $2  }
0x159: {  	_ =	sdelay $0x2  }
0x15a: {  	s22 =	sadd.s32 $0x1, s22;
	s1 =	sadd.s32 $0x8, s1  }
.LBB2_12:
0x15b: {  	v20 =	vbroadcast v19, $0x5;
	_ =	sdelay $0x1  }
0x15c: {  	v21 =	vbroadcast v19, $0x3;
	v22 =	vadd.s32 v4, v20;
	_ =	sdelay $0x1  }
0x15d: {  	v23 =	vadd.s32 v10, v21;
	_ =	sdelay $0x2  }
0x15e: {  	v22 =	vld.idx.msk [tilespmem:v22+s4+$0x0], $0xffff;
	_ =	sdelay $0x1  }
0x15f: {  	v24 =	vbroadcast v19, $0x4;
	v23 =	vld.idx.msk [tilespmem:v23+s2+$0x0], $0xffff  }
0x160: {  	v25 =	vbroadcast v19, $0x2  }
0x161: {  	v26 =	vadd.s32 v4, v24  }
0x162: {  	v27 =	vadd.s32 v11, v20;
	v22 =	vmul.f32 v22, v25;
	_ =	sdelay $0x1  }
0x163: {  	v55 =	vadd.s32 v7, v21;
	v22 =	vmul.f32 v22, v23;
	_ =	sdelay $0x1  }
0x164: {  	[tilespmem:v26+s5+$0x0] =	vst.idx.add.f32.msk $0xffff, v22  }
0x165: {  	v22 =	vld.idx.msk [tilespmem:v27+s4+$0x0], $0xffff;
	_ =	sdelay $0x1  }
0x166: {  	v23 =	vld.idx.msk [tilespmem:v55+s2+$0x0], $0xffff;
	_ =	sdelay $0x2  }
0x167: {  	v22 =	vmul.f32 v22, v25  }
0x168: {  	v56 =	vadd.s32 v11, v24  }
0x169: {  	v57 =	vadd.s32 v14, v20;
	v22 =	vmul.f32 v22, v23;
	_ =	sdelay $0x1  }
0x16a: {  	v58 =	vadd.s32 v13, v21;
	v22 =	vadd.f32 v12, v22;
	_ =	sdelay $0x1  }
0x16b: {  	(v2sf) =	vpush v19, $0x8;
	[tilespmem:v56+s5+$0x0] =	vst.idx.add.f32.msk $0xffff, v22  }
0x16c: {  	v22 =	vld.idx.msk [tilespmem:v57+s4+$0x0], $0xffff;
	_ =	sdelay $0x1  }
0x16d: {  	v59 =	vld.idx.msk [tilespmem:v58+s2+$0x0], $0xffff;
	_ =	sdelay $0x1  }
0x16e: {  	v60 =	vadd.s32 v14, v24  }
0x16f: {  	v20 =	vadd.s32 v16, v20;
	v22 =	vmul.f32 v22, v25;
	_ =	sdelay $0x1  }
0x170: {  	v61 =	vadd.s32 v15, v21;
	v22 =	vmul.f32 v22, v59;
	_ =	sdelay $0x1  }
0x171: {  	[tilespmem:v60+s5+$0x0] =	vst.idx.add.f32.msk $0xffff, v22  }
0x172: {  	v20 =	vld.idx.msk [tilespmem:v20+s4+$0x0], $0xffff;
	_ =	sdelay $0x1  }
0x173: {  	v22 =	vld.idx.msk [tilespmem:v61+s2+$0x0], $0xffff;
	_ =	sdelay $0x1  }
0x174: {  	s0 =	spop (v2sf)  }
0x175: {  	s0 =	sadd.f32 $-1.000000000e+05, s0;
	v20 =	vmul.f32 v20, v25  }
0x176: {  	v62 =	vadd.s32 v16, v24  }
0x177: {  	p0 =	slt.f32 s25, s0;
	v20 =	vmul.f32 v20, v22  }
.Ltmp9:
0x178: {  	_ = 	snop;
	(pc) =	sbr.rel @!p0 .LBB2_15-.Ltmp9, $4  }
0x179: {  	v20 =	vadd.f32 v17, v20  }
0x17a: {  	v63 =	vbroadcast v19, $0x1  }
0x17b: {  	[tilespmem:v62+s5+$0x0] =	vst.idx.add.f32.msk $0xffff, v20  }
0x17c: {  	[tilespmem:v21+s2+$0x0] =	vst.idx.add.f32.msk $0x1, v63  }
0x17d: {  	s1 =	sshll.u32 s22, $0x5  }
0x17e: {  	s1 =	sshra.s32 s1, $0x2  }
0x17f: {  	s1 =	sadd.s32 $0x12988, s1  }
.LBB2_14:
0x180: {  	v20 =	vld [tilespmem:s1+$0xFFFFFFF8];
	_ =	sdelay $0x4  }
0x181: {  	v21 =	vbroadcast v20, $0x3;
	_ =	sdelay $0x1  }
0x182: {  	v20 =	vsub.f32 $0.0e+00, v20;
	_ =	sdelay $0x1  }
0x183: {  	v20 =	vbroadcast v20, $0x1;
	_ =	sdelay $0x1  }
0x184: {  	[tilespmem:v21+s2+$0x0] =	vst.idx.add.f32.msk $0x1, v20  }
0x185: {  	v20 =	vld [tilespmem:s1+$0x0];
	_ =	sdelay $0x4  }
0x186: {  	(v2sf) =	vpush v20, $0x0;
	_ =	sdelay $0xe  }
0x187: {  	s25 =	spop (v2sf)  }
0x188: {  	p0 =	slt.f32 s25, s0  }
.Ltmp10:
0x189: {  	_ = 	snop;
	(pc) =	sbr.rel @p0 .LBB2_14-.Ltmp10, $2  }
0x18a: {  	_ =	sdelay $0x2  }
0x18b: {  	s22 =	sadd.s32 $0x1, s22;
	s1 =	sadd.s32 $0x8, s1  }
.LBB2_15:
0x18c: {  	v20 =	vbroadcast v19, $0xD;
	_ =	sdelay $0x1  }
0x18d: {  	v21 =	vbroadcast v19, $0xB;
	v22 =	vadd.s32 v4, v20;
	_ =	sdelay $0x1  }
0x18e: {  	v23 =	vadd.s32 v10, v21;
	_ =	sdelay $0x2  }
0x18f: {  	v22 =	vld.idx.msk [tilespmem:v22+s4+$0x0], $0xffff;
	_ =	sdelay $0x1  }
0x190: {  	v24 =	vbroadcast v19, $0xC;
	v23 =	vld.idx.msk [tilespmem:v23+s2+$0x0], $0xffff  }
0x191: {  	v25 =	vbroadcast v19, $0xA  }
0x192: {  	v26 =	vadd.s32 v4, v24  }
0x193: {  	v27 =	vadd.s32 v11, v20;
	v22 =	vmul.f32 v22, v25;
	_ =	sdelay $0x1  }
0x194: {  	v56 =	vadd.s32 v7, v21;
	v22 =	vmul.f32 v22, v23;
	_ =	sdelay $0x1  }
0x195: {  	[tilespmem:v26+s5+$0x0] =	vst.idx.add.f32.msk $0xffff, v22  }
0x196: {  	v22 =	vld.idx.msk [tilespmem:v27+s4+$0x0], $0xffff;
	_ =	sdelay $0x1  }
0x197: {  	v23 =	vld.idx.msk [tilespmem:v56+s2+$0x0], $0xffff;
	_ =	sdelay $0x2  }
0x198: {  	v22 =	vmul.f32 v22, v25  }
0x199: {  	v57 =	vadd.s32 v11, v24  }
0x19a: {  	v58 =	vadd.s32 v14, v20;
	v22 =	vmul.f32 v22, v23;
	_ =	sdelay $0x1  }
0x19b: {  	v59 =	vadd.s32 v13, v21;
	v22 =	vadd.f32 v12, v22;
	_ =	sdelay $0x1  }
0x19c: {  	(v2sf) =	vpush v18, $0x0;
	[tilespmem:v57+s5+$0x0] =	vst.idx.add.f32.msk $0xffff, v22  }
0x19d: {  	v22 =	vld.idx.msk [tilespmem:v58+s4+$0x0], $0xffff;
	_ =	sdelay $0x1  }
0x19e: {  	v60 =	vld.idx.msk [tilespmem:v59+s2+$0x0], $0xffff;
	_ =	sdelay $0x1  }
0x19f: {  	v61 =	vadd.s32 v14, v24  }
0x1a0: {  	v20 =	vadd.s32 v16, v20;
	v22 =	vmul.f32 v22, v25;
	_ =	sdelay $0x1  }
0x1a1: {  	v62 =	vadd.s32 v15, v21;
	v22 =	vmul.f32 v22, v60;
	_ =	sdelay $0x1  }
0x1a2: {  	[tilespmem:v61+s5+$0x0] =	vst.idx.add.f32.msk $0xffff, v22  }
0x1a3: {  	v20 =	vld.idx.msk [tilespmem:v20+s4+$0x0], $0xffff;
	_ =	sdelay $0x1  }
0x1a4: {  	v22 =	vld.idx.msk [tilespmem:v62+s2+$0x0], $0xffff;
	_ =	sdelay $0x1  }
0x1a5: {  	s0 =	spop (v2sf)  }
0x1a6: {  	s0 =	sadd.f32 $-1.000000000e+05, s0;
	v20 =	vmul.f32 v20, v25  }
0x1a7: {  	v63 =	vadd.s32 v16, v24  }
0x1a8: {  	p0 =	slt.f32 s25, s0;
	v20 =	vmul.f32 v20, v22  }
.Ltmp11:
0x1a9: {  	_ = 	snop;
	(pc) =	sbr.rel @!p0 .LBB2_18-.Ltmp11, $4  }
0x1aa: {  	v20 =	vadd.f32 v17, v20  }
0x1ab: {  	v19 =	vbroadcast v19, $0x9  }
0x1ac: {  	[tilespmem:v63+s5+$0x0] =	vst.idx.add.f32.msk $0xffff, v20  }
0x1ad: {  	[tilespmem:v21+s2+$0x0] =	vst.idx.add.f32.msk $0x1, v19  }
0x1ae: {  	s1 =	sshll.u32 s22, $0x5  }
0x1af: {  	s1 =	sshra.s32 s1, $0x2  }
0x1b0: {  	s1 =	sadd.s32 $0x12988, s1  }
.LBB2_17:
0x1b1: {  	v19 =	vld [tilespmem:s1+$0xFFFFFFF8];
	_ =	sdelay $0x4  }
0x1b2: {  	v20 =	vbroadcast v19, $0x3;
	_ =	sdelay $0x1  }
0x1b3: {  	v19 =	vsub.f32 $0.0e+00, v19;
	_ =	sdelay $0x1  }
0x1b4: {  	v19 =	vbroadcast v19, $0x1;
	_ =	sdelay $0x1  }
0x1b5: {  	[tilespmem:v20+s2+$0x0] =	vst.idx.add.f32.msk $0x1, v19  }
0x1b6: {  	v19 =	vld [tilespmem:s1+$0x0];
	_ =	sdelay $0x4  }
0x1b7: {  	(v2sf) =	vpush v19, $0x0;
	_ =	sdelay $0xe  }
0x1b8: {  	s25 =	spop (v2sf)  }
0x1b9: {  	p0 =	slt.f32 s25, s0  }
.Ltmp12:
0x1ba: {  	_ = 	snop;
	(pc) =	sbr.rel @p0 .LBB2_17-.Ltmp12, $2  }
0x1bb: {  	_ =	sdelay $0x2  }
0x1bc: {  	s22 =	sadd.s32 $0x1, s22;
	s1 =	sadd.s32 $0x8, s1  }
.LBB2_18:
0x1bd: {  	v19 =	vbroadcast v18, $0x5;
	_ =	sdelay $0x1  }
0x1be: {  	v20 =	vbroadcast v18, $0x3;
	v21 =	vadd.s32 v4, v19;
	_ =	sdelay $0x1  }
0x1bf: {  	v22 =	vadd.s32 v10, v20;
	_ =	sdelay $0x2  }
0x1c0: {  	v21 =	vld.idx.msk [tilespmem:v21+s4+$0x0], $0xffff;
	_ =	sdelay $0x1  }
0x1c1: {  	v23 =	vbroadcast v18, $0x4;
	v22 =	vld.idx.msk [tilespmem:v22+s2+$0x0], $0xffff  }
0x1c2: {  	v24 =	vbroadcast v18, $0x2  }
0x1c3: {  	v25 =	vadd.s32 v4, v23  }
0x1c4: {  	v26 =	vadd.s32 v11, v19;
	v21 =	vmul.f32 v21, v24;
	_ =	sdelay $0x1  }
0x1c5: {  	v55 =	vadd.s32 v7, v20;
	v21 =	vmul.f32 v21, v22;
	_ =	sdelay $0x1  }
0x1c6: {  	[tilespmem:v25+s5+$0x0] =	vst.idx.add.f32.msk $0xffff, v21  }
0x1c7: {  	v21 =	vld.idx.msk [tilespmem:v26+s4+$0x0], $0xffff;
	_ =	sdelay $0x1  }
0x1c8: {  	v22 =	vld.idx.msk [tilespmem:v55+s2+$0x0], $0xffff;
	_ =	sdelay $0x2  }
0x1c9: {  	v21 =	vmul.f32 v21, v24  }
0x1ca: {  	v56 =	vadd.s32 v11, v23  }
0x1cb: {  	v57 =	vadd.s32 v14, v19;
	v21 =	vmul.f32 v21, v22;
	_ =	sdelay $0x1  }
0x1cc: {  	v58 =	vadd.s32 v13, v20;
	v21 =	vadd.f32 v12, v21;
	_ =	sdelay $0x1  }
0x1cd: {  	(v2sf) =	vpush v18, $0x8;
	[tilespmem:v56+s5+$0x0] =	vst.idx.add.f32.msk $0xffff, v21  }
0x1ce: {  	v21 =	vld.idx.msk [tilespmem:v57+s4+$0x0], $0xffff;
	_ =	sdelay $0x1  }
0x1cf: {  	v59 =	vld.idx.msk [tilespmem:v58+s2+$0x0], $0xffff;
	_ =	sdelay $0x1  }
0x1d0: {  	v60 =	vadd.s32 v14, v23  }
0x1d1: {  	v19 =	vadd.s32 v16, v19;
	v21 =	vmul.f32 v21, v24;
	_ =	sdelay $0x1  }
0x1d2: {  	v61 =	vadd.s32 v15, v20;
	v21 =	vmul.f32 v21, v59;
	_ =	sdelay $0x1  }
0x1d3: {  	[tilespmem:v60+s5+$0x0] =	vst.idx.add.f32.msk $0xffff, v21  }
0x1d4: {  	v19 =	vld.idx.msk [tilespmem:v19+s4+$0x0], $0xffff;
	_ =	sdelay $0x1  }
0x1d5: {  	v21 =	vld.idx.msk [tilespmem:v61+s2+$0x0], $0xffff;
	_ =	sdelay $0x1  }
0x1d6: {  	s0 =	spop (v2sf)  }
0x1d7: {  	s0 =	sadd.f32 $-1.000000000e+05, s0;
	v19 =	vmul.f32 v19, v24  }
0x1d8: {  	v62 =	vadd.s32 v16, v23  }
0x1d9: {  	p0 =	slt.f32 s25, s0;
	v19 =	vmul.f32 v19, v21  }
.Ltmp13:
0x1da: {  	_ = 	snop;
	(pc) =	sbr.rel @!p0 .LBB2_21-.Ltmp13, $4  }
0x1db: {  	v19 =	vadd.f32 v17, v19  }
0x1dc: {  	v63 =	vbroadcast v18, $0x1  }
0x1dd: {  	[tilespmem:v62+s5+$0x0] =	vst.idx.add.f32.msk $0xffff, v19  }
0x1de: {  	[tilespmem:v20+s2+$0x0] =	vst.idx.add.f32.msk $0x1, v63  }
0x1df: {  	s1 =	sshll.u32 s22, $0x5  }
0x1e0: {  	s1 =	sshra.s32 s1, $0x2  }
0x1e1: {  	s1 =	sadd.s32 $0x12988, s1  }
.LBB2_20:
0x1e2: {  	v19 =	vld [tilespmem:s1+$0xFFFFFFF8];
	_ =	sdelay $0x4  }
0x1e3: {  	v20 =	vbroadcast v19, $0x3;
	_ =	sdelay $0x1  }
0x1e4: {  	v19 =	vsub.f32 $0.0e+00, v19;
	_ =	sdelay $0x1  }
0x1e5: {  	v19 =	vbroadcast v19, $0x1;
	_ =	sdelay $0x1  }
0x1e6: {  	[tilespmem:v20+s2+$0x0] =	vst.idx.add.f32.msk $0x1, v19  }
0x1e7: {  	v19 =	vld [tilespmem:s1+$0x0];
	_ =	sdelay $0x4  }
0x1e8: {  	(v2sf) =	vpush v19, $0x0;
	_ =	sdelay $0xe  }
0x1e9: {  	s25 =	spop (v2sf)  }
0x1ea: {  	p0 =	slt.f32 s25, s0  }
.Ltmp14:
0x1eb: {  	_ = 	snop;
	(pc) =	sbr.rel @p0 .LBB2_20-.Ltmp14, $2  }
0x1ec: {  	_ =	sdelay $0x2  }
0x1ed: {  	s22 =	sadd.s32 $0x1, s22;
	s1 =	sadd.s32 $0x8, s1  }
.LBB2_21:
0x1ee: {  	v19 =	vbroadcast v18, $0xD;
	_ =	sdelay $0x1  }
0x1ef: {  	v20 =	vbroadcast v18, $0xB;
	v21 =	vadd.s32 v4, v19;
	_ =	sdelay $0x1  }
0x1f0: {  	v22 =	vadd.s32 v10, v20;
	_ =	sdelay $0x2  }
0x1f1: {  	v21 =	vld.idx.msk [tilespmem:v21+s4+$0x0], $0xffff;
	_ =	sdelay $0x1  }
0x1f2: {  	v23 =	vbroadcast v18, $0xC;
	v22 =	vld.idx.msk [tilespmem:v22+s2+$0x0], $0xffff  }
0x1f3: {  	v24 =	vbroadcast v18, $0xA  }
0x1f4: {  	v25 =	vadd.s32 v4, v23  }
0x1f5: {  	v26 =	vadd.s32 v11, v19;
	v21 =	vmul.f32 v21, v24;
	_ =	sdelay $0x1  }
0x1f6: {  	v56 =	vadd.s32 v7, v20;
	v21 =	vmul.f32 v21, v22;
	_ =	sdelay $0x1  }
0x1f7: {  	[tilespmem:v25+s5+$0x0] =	vst.idx.add.f32.msk $0xffff, v21  }
0x1f8: {  	v21 =	vld.idx.msk [tilespmem:v26+s4+$0x0], $0xffff;
	_ =	sdelay $0x1  }
0x1f9: {  	v22 =	vld.idx.msk [tilespmem:v56+s2+$0x0], $0xffff;
	_ =	sdelay $0x2  }
0x1fa: {  	v21 =	vmul.f32 v21, v24  }
0x1fb: {  	v57 =	vadd.s32 v11, v23  }
0x1fc: {  	v58 =	vadd.s32 v14, v19;
	v21 =	vmul.f32 v21, v22;
	_ =	sdelay $0x1  }
0x1fd: {  	v59 =	vadd.s32 v13, v20;
	v21 =	vadd.f32 v12, v21;
	_ =	sdelay $0x1  }
0x1fe: {  	[tilespmem:v57+s5+$0x0] =	vst.idx.add.f32.msk $0xffff, v21  }
0x1ff: {  	v21 =	vld.idx.msk [tilespmem:v58+s4+$0x0], $0xffff;
	_ =	sdelay $0x1  }
0x200: {  	v60 =	vld.idx.msk [tilespmem:v59+s2+$0x0], $0xffff;
	_ =	sdelay $0x1  }
0x201: {  	v61 =	vadd.s32 v14, v23  }
0x202: {  	v19 =	vadd.s32 v16, v19;
	v21 =	vmul.f32 v21, v24;
	_ =	sdelay $0x1  }
0x203: {  	v62 =	vadd.s32 v15, v20;
	v21 =	vmul.f32 v21, v60;
	_ =	sdelay $0x1  }
0x204: {  	[tilespmem:v61+s5+$0x0] =	vst.idx.add.f32.msk $0xffff, v21  }
0x205: {  	v19 =	vld.idx.msk [tilespmem:v19+s4+$0x0], $0xffff;
	_ =	sdelay $0x1  }
0x206: {  	v21 =	vld.idx.msk [tilespmem:v62+s2+$0x0], $0xffff;
	_ =	sdelay $0x2  }
0x207: {  	v19 =	vmul.f32 v19, v24  }
0x208: {  	v63 =	vadd.s32 v16, v23  }
0x209: {  	v19 =	vmul.f32 v19, v21;
	_ =	sdelay $0x1  }
0x20a: {  	p0 =	slt.s32 s28, s19;
	s0 =	smov.u32 s19;
	v19 =	vadd.f32 v17, v19  }
0x20b: {  	v18 =	vbroadcast v18, $0x9;
	s0 =	smov.u32 @p0 s28  }
0x20c: {  	s0 =	sshll.u32 s0, $0x5;
	[tilespmem:v63+s5+$0x0] =	vst.idx.add.f32.msk $0xffff, v19  }
0x20d: {  	s0 =	sshra.s32 s0, $0x2;
	[tilespmem:v20+s2+$0x0] =	vst.idx.add.f32.msk $0x1, v18  }
0x20e: {  	v19 =	vld [tilespmem:s0+$0x169A0];
	_ =	sdelay $0x4  }
0x20f: {  	(v2sf) =	vpush v19, $0x0;
	_ =	sdelay $0xe  }
0x210: {  	s31 =	spop (v2sf)  }
0x211: {  	s0 =	sadd.f32 $-1.000000000e+05, s31  }
0x212: {  	s1 =	smov.u32 s19;
	p0 =	slt.s32 s26, s19  }
0x213: {  	s1 =	smov.u32 @p0 s26;
	p0 =	slt.f32 s24, s0  }
.Ltmp15:
0x214: {  	_ = 	snop;
	(pc) =	sbr.rel @!p0 .LBB2_24-.Ltmp15, $4  }
0x215: {  	_ = 	snop  }
0x216: {  	s1 =	sshll.u32 s1, $0x5  }
0x217: {  	s1 =	sshra.s32 s1, $0x2  }
0x218: {  	v18 =	vld [tilespmem:s1+$0x169A0]  }
0x219: {  	s1 =	sshll.u32 s21, $0x5  }
0x21a: {  	s1 =	sshra.s32 s1, $0x2  }
0x21b: {  	s1 =	sadd.s32 $0x169A8, s1  }
.LBB2_23:
0x21c: {  	v20 =	vld [tilespmem:s1+$0xFFFFFFF8];
	_ =	sdelay $0x4  }
0x21d: {  	v21 =	vbroadcast v20, $0x3;
	_ =	sdelay $0x1  }
0x21e: {  	v20 =	vsub.f32 $0.0e+00, v20;
	_ =	sdelay $0x1  }
0x21f: {  	v20 =	vbroadcast v20, $0x1;
	_ =	sdelay $0x1  }
0x220: {  	[tilespmem:v21+s3+$0x0] =	vst.idx.add.f32.msk $0x1, v20  }
0x221: {  	v20 =	vld [tilespmem:s1+$0x0];
	_ =	sdelay $0x4  }
0x222: {  	(v2sf) =	vpush v20, $0x0;
	_ =	sdelay $0xe  }
0x223: {  	s24 =	spop (v2sf)  }
0x224: {  	p0 =	slt.f32 s24, s0  }
.Ltmp16:
0x225: {  	_ = 	snop;
	(pc) =	sbr.rel @p0 .LBB2_23-.Ltmp16, $2  }
0x226: {  	_ =	sdelay $0x2  }
0x227: {  	s21 =	sadd.s32 $0x1, s21;
	s1 =	sadd.s32 $0x8, s1  }
.LBB2_24:
0x228: {  	v20 =	vbroadcast v19, $0x5;
	_ =	sdelay $0x1  }
0x229: {  	v21 =	vbroadcast v19, $0x3;
	v22 =	vadd.s32 v4, v20;
	_ =	sdelay $0x1  }
0x22a: {  	v23 =	vadd.s32 v10, v21;
	_ =	sdelay $0x2  }
0x22b: {  	v22 =	vld.idx.msk [tilespmem:v22+s4+$0x0], $0xffff;
	_ =	sdelay $0x1  }
0x22c: {  	v24 =	vbroadcast v19, $0x4;
	v23 =	vld.idx.msk [tilespmem:v23+s3+$0x0], $0xffff  }
0x22d: {  	v25 =	vbroadcast v19, $0x2  }
0x22e: {  	v26 =	vadd.s32 v4, v24  }
0x22f: {  	v27 =	vadd.s32 v11, v20;
	v22 =	vmul.f32 v22, v25;
	_ =	sdelay $0x1  }
0x230: {  	v55 =	vadd.s32 v7, v21;
	v22 =	vmul.f32 v22, v23;
	_ =	sdelay $0x1  }
0x231: {  	[tilespmem:v26+s7+$0x0] =	vst.idx.add.f32.msk $0xffff, v22  }
0x232: {  	v22 =	vld.idx.msk [tilespmem:v27+s4+$0x0], $0xffff;
	_ =	sdelay $0x1  }
0x233: {  	v23 =	vld.idx.msk [tilespmem:v55+s3+$0x0], $0xffff;
	_ =	sdelay $0x2  }
0x234: {  	v22 =	vmul.f32 v22, v25  }
0x235: {  	v56 =	vadd.s32 v11, v24  }
0x236: {  	v57 =	vadd.s32 v14, v20;
	v22 =	vmul.f32 v22, v23;
	_ =	sdelay $0x1  }
0x237: {  	v58 =	vadd.s32 v13, v21;
	v22 =	vadd.f32 v12, v22;
	_ =	sdelay $0x1  }
0x238: {  	(v2sf) =	vpush v19, $0x8;
	[tilespmem:v56+s7+$0x0] =	vst.idx.add.f32.msk $0xffff, v22  }
0x239: {  	v22 =	vld.idx.msk [tilespmem:v57+s4+$0x0], $0xffff;
	_ =	sdelay $0x1  }
0x23a: {  	v59 =	vld.idx.msk [tilespmem:v58+s3+$0x0], $0xffff;
	_ =	sdelay $0x1  }
0x23b: {  	v60 =	vadd.s32 v14, v24  }
0x23c: {  	v20 =	vadd.s32 v16, v20;
	v22 =	vmul.f32 v22, v25;
	_ =	sdelay $0x1  }
0x23d: {  	v61 =	vadd.s32 v15, v21;
	v22 =	vmul.f32 v22, v59;
	_ =	sdelay $0x1  }
0x23e: {  	[tilespmem:v60+s7+$0x0] =	vst.idx.add.f32.msk $0xffff, v22  }
0x23f: {  	v20 =	vld.idx.msk [tilespmem:v20+s4+$0x0], $0xffff;
	_ =	sdelay $0x1  }
0x240: {  	v22 =	vld.idx.msk [tilespmem:v61+s3+$0x0], $0xffff;
	_ =	sdelay $0x1  }
0x241: {  	s0 =	spop (v2sf)  }
0x242: {  	s0 =	sadd.f32 $-1.000000000e+05, s0;
	v20 =	vmul.f32 v20, v25  }
0x243: {  	v62 =	vadd.s32 v16, v24  }
0x244: {  	p0 =	slt.f32 s24, s0;
	v20 =	vmul.f32 v20, v22  }
.Ltmp17:
0x245: {  	_ = 	snop;
	(pc) =	sbr.rel @!p0 .LBB2_27-.Ltmp17, $4  }
0x246: {  	v20 =	vadd.f32 v17, v20  }
0x247: {  	v63 =	vbroadcast v19, $0x1  }
0x248: {  	[tilespmem:v62+s7+$0x0] =	vst.idx.add.f32.msk $0xffff, v20  }
0x249: {  	[tilespmem:v21+s3+$0x0] =	vst.idx.add.f32.msk $0x1, v63  }
0x24a: {  	s1 =	sshll.u32 s21, $0x5  }
0x24b: {  	s1 =	sshra.s32 s1, $0x2  }
0x24c: {  	s1 =	sadd.s32 $0x169A8, s1  }
.LBB2_26:
0x24d: {  	v20 =	vld [tilespmem:s1+$0xFFFFFFF8];
	_ =	sdelay $0x4  }
0x24e: {  	v21 =	vbroadcast v20, $0x3;
	_ =	sdelay $0x1  }
0x24f: {  	v20 =	vsub.f32 $0.0e+00, v20;
	_ =	sdelay $0x1  }
0x250: {  	v20 =	vbroadcast v20, $0x1;
	_ =	sdelay $0x1  }
0x251: {  	[tilespmem:v21+s3+$0x0] =	vst.idx.add.f32.msk $0x1, v20  }
0x252: {  	v20 =	vld [tilespmem:s1+$0x0];
	_ =	sdelay $0x4  }
0x253: {  	(v2sf) =	vpush v20, $0x0;
	_ =	sdelay $0xe  }
0x254: {  	s24 =	spop (v2sf)  }
0x255: {  	p0 =	slt.f32 s24, s0  }
.Ltmp18:
0x256: {  	_ = 	snop;
	(pc) =	sbr.rel @p0 .LBB2_26-.Ltmp18, $2  }
0x257: {  	_ =	sdelay $0x2  }
0x258: {  	s21 =	sadd.s32 $0x1, s21;
	s1 =	sadd.s32 $0x8, s1  }
.LBB2_27:
0x259: {  	v20 =	vbroadcast v19, $0xD;
	_ =	sdelay $0x1  }
0x25a: {  	v21 =	vbroadcast v19, $0xB;
	v22 =	vadd.s32 v4, v20;
	_ =	sdelay $0x1  }
0x25b: {  	v23 =	vadd.s32 v10, v21;
	_ =	sdelay $0x2  }
0x25c: {  	v22 =	vld.idx.msk [tilespmem:v22+s4+$0x0], $0xffff;
	_ =	sdelay $0x1  }
0x25d: {  	v24 =	vbroadcast v19, $0xC;
	v23 =	vld.idx.msk [tilespmem:v23+s3+$0x0], $0xffff  }
0x25e: {  	v25 =	vbroadcast v19, $0xA  }
0x25f: {  	v26 =	vadd.s32 v4, v24  }
0x260: {  	v27 =	vadd.s32 v11, v20;
	v22 =	vmul.f32 v22, v25;
	_ =	sdelay $0x1  }
0x261: {  	v56 =	vadd.s32 v7, v21;
	v22 =	vmul.f32 v22, v23;
	_ =	sdelay $0x1  }
0x262: {  	[tilespmem:v26+s7+$0x0] =	vst.idx.add.f32.msk $0xffff, v22  }
0x263: {  	v22 =	vld.idx.msk [tilespmem:v27+s4+$0x0], $0xffff;
	_ =	sdelay $0x1  }
0x264: {  	v23 =	vld.idx.msk [tilespmem:v56+s3+$0x0], $0xffff;
	_ =	sdelay $0x2  }
0x265: {  	v22 =	vmul.f32 v22, v25  }
0x266: {  	v57 =	vadd.s32 v11, v24  }
0x267: {  	v58 =	vadd.s32 v14, v20;
	v22 =	vmul.f32 v22, v23;
	_ =	sdelay $0x1  }
0x268: {  	v59 =	vadd.s32 v13, v21;
	v22 =	vadd.f32 v12, v22;
	_ =	sdelay $0x1  }
0x269: {  	(v2sf) =	vpush v18, $0x0;
	[tilespmem:v57+s7+$0x0] =	vst.idx.add.f32.msk $0xffff, v22  }
0x26a: {  	v22 =	vld.idx.msk [tilespmem:v58+s4+$0x0], $0xffff;
	_ =	sdelay $0x1  }
0x26b: {  	v60 =	vld.idx.msk [tilespmem:v59+s3+$0x0], $0xffff;
	_ =	sdelay $0x1  }
0x26c: {  	v61 =	vadd.s32 v14, v24  }
0x26d: {  	v20 =	vadd.s32 v16, v20;
	v22 =	vmul.f32 v22, v25;
	_ =	sdelay $0x1  }
0x26e: {  	v62 =	vadd.s32 v15, v21;
	v22 =	vmul.f32 v22, v60;
	_ =	sdelay $0x1  }
0x26f: {  	[tilespmem:v61+s7+$0x0] =	vst.idx.add.f32.msk $0xffff, v22  }
0x270: {  	v20 =	vld.idx.msk [tilespmem:v20+s4+$0x0], $0xffff;
	_ =	sdelay $0x1  }
0x271: {  	v22 =	vld.idx.msk [tilespmem:v62+s3+$0x0], $0xffff;
	_ =	sdelay $0x1  }
0x272: {  	s0 =	spop (v2sf)  }
0x273: {  	s0 =	sadd.f32 $-1.000000000e+05, s0;
	v20 =	vmul.f32 v20, v25  }
0x274: {  	v63 =	vadd.s32 v16, v24  }
0x275: {  	p0 =	slt.f32 s24, s0;
	v20 =	vmul.f32 v20, v22  }
.Ltmp19:
0x276: {  	_ = 	snop;
	(pc) =	sbr.rel @!p0 .LBB2_30-.Ltmp19, $4  }
0x277: {  	v20 =	vadd.f32 v17, v20  }
0x278: {  	v19 =	vbroadcast v19, $0x9  }
0x279: {  	[tilespmem:v63+s7+$0x0] =	vst.idx.add.f32.msk $0xffff, v20  }
0x27a: {  	[tilespmem:v21+s3+$0x0] =	vst.idx.add.f32.msk $0x1, v19  }
0x27b: {  	s1 =	sshll.u32 s21, $0x5  }
0x27c: {  	s1 =	sshra.s32 s1, $0x2  }
0x27d: {  	s1 =	sadd.s32 $0x169A8, s1  }
.LBB2_29:
0x27e: {  	v19 =	vld [tilespmem:s1+$0xFFFFFFF8];
	_ =	sdelay $0x4  }
0x27f: {  	v20 =	vbroadcast v19, $0x3;
	_ =	sdelay $0x1  }
0x280: {  	v19 =	vsub.f32 $0.0e+00, v19;
	_ =	sdelay $0x1  }
0x281: {  	v19 =	vbroadcast v19, $0x1;
	_ =	sdelay $0x1  }
0x282: {  	[tilespmem:v20+s3+$0x0] =	vst.idx.add.f32.msk $0x1, v19  }
0x283: {  	v19 =	vld [tilespmem:s1+$0x0];
	_ =	sdelay $0x4  }
0x284: {  	(v2sf) =	vpush v19, $0x0;
	_ =	sdelay $0xe  }
0x285: {  	s24 =	spop (v2sf)  }
0x286: {  	p0 =	slt.f32 s24, s0  }
.Ltmp20:
0x287: {  	_ = 	snop;
	(pc) =	sbr.rel @p0 .LBB2_29-.Ltmp20, $2  }
0x288: {  	_ =	sdelay $0x2  }
0x289: {  	s21 =	sadd.s32 $0x1, s21;
	s1 =	sadd.s32 $0x8, s1  }
.LBB2_30:
0x28a: {  	v19 =	vbroadcast v18, $0x5;
	_ =	sdelay $0x1  }
0x28b: {  	v20 =	vbroadcast v18, $0x3;
	v21 =	vadd.s32 v4, v19;
	_ =	sdelay $0x1  }
0x28c: {  	v22 =	vadd.s32 v10, v20;
	_ =	sdelay $0x2  }
0x28d: {  	v21 =	vld.idx.msk [tilespmem:v21+s4+$0x0], $0xffff;
	_ =	sdelay $0x1  }
0x28e: {  	v23 =	vbroadcast v18, $0x4;
	v22 =	vld.idx.msk [tilespmem:v22+s3+$0x0], $0xffff  }
0x28f: {  	v24 =	vbroadcast v18, $0x2  }
0x290: {  	v25 =	vadd.s32 v4, v23  }
0x291: {  	v26 =	vadd.s32 v11, v19;
	v21 =	vmul.f32 v21, v24;
	_ =	sdelay $0x1  }
0x292: {  	v55 =	vadd.s32 v7, v20;
	v21 =	vmul.f32 v21, v22;
	_ =	sdelay $0x1  }
0x293: {  	[tilespmem:v25+s7+$0x0] =	vst.idx.add.f32.msk $0xffff, v21  }
0x294: {  	v21 =	vld.idx.msk [tilespmem:v26+s4+$0x0], $0xffff;
	_ =	sdelay $0x1  }
0x295: {  	v22 =	vld.idx.msk [tilespmem:v55+s3+$0x0], $0xffff;
	_ =	sdelay $0x2  }
0x296: {  	v21 =	vmul.f32 v21, v24  }
0x297: {  	v56 =	vadd.s32 v11, v23  }
0x298: {  	v57 =	vadd.s32 v14, v19;
	v21 =	vmul.f32 v21, v22;
	_ =	sdelay $0x1  }
0x299: {  	v58 =	vadd.s32 v13, v20;
	v21 =	vadd.f32 v12, v21;
	_ =	sdelay $0x1  }
0x29a: {  	(v2sf) =	vpush v18, $0x8;
	[tilespmem:v56+s7+$0x0] =	vst.idx.add.f32.msk $0xffff, v21  }
0x29b: {  	v21 =	vld.idx.msk [tilespmem:v57+s4+$0x0], $0xffff;
	_ =	sdelay $0x1  }
0x29c: {  	v59 =	vld.idx.msk [tilespmem:v58+s3+$0x0], $0xffff;
	_ =	sdelay $0x1  }
0x29d: {  	v60 =	vadd.s32 v14, v23  }
0x29e: {  	v19 =	vadd.s32 v16, v19;
	v21 =	vmul.f32 v21, v24;
	_ =	sdelay $0x1  }
0x29f: {  	v61 =	vadd.s32 v15, v20;
	v21 =	vmul.f32 v21, v59;
	_ =	sdelay $0x1  }
0x2a0: {  	[tilespmem:v60+s7+$0x0] =	vst.idx.add.f32.msk $0xffff, v21  }
0x2a1: {  	v19 =	vld.idx.msk [tilespmem:v19+s4+$0x0], $0xffff;
	_ =	sdelay $0x1  }
0x2a2: {  	v21 =	vld.idx.msk [tilespmem:v61+s3+$0x0], $0xffff;
	_ =	sdelay $0x1  }
0x2a3: {  	s0 =	spop (v2sf)  }
0x2a4: {  	s0 =	sadd.f32 $-1.000000000e+05, s0;
	v19 =	vmul.f32 v19, v24  }
0x2a5: {  	v62 =	vadd.s32 v16, v23  }
0x2a6: {  	p0 =	slt.f32 s24, s0;
	v19 =	vmul.f32 v19, v21  }
.Ltmp21:
0x2a7: {  	_ = 	snop;
	(pc) =	sbr.rel @!p0 .LBB2_33-.Ltmp21, $4  }
0x2a8: {  	v19 =	vadd.f32 v17, v19  }
0x2a9: {  	v63 =	vbroadcast v18, $0x1  }
0x2aa: {  	[tilespmem:v62+s7+$0x0] =	vst.idx.add.f32.msk $0xffff, v19  }
0x2ab: {  	[tilespmem:v20+s3+$0x0] =	vst.idx.add.f32.msk $0x1, v63  }
0x2ac: {  	s1 =	sshll.u32 s21, $0x5  }
0x2ad: {  	s1 =	sshra.s32 s1, $0x2  }
0x2ae: {  	s1 =	sadd.s32 $0x169A8, s1  }
.LBB2_32:
0x2af: {  	v19 =	vld [tilespmem:s1+$0xFFFFFFF8];
	_ =	sdelay $0x4  }
0x2b0: {  	v20 =	vbroadcast v19, $0x3;
	_ =	sdelay $0x1  }
0x2b1: {  	v19 =	vsub.f32 $0.0e+00, v19;
	_ =	sdelay $0x1  }
0x2b2: {  	v19 =	vbroadcast v19, $0x1;
	_ =	sdelay $0x1  }
0x2b3: {  	[tilespmem:v20+s3+$0x0] =	vst.idx.add.f32.msk $0x1, v19  }
0x2b4: {  	v19 =	vld [tilespmem:s1+$0x0];
	_ =	sdelay $0x4  }
0x2b5: {  	(v2sf) =	vpush v19, $0x0;
	_ =	sdelay $0xe  }
0x2b6: {  	s24 =	spop (v2sf)  }
0x2b7: {  	p0 =	slt.f32 s24, s0  }
.Ltmp22:
0x2b8: {  	_ = 	snop;
	(pc) =	sbr.rel @p0 .LBB2_32-.Ltmp22, $2  }
0x2b9: {  	_ =	sdelay $0x2  }
0x2ba: {  	s21 =	sadd.s32 $0x1, s21;
	s1 =	sadd.s32 $0x8, s1  }
.Ltmp23:
0x2bb: {  	_ = 	snop;
	(pc) =	sbr.rel .LBB2_33-.Ltmp23, $1  }
0x2bc: {  	_ =	sdelay $0x3  }
.LBB2_34:
0x2bd: {  	s18 =	simm.s32 $0x0  }
0x2be: {  	v20 =	vld [tilespmem:s18+$0xCBB0]  }
0x2bf: {  	v21 =	vld [tilespmem:s18+$0xCBF0];
	_ =	sdelay $0x3  }
0x2c0: {  	(v2sf) =	vpush v20, $0x1  }
0x2c1: {  	(v2sf) =	vpush v21, $0x1  }
0x2c2: {  	v18 =	vld [tilespmem:s18+$0xFAF0]  }
0x2c3: {  	v19 =	vld [tilespmem:s18+$0xFAB0];
	_ =	sdelay $0x3  }
0x2c4: {  	(v2sf) =	vpush v18, $0x1  }
0x2c5: {  	(v2sf) =	vpush v19, $0x1;
	_ =	sdelay $0x6  }
0x2c6: {  	s0 =	spop (v2sf)  }
0x2c7: {  	s1 =	spop (v2sf)  }
0x2c8: {  	s0 =	sadd.f32 s1, s0;
	_ =	sdelay $0x1  }
0x2c9: {  	s0 =	sadd.f32 $9.999999970e-07, s0;
	_ =	sdelay $0x1  }
0x2ca: {  	v22 =	vmov s0  }
0x2cb: {  	s30 =	spop (v2sf);
	(erf) = vrcp.f32 v22  }
0x2cc: {  	s31 =	spop (v2sf)  }
0x2cd: {  	v27 =	vld [tilespmem:s18+$0xCBE0];
	s0 =	sadd.f32 s30, s31  }
0x2ce: {  	v24 =	vld [tilespmem:s18+$0xCBC0]  }
0x2cf: {  	v29 =	vld [tilespmem:s18+$0xCBD0];
	s0 =	sadd.f32 $9.999999970e-07, s0  }
0x2d0: {  	v23 =	vld [tilespmem:s18+$0xFA90]  }
0x2d1: {  	v25 =	vld [tilespmem:s18+$0xCB80];
	v26 =	vmov s0  }
0x2d2: {  	v30 =	vld [tilespmem:s18+$0xCBA0];
	(erf) = vrcp.f32 v26  }
0x2d3: {  	v22 =	vld [tilespmem:s18+$0xFAC0]  }
0x2d4: {  	s3 =	simm.s32 $0x200;
	v26 =	vld [tilespmem:s18+$0xCB90];
	v28 =	vpop (erf)  }
.LBB2_35:
0x2d5: {  	p0 =	sne.s32 s3, $0xB800;
	v20 =	vmul.f32 v28, v20;
	v21 =	vmul.f32 v28, v21;
	v31 =	vld [tilespmem:s18+$0xFAE0];
	s0 =	smov.u32 s3;
	s3 =	sadd.s32 $0x200, s3  }
0x2d6: {  	v27 =	vmul.f32 v27, v28;
	v32 =	vld [tilespmem:s18+$0xFAA0]  }
0x2d7: {  	v29 =	vmul.f32 v29, v28;
	s0 =	sshra.s32 s0, $0x2;
	[tilespmem:s18+$0xCBB0] =	vst v20;
	v33 =	vld [tilespmem:s18+$0xFA80]  }
0x2d8: {  	v34 =	vmul.f32 v24, v28;
	v20 =	vld [tilespmem:s0+$0xCBB0];
	v30 =	vmul.f32 v28, v30;
	[tilespmem:s18+$0xCBE0] =	vst v27  }
0x2d9: {  	v25 =	vmul.f32 v28, v25;
	v26 =	vmul.f32 v28, v26;
	[tilespmem:s18+$0xCBF0] =	vst v21;
	v27 =	vld [tilespmem:s18+$0xFAD0]  }
0x2da: {  	v21 =	vld [tilespmem:s0+$0xCBF0];
	[tilespmem:s18+$0xCBD0] =	vst v29  }
0x2db: {  	[tilespmem:s18+$0xCBC0] =	vst v34;
	v24 =	vpop (erf)  }
0x2dc: {  	[tilespmem:s18+$0xCBA0] =	vst v30;
	v28 =	vmul.f32 v24, v33;
	v19 =	vmul.f32 v24, v19  }
0x2dd: {  	v18 =	vmul.f32 v24, v18;
	(v2sf) =	vpush v20, $0x1;
	[tilespmem:s18+$0xCB80] =	vst v25;
	v25 =	vmul.f32 v24, v32  }
0x2de: {  	v23 =	vmul.f32 v24, v23;
	v22 =	vmul.f32 v22, v24;
	[tilespmem:s18+$0xFAB0] =	vst v19  }
0x2df: {  	v27 =	vmul.f32 v27, v24;
	v24 =	vmul.f32 v31, v24;
	(v2sf) =	vpush v21, $0x1;
	[tilespmem:s18+$0xFAF0] =	vst v18  }
0x2e0: {  	v18 =	vld [tilespmem:s0+$0xFAF0];
	[tilespmem:s18+$0xCB90] =	vst v26  }
0x2e1: {  	v19 =	vld [tilespmem:s0+$0xFAB0];
	[tilespmem:s18+$0xFAC0] =	vst v22  }
0x2e2: {  	[tilespmem:s18+$0xFA90] =	vst v23  }
0x2e3: {  	[tilespmem:s18+$0xFAA0] =	vst v25  }
0x2e4: {  	[tilespmem:s18+$0xFAD0] =	vst v27  }
0x2e5: {  	(v2sf) =	vpush v18, $0x1;
	[tilespmem:s18+$0xFAE0] =	vst v24  }
0x2e6: {  	(v2sf) =	vpush v19, $0x1;
	[tilespmem:s18+$0xFA80] =	vst v28;
	s18 =	smov.u32 s0;
	_ =	sdelay $0x5  }
0x2e7: {  	s0 =	spop (v2sf);
	_ =	sdelay $0x1  }
0x2e8: {  	s1 =	spop (v2sf)  }
0x2e9: {  	s0 =	sadd.f32 s1, s0;
	_ =	sdelay $0x1  }
0x2ea: {  	s0 =	sadd.f32 $9.999999970e-07, s0;
	_ =	sdelay $0x1  }
0x2eb: {  	v22 =	vmov s0  }
0x2ec: {  	(erf) = vrcp.f32 v22;
	s0 =	spop (v2sf)  }
0x2ed: {  	s1 =	spop (v2sf)  }
0x2ee: {  	v27 =	vld [tilespmem:s18+$0xCBE0];
	s0 =	sadd.f32 s0, s1  }
0x2ef: {  	v22 =	vld [tilespmem:s18+$0xFAC0]  }
0x2f0: {  	v24 =	vld [tilespmem:s18+$0xCBC0];
	s0 =	sadd.f32 $9.999999970e-07, s0  }
.Ltmp24:
0x2f1: {  	v29 =	vld [tilespmem:s18+$0xCBD0];
	(pc) =	sbr.rel @p0 .LBB2_35-.Ltmp24, $4  }
0x2f2: {  	v26 =	vmov s0;
	v23 =	vld [tilespmem:s18+$0xFA90]  }
0x2f3: {  	v25 =	vld [tilespmem:s18+$0xCB80];
	(erf) = vrcp.f32 v26  }
0x2f4: {  	v30 =	vld [tilespmem:s18+$0xCBA0]  }
0x2f5: {  	v26 =	vld [tilespmem:s18+$0xCB90];
	v28 =	vpop (erf)  }
0x2f6: {  	v20 =	vmul.f32 v28, v20  }
0x2f7: {  	v27 =	vmul.f32 v27, v28  }
0x2f8: {  	v55 =	vmul.f32 v28, v21;
	[tilespmem:s18+$0xCBB0] =	vst v20  }
0x2f9: {  	v57 =	vmul.f32 v29, v28;
	[tilespmem:s18+$0xCBE0] =	vst v27  }
0x2fa: {  	v58 =	vmul.f32 v24, v28;
	[tilespmem:s18+$0xCBF0] =	vst v55  }
0x2fb: {  	v32 =	vld [tilespmem:s18+$0xFAA0];
	[tilespmem:s18+$0xCBD0] =	vst v57;
	v25 =	vmul.f32 v28, v25  }
0x2fc: {  	v56 =	vld [tilespmem:s18+$0xFA80];
	[tilespmem:s18+$0xCBC0] =	vst v58;
	v60 =	vmul.f32 v28, v30  }
0x2fd: {  	[tilespmem:s18+$0xCB80] =	vst v25;
	v62 =	vmul.f32 v28, v26;
	v61 =	vpop (erf)  }
0x2fe: {  	[tilespmem:s18+$0xCBA0] =	vst v60;
	v19 =	vmul.f32 v61, v19  }
0x2ff: {  	v59 =	vld [tilespmem:s18+$0xFAD0];
	[tilespmem:s18+$0xCB90] =	vst v62;
	v18 =	vmul.f32 v61, v18  }
0x300: {  	v31 =	vld [tilespmem:s18+$0xFAE0];
	v63 =	vmul.f32 v61, v32;
	[tilespmem:s18+$0xFAB0] =	vst v19  }
0x301: {  	v20 =	vmul.f32 v61, v56;
	[tilespmem:s18+$0xFAF0] =	vst v18  }
0x302: {  	v19 =	vmul.f32 v22, v61;
	[tilespmem:s18+$0xFAA0] =	vst v63  }
0x303: {  	v18 =	vmul.f32 v61, v23;
	[tilespmem:s18+$0xFA80] =	vst v20  }
0x304: {  	[tilespmem:s18+$0xFAC0] =	vst v19;
	v19 =	vmul.f32 v59, v61  }
0x305: {  	[tilespmem:s18+$0xFA90] =	vst v18;
	v18 =	vmul.f32 v31, v61  }
0x306: {  	[tilespmem:s18+$0xFAD0] =	vst v19  }
0x307: {  	s0 =	rddreg [dreg:$0x5];
	s1 =	simm.s32 $0x1;
	[tilespmem:s18+$0xFAE0] =	vst v18  }
0x308: {  	[hbm4b:s0+s6] =	stream.linear.scatter [tilespmem:s5], [sflag:$0x1], $0x2E80, $0x38;
	[tilespmem:$0x1AA00] =	vst v63  }
0x309: {  	_ =	swait.ge [sflag:s1], $0x2E80  }
0x30a: {  	[sflag:s1] =	ssyncset.done $0x0  }
0x30b: {  	s30 =	rddreg [dreg:$0x7];
	[sflag:s1] =	ssyncadd.s32 $0xFFFFD180  }
0x30c: {  	[hbm4b:s30+s6] =	stream.linear.scatter [tilespmem:s7], [sflag:$0x1], $0x2E80, $0x38;
	[tilespmem:$0x1AA00] =	vst v63  }
0x30d: {  	_ =	swait.ge [sflag:s1], $0x2E80  }
0x30e: {  	s2 =	rddreg [dreg:$0x9]  }
0x30f: {  	s31 =	rddreg [dreg:$0x8];
	s2 =	sadd.s32 $0x1, s2  }
0x310: {  	p0 =	sne.s32 s2, s31  }
.Ltmp25:
0x311: {  	_ = 	snop;
	(pc) =	sbr.rel @p0 .LBB2_1-.Ltmp25, $3  }
0x312: {  	_ =	sdelay $0x1  }
0x313: {  	[sflag:s1] =	ssyncset.done $0x0  }
0x314: {  	[sflag:s1] =	ssyncadd.s32 $0xFFFFD180  }
0x315: {  	_ =	sfence.sel $0x180000  }
0x316: {  	[bflag:$0x0] =	sbarrier.arrive $0xFFFF  }
0x317: {  	_ =	strace $0x90000047  }
0x318: {  	s0 =	stileid.u32;
	[bflag:$0x2] =	sbarrier.arrive $0xFFFF  }
0x319: {  	p0 =	sne.s32 s0, $0x0;
	s0 =	rddreg [dreg:$0x4]  }
0x31a: {  	s0 =	sadd.s32 @!p0 $0x100000, s0  }
0x31b: {  	[sflag:s0] =	ssyncadd.tile.s32 @!p0 $0x1;
	_ =	shalt  }
.Lfunc_end2:
_tile_overlayer_lowered:
.L_overlay_start_2:
0x31c: {  	(tag) =	ssettag $0x2  }
0x31d: {  	s0 =	rddreg [dreg:$0x0];
	s2 =	stileid.u32  }
0x31e: {  	s1 =	rddreg [dreg:$0x1];
	p0 =	sne.s32 s2, $0x0  }
0x31f: {  	s3 =	rddreg [dreg:$0x2];
	[bflag:$0x3] =	sbarrier.arrive $0xFFFF;
	s2 =	simm.s32 @!p0 $0x1C01  }
0x320: {  	[timem:s3], [sflag:s2] =	dma.local @!p0 [hbm:s0], s1  }
0x321: {  	s0 =	simm.s32 @!p0 $0x1  }
0x322: {  	_ =	swait.ge @!p0 [sflag:s0], s1  }
0x323: {  	s1 =	ssub.s32 @!p0 $0x0, s1;
	[sflag:s0] =	ssyncset.done @!p0 $0x0  }
0x324: {  	[sflag:s0] =	ssyncadd.s32 @!p0 s1  }
0x325: {  	[bflag:$0x3] =	sbarrier.arrive $0xFFFF  }
0x326: {  	_ =	shalt  }

</sc_bundles>
